<compile_context>
chip_gen: v7x
topology: tpu7x:2x2x1
jax: 0.10.2.dev20260603
libtpu: 0.0.44.dev20260713+nightly
codegen_flags: <defaults>
</compile_context>

<pallas_src>
import functools

import jax
import jax.numpy as jnp
from jax import lax
from jax.experimental import pallas as pl
from jax.experimental.pallas import tpu as pltpu
from jax.experimental.pallas import tpu_sc as plsc

_N0 = 576
_N = _N0 * _N0
_H = 32
_ROWS = 2209
_RPAD = 2304
_NC, _NS, _L = 2, 16, 16
_HG = 8
_NQ = 8
_QROWS = _N0 // _NQ
_R = 8
_NSUB = _QROWS // _R
_NV = _N0 // _L


def _make_kernel():
    mesh = plsc.VectorSubcoreMesh(core_axis_name="c", subcore_axis_name="s")

    @functools.partial(
        pl.kernel,
        mesh=mesh,
        out_type=jax.ShapeDtypeStruct((_H * _N0, _N0), jnp.float32),
        scratch_types=[
            pltpu.VMEM((_HG * _RPAD,), jnp.float32),
            pltpu.VMEM((2, _R, _N0), jnp.int32),
            pltpu.VMEM((2, _HG, _R, _N0), jnp.float32),
            pltpu.SemaphoreType.DMA,
            pltpu.SemaphoreType.DMA,
            pltpu.SemaphoreType.DMA,
            pltpu.SemaphoreType.DMA,
            pltpu.SemaphoreType.DMA,
        ],
        compiler_params=pltpu.CompilerParams(
            use_tc_tiling_on_sc=True, needs_layout_passes=False
        ),
    )
    def k(table_hbm, idx_hbm, out_hbm, trows_v, idx_v, out_v,
          sem_t, sem_i0, sem_i1, sem_o0, sem_o1):
        wid = lax.axis_index("s") * _NC + lax.axis_index("c")
        hblk = wid % (_H // _HG)
        quar = wid // (_H // _HG)
        sem_i = (sem_i0, sem_i1)
        sem_o = (sem_o0, sem_o1)

        cp_t = pltpu.make_async_copy(
            table_hbm.at[pl.ds(hblk * _HG * _RPAD, _HG * _RPAD)], trows_v, sem_t
        )
        cp_t.start()

        idx_row0 = quar * _QROWS

        def start_idx(s, buf):
            pltpu.make_async_copy(
                idx_hbm.at[pl.ds(idx_row0 + s * _R, _R), :],
                idx_v.at[buf],
                sem_i[buf],
            ).start()

        def wait_idx(buf):
            pltpu.make_async_copy(
                idx_hbm.at[pl.ds(0, _R), :], idx_v.at[buf], sem_i[buf]
            ).wait()

        def wait_out(buf):
            for hl in range(_HG):
                pltpu.make_async_copy(
                    out_v.at[buf, hl], out_hbm.at[pl.ds(0, _R), :], sem_o[buf]
                ).wait()

        start_idx(0, 0)
        cp_t.wait()

        def gather_round(s, buf):
            @pl.when(s < _NSUB - 1)
            def _():
                start_idx(s + 1, 1 - buf)

            wait_idx(buf)

            @pl.when(s >= 2)
            def _():
                wait_out(buf)

            @plsc.parallel_loop(0, _R)
            def _(r):
                @plsc.parallel_loop(0, _NV, unroll=2)
                def _(c):
                    iv = idx_v[buf, r, pl.ds(c * _L, _L)]
                    for hl in range(_HG):
                        out_v[buf, hl, r, pl.ds(c * _L, _L)] = plsc.load_gather(
                            trows_v, [iv + hl * _RPAD]
                        )

            for hl in range(_HG):
                row0 = (hblk * _HG + hl) * _N0 + quar * _QROWS + s * _R
                pltpu.make_async_copy(
                    out_v.at[buf, hl],
                    out_hbm.at[pl.ds(row0, _R), :],
                    sem_o[buf],
                ).start()

        def body(s, carry):
            @pl.when(s % 2 == 0)
            def _():
                gather_round(s, 0)

            @pl.when(s % 2 == 1)
            def _():
                gather_round(s, 1)

            return carry

        lax.fori_loop(0, _NSUB, body, 0)
        wait_out(0)
        wait_out(1)

    return k


_gather_kernel = _make_kernel()


def kernel(relative_position_bias_table, relative_position_index):
    table_rows = jnp.pad(
        relative_position_bias_table.T, ((0, 0), (0, _RPAD - _ROWS))
    )
    table_flat = table_rows.reshape(-1)
    idx2d = relative_position_index.astype(jnp.int32)
    out = _gather_kernel(table_flat, idx2d)
    n0, n1 = relative_position_index.shape
    return out.reshape(_H, n0, n1)

# --- scband reference (transcript-rebuilt; emitter-appended) ---
"""Pipeline reference for scband-relative-position-bias-41875931136530 (READ-ONLY COPY).

The authoritative reference and input builder live on the scoring server;
editing this copy changes nothing except your own understanding.
"""

import jax, jax.numpy as jnp
import numpy as np

WINDOW = (24, 24)
NUM_HEADS = 32


def _relative_position_index():
    coords = np.stack(np.meshgrid(np.arange(WINDOW[0]), np.arange(WINDOW[1]), indexing='ij'))
    coords_flatten = coords.reshape(2, -1)
    rel = coords_flatten[:, :, None] - coords_flatten[:, None, :]
    rel = rel.transpose(1, 2, 0).copy()
    rel[:, :, 0] += WINDOW[0] - 1
    rel[:, :, 1] += WINDOW[1] - 1
    idx = rel[:, :, 0] * (2 * WINDOW[1] - 1) + rel[:, :, 1]
    return idx.astype(np.int64)


def setup_inputs(seed: int = 0) -> dict:
    key = jax.random.key(seed)
    num_rel = (2 * WINDOW[0] - 1) * (2 * WINDOW[1] - 1)
    table = jax.random.normal(key, (num_rel, NUM_HEADS), dtype=jnp.float32) * 0.02
    rel_idx = jnp.asarray(_relative_position_index())
    return {"relative_position_bias_table": table, "relative_position_index": rel_idx}


def reference(relative_position_bias_table, relative_position_index):
    N0 = relative_position_index.shape[0]
    N1 = relative_position_index.shape[1]
    flat_idx = relative_position_index.reshape(-1)
    bias = jnp.take(relative_position_bias_table, flat_idx, axis=0)
    bias = bias.reshape(N0, N1, -1)
    return jnp.transpose(bias, (2, 0, 1))

if __name__ == "__main__":
    import jax
    _d = setup_inputs()
    print(jax.jit(kernel)(*tuple(_d.values())))

</pallas_src>

<mosaic_0001>
#map = affine_map<(d0, d1) -> (0)>
#map1 = affine_map<(d0, d1) -> (0, 0)>
module attributes {stable_mosaic.version = 14 : i64} {
  func.func @k(%arg0: i32, %arg1: i32, %arg2: memref<73728xf32, #tpu.memory_space<hbm>>, %arg3: memref<576x576xi32, #tpu.memory_space<hbm>>, %arg4: memref<18432x576xf32, #tpu.memory_space<hbm>>, %arg5: memref<18432xf32, #tpu.memory_space<vmem>>, %arg6: memref<2x8x576xi32, #tpu.memory_space<vmem>>, %arg7: memref<2x8x8x576xf32, #tpu.memory_space<vmem>>, %arg8: memref<!tpu.dma_semaphore, #tpu.memory_space<semaphore_mem>>, %arg9: memref<!tpu.dma_semaphore, #tpu.memory_space<semaphore_mem>>, %arg10: memref<!tpu.dma_semaphore, #tpu.memory_space<semaphore_mem>>, %arg11: memref<!tpu.dma_semaphore, #tpu.memory_space<semaphore_mem>>, %arg12: memref<!tpu.dma_semaphore, #tpu.memory_space<semaphore_mem>>) attributes {dimension_semantics = [#tpu.dimension_semantics<core_parallel>, #tpu.dimension_semantics<subcore_parallel>], iteration_bounds = array<i64: 2, 16>, scalar_prefetch = 0 : i64, scratch_operands = 8 : i64, tpu.core_type = #tpu.core_type<sc_vector_subcore>, window_params = [{transform_indices = #map}, {transform_indices = #map1}, {transform_indices = #map1}]} {
    %mul3A = arith.constant 2 : i32
    %mul3A_0 = arith.muli %arg1, %mul3A : i32
    %add3A = arith.addi %mul3A_0, %arg0 : i32
    %jit3A = arith.constant 4 : i32
    %eq3A = arith.constant 0 : i32
    %eq3A_1 = arith.cmpi eq, %jit3A, %eq3A : i32
    %jit3A_2 = arith.constant 1 : i32
    %select_n3A = arith.select %eq3A_1, %jit3A_2, %jit3A : i32
    %rem3A = arith.remsi %add3A, %select_n3A : i32
    %ne3A = arith.constant 0 : i32
    %ne3A_3 = arith.cmpi ne, %rem3A, %ne3A : i32
    %lt3A = arith.constant 0 : i32
    %lt3A_4 = arith.cmpi slt, %rem3A, %lt3A : i32
    %lt3A_5 = arith.constant 0 : i32
    %lt3A_6 = arith.cmpi slt, %select_n3A, %lt3A_5 : i32
    %ne3A_7 = arith.xori %lt3A_4, %lt3A_6 : i1
    %and3A = arith.andi %ne3A_7, %ne3A_3 : i1
    %add3A_8 = arith.addi %rem3A, %select_n3A : i32
    %select_n3A_9 = arith.select %and3A, %add3A_8, %rem3A : i32
    %jit3A_10 = arith.constant 4 : i32
    %div3A = arith.divsi %add3A, %jit3A_10 : i32
    %sign3A = arith.constant 0 : i32
    %sign3A_11 = arith.cmpi sgt, %add3A, %sign3A : i32
    %sign3A_12 = arith.extui %sign3A_11 : i1 to i32
    %sign3A_13 = arith.constant 0 : i32
    %sign3A_14 = arith.cmpi slt, %add3A, %sign3A_13 : i32
    %sign3A_15 = arith.extui %sign3A_14 : i1 to i32
    %sign3A_16 = arith.subi %sign3A_12, %sign3A_15 : i32
    %sign3A_17 = arith.constant 0 : i32
    %sign3A_18 = arith.cmpi sgt, %jit3A_10, %sign3A_17 : i32
    %sign3A_19 = arith.extui %sign3A_18 : i1 to i32
    %sign3A_20 = arith.constant 0 : i32
    %sign3A_21 = arith.cmpi slt, %jit3A_10, %sign3A_20 : i32
    %sign3A_22 = arith.extui %sign3A_21 : i1 to i32
    %sign3A_23 = arith.subi %sign3A_19, %sign3A_22 : i32
    %ne3A_24 = arith.cmpi ne, %sign3A_16, %sign3A_23 : i32
    %rem3A_25 = arith.remsi %add3A, %jit3A_10 : i32
    %ne3A_26 = arith.constant 0 : i32
    %ne3A_27 = arith.cmpi ne, %rem3A_25, %ne3A_26 : i32
    %and3A_28 = arith.andi %ne3A_24, %ne3A_27 : i1
    %sub3A = arith.constant 1 : i32
    %sub3A_29 = arith.subi %div3A, %sub3A : i32
    %select_n3A_30 = arith.select %and3A_28, %sub3A_29, %div3A : i32
    %mul3A_31 = arith.constant 8 : i32
    %mul3A_32 = arith.muli %select_n3A_9, %mul3A_31 : i32
    %mul3A_33 = arith.constant 2304 : i32
    %mul3A_34 = arith.muli %mul3A_32, %mul3A_33 : i32
    %dma_start3A = tpu.memref_slice %arg2[%mul3A_34] : memref<73728xf32, #tpu.memory_space<hbm>> -> memref<18432xf32, #tpu.memory_space<hbm>>
    %dma_start3A_35 = tpu.memref_slice %arg2[%mul3A_34] : memref<73728xf32, #tpu.memory_space<hbm>> -> memref<18432xf32, #tpu.memory_space<hbm>>
    tpu.enqueue_dma source(%dma_start3A_35 : memref<18432xf32, #tpu.memory_space<hbm>>) target(%arg5 : memref<18432xf32, #tpu.memory_space<vmem>>) target_semaphore(%arg8 : memref<!tpu.dma_semaphore, #tpu.memory_space<semaphore_mem>>)
    %mul3A_36 = arith.constant 72 : i32
    %mul3A_37 = arith.muli %select_n3A_30, %mul3A_36 : i32
    %add3A_38 = arith.constant 0 : i32
    %add3A_39 = arith.addi %mul3A_37, %add3A_38 : i32
    %dma_start3A_40 = arith.constant 0 : i32
    %dma_start3A_41 = arith.constant 0 : i32
    %dma_start3A_42 = arith.constant 0 : i32
    %dma_start3A_43 = tpu.memref_slice %arg6[%dma_start3A_40, %dma_start3A_41, %dma_start3A_42] : memref<2x8x576xi32, #tpu.memory_space<vmem>> -> memref<1x8x576xi32, #tpu.memory_space<vmem>>
    %dma_start3A_44 = tpu.memref_squeeze %dma_start3A_43 : memref<1x8x576xi32, #tpu.memory_space<vmem>> -> memref<8x576xi32, #tpu.memory_space<vmem>>
    %dma_start3A_45 = arith.constant 0 : i32
    %dma_start3A_46 = tpu.memref_slice %arg3[%add3A_39, %dma_start3A_45] : memref<576x576xi32, #tpu.memory_space<hbm>> -> memref<8x576xi32, #tpu.memory_space<hbm>>
    %dma_start3A_47 = arith.constant 0 : i32
    %dma_start3A_48 = arith.constant 0 : i32
    %dma_start3A_49 = tpu.memref_slice %arg6[%dma_start3A_40, %dma_start3A_47, %dma_start3A_48] : memref<2x8x576xi32, #tpu.memory_space<vmem>> -> memref<1x8x576xi32, #tpu.memory_space<vmem>>
    %dma_start3A_50 = tpu.memref_squeeze %dma_start3A_49 : memref<1x8x576xi32, #tpu.memory_space<vmem>> -> memref<8x576xi32, #tpu.memory_space<vmem>>
    %dma_start3A_51 = arith.constant 0 : i32
    %dma_start3A_52 = tpu.memref_slice %arg3[%add3A_39, %dma_start3A_51] : memref<576x576xi32, #tpu.memory_space<hbm>> -> memref<8x576xi32, #tpu.memory_space<hbm>>
    tpu.enqueue_dma source(%dma_start3A_52 : memref<8x576xi32, #tpu.memory_space<hbm>>) target(%dma_start3A_50 : memref<8x576xi32, #tpu.memory_space<vmem>>) target_semaphore(%arg9 : memref<!tpu.dma_semaphore, #tpu.memory_space<semaphore_mem>>)
    %dma_wait3A = tpu.memref_slice %arg2[%mul3A_34] : memref<73728xf32, #tpu.memory_space<hbm>> -> memref<18432xf32, #tpu.memory_space<hbm>>
    %dma_wait3A_53 = tpu.memref_slice %arg2[%mul3A_34] : memref<73728xf32, #tpu.memory_space<hbm>> -> memref<18432xf32, #tpu.memory_space<hbm>>
    tpu.wait_dma2 semaphore(%arg8 : memref<!tpu.dma_semaphore, #tpu.memory_space<semaphore_mem>>) src(%dma_wait3A_53 : memref<18432xf32, #tpu.memory_space<hbm>>) dst(%arg5 : memref<18432xf32, #tpu.memory_space<vmem>>)
    %scan3A = arith.constant 0 : i32
    %scan3A_54 = arith.constant 0 : i32
    %scan3A_55 = arith.constant 9 : i32
    %scan3A_56 = arith.addi %scan3A_54, %scan3A_55 : i32
    %scan3A_57 = arith.constant 1 : i32
    scf.for %scan3A_315 = %scan3A_54 to %scan3A_56 step %scan3A_57  : i32 {
      %jit3A_316 = arith.constant 2 : i32
      %eq3A_317 = arith.constant 0 : i32
      %eq3A_318 = arith.cmpi eq, %jit3A_316, %eq3A_317 : i32
      %jit3A_319 = arith.constant 1 : i32
      %select_n3A_320 = arith.select %eq3A_318, %jit3A_319, %jit3A_316 : i32
      %rem3A_321 = arith.remsi %scan3A_315, %select_n3A_320 : i32
      %ne3A_322 = arith.constant 0 : i32
      %ne3A_323 = arith.cmpi ne, %rem3A_321, %ne3A_322 : i32
      %lt3A_324 = arith.constant 0 : i32
      %lt3A_325 = arith.cmpi slt, %rem3A_321, %lt3A_324 : i32
      %lt3A_326 = arith.constant 0 : i32
      %lt3A_327 = arith.cmpi slt, %select_n3A_320, %lt3A_326 : i32
      %ne3A_328 = arith.xori %lt3A_325, %lt3A_327 : i1
      %and3A_329 = arith.andi %ne3A_328, %ne3A_323 : i1
      %add3A_330 = arith.addi %rem3A_321, %select_n3A_320 : i32
      %select_n3A_331 = arith.select %and3A_329, %add3A_330, %rem3A_321 : i32
      %eq3A_332 = arith.constant 0 : i32
      %eq3A_333 = arith.cmpi eq, %select_n3A_331, %eq3A_332 : i32
      %convert_element_type3A = arith.extui %eq3A_333 : i1 to i32
      %cond3A = arith.constant 0 : i32
      %cond3A_334 = arith.cmpi ne, %convert_element_type3A, %cond3A : i32
      scf.if %cond3A_334 {
        %lt3A_356 = arith.constant 8 : i32
        %lt3A_357 = arith.cmpi slt, %scan3A_315, %lt3A_356 : i32
        %convert_element_type3A_358 = arith.extui %lt3A_357 : i1 to i32
        %cond3A_359 = arith.constant 0 : i32
        %cond3A_360 = arith.cmpi ne, %convert_element_type3A_358, %cond3A_359 : i32
        scf.if %cond3A_360 {
          %add3A_590 = arith.constant 1 : i32
          %add3A_591 = arith.addi %scan3A_315, %add3A_590 : i32
          %mul3A_592 = arith.constant 8 : i32
          %mul3A_593 = arith.muli %add3A_591, %mul3A_592 : i32
          %add3A_594 = arith.addi %mul3A_37, %mul3A_593 : i32
          %dma_start3A_595 = arith.constant 1 : i32
          %dma_start3A_596 = arith.constant 0 : i32
          %dma_start3A_597 = arith.constant 0 : i32
          %dma_start3A_598 = tpu.memref_slice %arg6[%dma_start3A_595, %dma_start3A_596, %dma_start3A_597] : memref<2x8x576xi32, #tpu.memory_space<vmem>> -> memref<1x8x576xi32, #tpu.memory_space<vmem>>
          %dma_start3A_599 = tpu.memref_squeeze %dma_start3A_598 : memref<1x8x576xi32, #tpu.memory_space<vmem>> -> memref<8x576xi32, #tpu.memory_space<vmem>>
          %dma_start3A_600 = arith.constant 0 : i32
          %dma_start3A_601 = tpu.memref_slice %arg3[%add3A_594, %dma_start3A_600] : memref<576x576xi32, #tpu.memory_space<hbm>> -> memref<8x576xi32, #tpu.memory_space<hbm>>
          %dma_start3A_602 = arith.constant 0 : i32
          %dma_start3A_603 = arith.constant 0 : i32
          %dma_start3A_604 = tpu.memref_slice %arg6[%dma_start3A_595, %dma_start3A_602, %dma_start3A_603] : memref<2x8x576xi32, #tpu.memory_space<vmem>> -> memref<1x8x576xi32, #tpu.memory_space<vmem>>
          %dma_start3A_605 = tpu.memref_squeeze %dma_start3A_604 : memref<1x8x576xi32, #tpu.memory_space<vmem>> -> memref<8x576xi32, #tpu.memory_space<vmem>>
          %dma_start3A_606 = arith.constant 0 : i32
          %dma_start3A_607 = tpu.memref_slice %arg3[%add3A_594, %dma_start3A_606] : memref<576x576xi32, #tpu.memory_space<hbm>> -> memref<8x576xi32, #tpu.memory_space<hbm>>
          tpu.enqueue_dma source(%dma_start3A_607 : memref<8x576xi32, #tpu.memory_space<hbm>>) target(%dma_start3A_605 : memref<8x576xi32, #tpu.memory_space<vmem>>) target_semaphore(%arg10 : memref<!tpu.dma_semaphore, #tpu.memory_space<semaphore_mem>>)
        } else {
        }
        %dma_wait3A_361 = arith.constant 0 : i32
        %dma_wait3A_362 = arith.constant 0 : i32
        %dma_wait3A_363 = arith.constant 0 : i32
        %dma_wait3A_364 = tpu.memref_slice %arg6[%dma_wait3A_361, %dma_wait3A_362, %dma_wait3A_363] : memref<2x8x576xi32, #tpu.memory_space<vmem>> -> memref<1x8x576xi32, #tpu.memory_space<vmem>>
        %dma_wait3A_365 = tpu.memref_squeeze %dma_wait3A_364 : memref<1x8x576xi32, #tpu.memory_space<vmem>> -> memref<8x576xi32, #tpu.memory_space<vmem>>
        %dma_wait3A_366 = arith.constant 0 : i32
        %dma_wait3A_367 = arith.constant 0 : i32
        %dma_wait3A_368 = tpu.memref_slice %arg3[%dma_wait3A_366, %dma_wait3A_367] : memref<576x576xi32, #tpu.memory_space<hbm>> -> memref<8x576xi32, #tpu.memory_space<hbm>>
        %dma_wait3A_369 = arith.constant 0 : i32
        %dma_wait3A_370 = arith.constant 0 : i32
        %dma_wait3A_371 = tpu.memref_slice %arg6[%dma_wait3A_361, %dma_wait3A_369, %dma_wait3A_370] : memref<2x8x576xi32, #tpu.memory_space<vmem>> -> memref<1x8x576xi32, #tpu.memory_space<vmem>>
        %dma_wait3A_372 = tpu.memref_squeeze %dma_wait3A_371 : memref<1x8x576xi32, #tpu.memory_space<vmem>> -> memref<8x576xi32, #tpu.memory_space<vmem>>
        %dma_wait3A_373 = arith.constant 0 : i32
        %dma_wait3A_374 = arith.constant 0 : i32
        %dma_wait3A_375 = tpu.memref_slice %arg3[%dma_wait3A_373, %dma_wait3A_374] : memref<576x576xi32, #tpu.memory_space<hbm>> -> memref<8x576xi32, #tpu.memory_space<hbm>>
        tpu.wait_dma2 semaphore(%arg9 : memref<!tpu.dma_semaphore, #tpu.memory_space<semaphore_mem>>) src(%dma_wait3A_375 : memref<8x576xi32, #tpu.memory_space<hbm>>) dst(%dma_wait3A_372 : memref<8x576xi32, #tpu.memory_space<vmem>>)
        %ge3A = arith.constant 2 : i32
        %ge3A_376 = arith.cmpi sge, %scan3A_315, %ge3A : i32
        %convert_element_type3A_377 = arith.extui %ge3A_376 : i1 to i32
        %cond3A_378 = arith.constant 0 : i32
        %cond3A_379 = arith.cmpi ne, %convert_element_type3A_377, %cond3A_378 : i32
        scf.if %cond3A_379 {
          %dma_wait3A_590 = arith.constant 0 : i32
          %dma_wait3A_591 = arith.constant 0 : i32
          %dma_wait3A_592 = arith.constant 0 : i32
          %dma_wait3A_593 = arith.constant 0 : i32
          %dma_wait3A_594 = tpu.memref_slice %arg7[%dma_wait3A_590, %dma_wait3A_591, %dma_wait3A_592, %dma_wait3A_593] : memref<2x8x8x576xf32, #tpu.memory_space<vmem>> -> memref<1x1x8x576xf32, #tpu.memory_space<vmem>>
          %dma_wait3A_595 = tpu.memref_squeeze %dma_wait3A_594 : memref<1x1x8x576xf32, #tpu.memory_space<vmem>> -> memref<8x576xf32, #tpu.memory_space<vmem>>
          %dma_wait3A_596 = arith.constant 0 : i32
          %dma_wait3A_597 = arith.constant 0 : i32
          %dma_wait3A_598 = tpu.memref_slice %arg4[%dma_wait3A_596, %dma_wait3A_597] : memref<18432x576xf32, #tpu.memory_space<hbm>> -> memref<8x576xf32, #tpu.memory_space<hbm>>
          %dma_wait3A_599 = arith.constant 0 : i32
          %dma_wait3A_600 = arith.constant 0 : i32
          %dma_wait3A_601 = tpu.memref_slice %arg4[%dma_wait3A_599, %dma_wait3A_600] : memref<18432x576xf32, #tpu.memory_space<hbm>> -> memref<8x576xf32, #tpu.memory_space<hbm>>
          %dma_wait3A_602 = arith.constant 0 : i32
          %dma_wait3A_603 = arith.constant 0 : i32
          %dma_wait3A_604 = tpu.memref_slice %arg7[%dma_wait3A_590, %dma_wait3A_591, %dma_wait3A_602, %dma_wait3A_603] : memref<2x8x8x576xf32, #tpu.memory_space<vmem>> -> memref<1x1x8x576xf32, #tpu.memory_space<vmem>>
          %dma_wait3A_605 = tpu.memref_squeeze %dma_wait3A_604 : memref<1x1x8x576xf32, #tpu.memory_space<vmem>> -> memref<8x576xf32, #tpu.memory_space<vmem>>
          tpu.wait_dma2 semaphore(%arg11 : memref<!tpu.dma_semaphore, #tpu.memory_space<semaphore_mem>>) src(%dma_wait3A_605 : memref<8x576xf32, #tpu.memory_space<vmem>>) dst(%dma_wait3A_601 : memref<8x576xf32, #tpu.memory_space<hbm>>)
          %dma_wait3A_606 = arith.constant 0 : i32
          %dma_wait3A_607 = arith.constant 1 : i32
          %dma_wait3A_608 = arith.constant 0 : i32
          %dma_wait3A_609 = arith.constant 0 : i32
          %dma_wait3A_610 = tpu.memref_slice %arg7[%dma_wait3A_606, %dma_wait3A_607, %dma_wait3A_608, %dma_wait3A_609] : memref<2x8x8x576xf32, #tpu.memory_space<vmem>> -> memref<1x1x8x576xf32, #tpu.memory_space<vmem>>
          %dma_wait3A_611 = tpu.memref_squeeze %dma_wait3A_610 : memref<1x1x8x576xf32, #tpu.memory_space<vmem>> -> memref<8x576xf32, #tpu.memory_space<vmem>>
          %dma_wait3A_612 = arith.constant 0 : i32
          %dma_wait3A_613 = arith.constant 0 : i32
          %dma_wait3A_614 = tpu.memref_slice %arg4[%dma_wait3A_612, %dma_wait3A_613] : memref<18432x576xf32, #tpu.memory_space<hbm>> -> memref<8x576xf32, #tpu.memory_space<hbm>>
          %dma_wait3A_615 = arith.constant 0 : i32
          %dma_wait3A_616 = arith.constant 0 : i32
          %dma_wait3A_617 = tpu.memref_slice %arg4[%dma_wait3A_615, %dma_wait3A_616] : memref<18432x576xf32, #tpu.memory_space<hbm>> -> memref<8x576xf32, #tpu.memory_space<hbm>>
          %dma_wait3A_618 = arith.constant 0 : i32
          %dma_wait3A_619 = arith.constant 0 : i32
          %dma_wait3A_620 = tpu.memref_slice %arg7[%dma_wait3A_606, %dma_wait3A_607, %dma_wait3A_618, %dma_wait3A_619] : memref<2x8x8x576xf32, #tpu.memory_space<vmem>> -> memref<1x1x8x576xf32, #tpu.memory_space<vmem>>
          %dma_wait3A_621 = tpu.memref_squeeze %dma_wait3A_620 : memref<1x1x8x576xf32, #tpu.memory_space<vmem>> -> memref<8x576xf32, #tpu.memory_space<vmem>>
          tpu.wait_dma2 semaphore(%arg11 : memref<!tpu.dma_semaphore, #tpu.memory_space<semaphore_mem>>) src(%dma_wait3A_621 : memref<8x576xf32, #tpu.memory_space<vmem>>) dst(%dma_wait3A_617 : memref<8x576xf32, #tpu.memory_space<hbm>>)
          %dma_wait3A_622 = arith.constant 0 : i32
          %dma_wait3A_623 = arith.constant 2 : i32
          %dma_wait3A_624 = arith.constant 0 : i32
          %dma_wait3A_625 = arith.constant 0 : i32
          %dma_wait3A_626 = tpu.memref_slice %arg7[%dma_wait3A_622, %dma_wait3A_623, %dma_wait3A_624, %dma_wait3A_625] : memref<2x8x8x576xf32, #tpu.memory_space<vmem>> -> memref<1x1x8x576xf32, #tpu.memory_space<vmem>>
          %dma_wait3A_627 = tpu.memref_squeeze %dma_wait3A_626 : memref<1x1x8x576xf32, #tpu.memory_space<vmem>> -> memref<8x576xf32, #tpu.memory_space<vmem>>
          %dma_wait3A_628 = arith.constant 0 : i32
          %dma_wait3A_629 = arith.constant 0 : i32
          %dma_wait3A_630 = tpu.memref_slice %arg4[%dma_wait3A_628, %dma_wait3A_629] : memref<18432x576xf32, #tpu.memory_space<hbm>> -> memref<8x576xf32, #tpu.memory_space<hbm>>
          %dma_wait3A_631 = arith.constant 0 : i32
          %dma_wait3A_632 = arith.constant 0 : i32
          %dma_wait3A_633 = tpu.memref_slice %arg4[%dma_wait3A_631, %dma_wait3A_632] : memref<18432x576xf32, #tpu.memory_space<hbm>> -> memref<8x576xf32, #tpu.memory_space<hbm>>
          %dma_wait3A_634 = arith.constant 0 : i32
          %dma_wait3A_635 = arith.constant 0 : i32
          %dma_wait3A_636 = tpu.memref_slice %arg7[%dma_wait3A_622, %dma_wait3A_623, %dma_wait3A_634, %dma_wait3A_635] : memref<2x8x8x576xf32, #tpu.memory_space<vmem>> -> memref<1x1x8x576xf32, #tpu.memory_space<vmem>>
          %dma_wait3A_637 = tpu.memref_squeeze %dma_wait3A_636 : memref<1x1x8x576xf32, #tpu.memory_space<vmem>> -> memref<8x576xf32, #tpu.memory_space<vmem>>
          tpu.wait_dma2 semaphore(%arg11 : memref<!tpu.dma_semaphore, #tpu.memory_space<semaphore_mem>>) src(%dma_wait3A_637 : memref<8x576xf32, #tpu.memory_space<vmem>>) dst(%dma_wait3A_633 : memref<8x576xf32, #tpu.memory_space<hbm>>)
          %dma_wait3A_638 = arith.constant 0 : i32
          %dma_wait3A_639 = arith.constant 3 : i32
          %dma_wait3A_640 = arith.constant 0 : i32
          %dma_wait3A_641 = arith.constant 0 : i32
          %dma_wait3A_642 = tpu.memref_slice %arg7[%dma_wait3A_638, %dma_wait3A_639, %dma_wait3A_640, %dma_wait3A_641] : memref<2x8x8x576xf32, #tpu.memory_space<vmem>> -> memref<1x1x8x576xf32, #tpu.memory_space<vmem>>
          %dma_wait3A_643 = tpu.memref_squeeze %dma_wait3A_642 : memref<1x1x8x576xf32, #tpu.memory_space<vmem>> -> memref<8x576xf32, #tpu.memory_space<vmem>>
          %dma_wait3A_644 = arith.constant 0 : i32
          %dma_wait3A_645 = arith.constant 0 : i32
          %dma_wait3A_646 = tpu.memref_slice %arg4[%dma_wait3A_644, %dma_wait3A_645] : memref<18432x576xf32, #tpu.memory_space<hbm>> -> memref<8x576xf32, #tpu.memory_space<hbm>>
          %dma_wait3A_647 = arith.constant 0 : i32
          %dma_wait3A_648 = arith.constant 0 : i32
          %dma_wait3A_649 = tpu.memref_slice %arg4[%dma_wait3A_647, %dma_wait3A_648] : memref<18432x576xf32, #tpu.memory_space<hbm>> -> memref<8x576xf32, #tpu.memory_space<hbm>>
          %dma_wait3A_650 = arith.constant 0 : i32
          %dma_wait3A_651 = arith.constant 0 : i32
          %dma_wait3A_652 = tpu.memref_slice %arg7[%dma_wait3A_638, %dma_wait3A_639, %dma_wait3A_650, %dma_wait3A_651] : memref<2x8x8x576xf32, #tpu.memory_space<vmem>> -> memref<1x1x8x576xf32, #tpu.memory_space<vmem>>
          %dma_wait3A_653 = tpu.memref_squeeze %dma_wait3A_652 : memref<1x1x8x576xf32, #tpu.memory_space<vmem>> -> memref<8x576xf32, #tpu.memory_space<vmem>>
          tpu.wait_dma2 semaphore(%arg11 : memref<!tpu.dma_semaphore, #tpu.memory_space<semaphore_mem>>) src(%dma_wait3A_653 : memref<8x576xf32, #tpu.memory_space<vmem>>) dst(%dma_wait3A_649 : memref<8x576xf32, #tpu.memory_space<hbm>>)
          %dma_wait3A_654 = arith.constant 0 : i32
          %dma_wait3A_655 = arith.constant 4 : i32
          %dma_wait3A_656 = arith.constant 0 : i32
          %dma_wait3A_657 = arith.constant 0 : i32
          %dma_wait3A_658 = tpu.memref_slice %arg7[%dma_wait3A_654, %dma_wait3A_655, %dma_wait3A_656, %dma_wait3A_657] : memref<2x8x8x576xf32, #tpu.memory_space<vmem>> -> memref<1x1x8x576xf32, #tpu.memory_space<vmem>>
          %dma_wait3A_659 = tpu.memref_squeeze %dma_wait3A_658 : memref<1x1x8x576xf32, #tpu.memory_space<vmem>> -> memref<8x576xf32, #tpu.memory_space<vmem>>
          %dma_wait3A_660 = arith.constant 0 : i32
          %dma_wait3A_661 = arith.constant 0 : i32
          %dma_wait3A_662 = tpu.memref_slice %arg4[%dma_wait3A_660, %dma_wait3A_661] : memref<18432x576xf32, #tpu.memory_space<hbm>> -> memref<8x576xf32, #tpu.memory_space<hbm>>
          %dma_wait3A_663 = arith.constant 0 : i32
          %dma_wait3A_664 = arith.constant 0 : i32
          %dma_wait3A_665 = tpu.memref_slice %arg4[%dma_wait3A_663, %dma_wait3A_664] : memref<18432x576xf32, #tpu.memory_space<hbm>> -> memref<8x576xf32, #tpu.memory_space<hbm>>
          %dma_wait3A_666 = arith.constant 0 : i32
          %dma_wait3A_667 = arith.constant 0 : i32
          %dma_wait3A_668 = tpu.memref_slice %arg7[%dma_wait3A_654, %dma_wait3A_655, %dma_wait3A_666, %dma_wait3A_667] : memref<2x8x8x576xf32, #tpu.memory_space<vmem>> -> memref<1x1x8x576xf32, #tpu.memory_space<vmem>>
          %dma_wait3A_669 = tpu.memref_squeeze %dma_wait3A_668 : memref<1x1x8x576xf32, #tpu.memory_space<vmem>> -> memref<8x576xf32, #tpu.memory_space<vmem>>
          tpu.wait_dma2 semaphore(%arg11 : memref<!tpu.dma_semaphore, #tpu.memory_space<semaphore_mem>>) src(%dma_wait3A_669 : memref<8x576xf32, #tpu.memory_space<vmem>>) dst(%dma_wait3A_665 : memref<8x576xf32, #tpu.memory_space<hbm>>)
          %dma_wait3A_670 = arith.constant 0 : i32
          %dma_wait3A_671 = arith.constant 5 : i32
          %dma_wait3A_672 = arith.constant 0 : i32
          %dma_wait3A_673 = arith.constant 0 : i32
          %dma_wait3A_674 = tpu.memref_slice %arg7[%dma_wait3A_670, %dma_wait3A_671, %dma_wait3A_672, %dma_wait3A_673] : memref<2x8x8x576xf32, #tpu.memory_space<vmem>> -> memref<1x1x8x576xf32, #tpu.memory_space<vmem>>
          %dma_wait3A_675 = tpu.memref_squeeze %dma_wait3A_674 : memref<1x1x8x576xf32, #tpu.memory_space<vmem>> -> memref<8x576xf32, #tpu.memory_space<vmem>>
          %dma_wait3A_676 = arith.constant 0 : i32
          %dma_wait3A_677 = arith.constant 0 : i32
          %dma_wait3A_678 = tpu.memref_slice %arg4[%dma_wait3A_676, %dma_wait3A_677] : memref<18432x576xf32, #tpu.memory_space<hbm>> -> memref<8x576xf32, #tpu.memory_space<hbm>>
          %dma_wait3A_679 = arith.constant 0 : i32
          %dma_wait3A_680 = arith.constant 0 : i32
          %dma_wait3A_681 = tpu.memref_slice %arg4[%dma_wait3A_679, %dma_wait3A_680] : memref<18432x576xf32, #tpu.memory_space<hbm>> -> memref<8x576xf32, #tpu.memory_space<hbm>>
          %dma_wait3A_682 = arith.constant 0 : i32
          %dma_wait3A_683 = arith.constant 0 : i32
          %dma_wait3A_684 = tpu.memref_slice %arg7[%dma_wait3A_670, %dma_wait3A_671, %dma_wait3A_682, %dma_wait3A_683] : memref<2x8x8x576xf32, #tpu.memory_space<vmem>> -> memref<1x1x8x576xf32, #tpu.memory_space<vmem>>
          %dma_wait3A_685 = tpu.memref_squeeze %dma_wait3A_684 : memref<1x1x8x576xf32, #tpu.memory_space<vmem>> -> memref<8x576xf32, #tpu.memory_space<vmem>>
          tpu.wait_dma2 semaphore(%arg11 : memref<!tpu.dma_semaphore, #tpu.memory_space<semaphore_mem>>) src(%dma_wait3A_685 : memref<8x576xf32, #tpu.memory_space<vmem>>) dst(%dma_wait3A_681 : memref<8x576xf32, #tpu.memory_space<hbm>>)
          %dma_wait3A_686 = arith.constant 0 : i32
          %dma_wait3A_687 = arith.constant 6 : i32
          %dma_wait3A_688 = arith.constant 0 : i32
          %dma_wait3A_689 = arith.constant 0 : i32
          %dma_wait3A_690 = tpu.memref_slice %arg7[%dma_wait3A_686, %dma_wait3A_687, %dma_wait3A_688, %dma_wait3A_689] : memref<2x8x8x576xf32, #tpu.memory_space<vmem>> -> memref<1x1x8x576xf32, #tpu.memory_space<vmem>>
          %dma_wait3A_691 = tpu.memref_squeeze %dma_wait3A_690 : memref<1x1x8x576xf32, #tpu.memory_space<vmem>> -> memref<8x576xf32, #tpu.memory_space<vmem>>
          %dma_wait3A_692 = arith.constant 0 : i32
          %dma_wait3A_693 = arith.constant 0 : i32
          %dma_wait3A_694 = tpu.memref_slice %arg4[%dma_wait3A_692, %dma_wait3A_693] : memref<18432x576xf32, #tpu.memory_space<hbm>> -> memref<8x576xf32, #tpu.memory_space<hbm>>
          %dma_wait3A_695 = arith.constant 0 : i32
          %dma_wait3A_696 = arith.constant 0 : i32
          %dma_wait3A_697 = tpu.memref_slice %arg4[%dma_wait3A_695, %dma_wait3A_696] : memref<18432x576xf32, #tpu.memory_space<hbm>> -> memref<8x576xf32, #tpu.memory_space<hbm>>
          %dma_wait3A_698 = arith.constant 0 : i32
          %dma_wait3A_699 = arith.constant 0 : i32
          %dma_wait3A_700 = tpu.memref_slice %arg7[%dma_wait3A_686, %dma_wait3A_687, %dma_wait3A_698, %dma_wait3A_699] : memref<2x8x8x576xf32, #tpu.memory_space<vmem>> -> memref<1x1x8x576xf32, #tpu.memory_space<vmem>>
          %dma_wait3A_701 = tpu.memref_squeeze %dma_wait3A_700 : memref<1x1x8x576xf32, #tpu.memory_space<vmem>> -> memref<8x576xf32, #tpu.memory_space<vmem>>
          tpu.wait_dma2 semaphore(%arg11 : memref<!tpu.dma_semaphore, #tpu.memory_space<semaphore_mem>>) src(%dma_wait3A_701 : memref<8x576xf32, #tpu.memory_space<vmem>>) dst(%dma_wait3A_697 : memref<8x576xf32, #tpu.memory_space<hbm>>)
          %dma_wait3A_702 = arith.constant 0 : i32
          %dma_wait3A_703 = arith.constant 7 : i32
          %dma_wait3A_704 = arith.constant 0 : i32
          %dma_wait3A_705 = arith.constant 0 : i32
          %dma_wait3A_706 = tpu.memref_slice %arg7[%dma_wait3A_702, %dma_wait3A_703, %dma_wait3A_704, %dma_wait3A_705] : memref<2x8x8x576xf32, #tpu.memory_space<vmem>> -> memref<1x1x8x576xf32, #tpu.memory_space<vmem>>
          %dma_wait3A_707 = tpu.memref_squeeze %dma_wait3A_706 : memref<1x1x8x576xf32, #tpu.memory_space<vmem>> -> memref<8x576xf32, #tpu.memory_space<vmem>>
          %dma_wait3A_708 = arith.constant 0 : i32
          %dma_wait3A_709 = arith.constant 0 : i32
          %dma_wait3A_710 = tpu.memref_slice %arg4[%dma_wait3A_708, %dma_wait3A_709] : memref<18432x576xf32, #tpu.memory_space<hbm>> -> memref<8x576xf32, #tpu.memory_space<hbm>>
          %dma_wait3A_711 = arith.constant 0 : i32
          %dma_wait3A_712 = arith.constant 0 : i32
          %dma_wait3A_713 = tpu.memref_slice %arg4[%dma_wait3A_711, %dma_wait3A_712] : memref<18432x576xf32, #tpu.memory_space<hbm>> -> memref<8x576xf32, #tpu.memory_space<hbm>>
          %dma_wait3A_714 = arith.constant 0 : i32
          %dma_wait3A_715 = arith.constant 0 : i32
          %dma_wait3A_716 = tpu.memref_slice %arg7[%dma_wait3A_702, %dma_wait3A_703, %dma_wait3A_714, %dma_wait3A_715] : memref<2x8x8x576xf32, #tpu.memory_space<vmem>> -> memref<1x1x8x576xf32, #tpu.memory_space<vmem>>
          %dma_wait3A_717 = tpu.memref_squeeze %dma_wait3A_716 : memref<1x1x8x576xf32, #tpu.memory_space<vmem>> -> memref<8x576xf32, #tpu.memory_space<vmem>>
          tpu.wait_dma2 semaphore(%arg11 : memref<!tpu.dma_semaphore, #tpu.memory_space<semaphore_mem>>) src(%dma_wait3A_717 : memref<8x576xf32, #tpu.memory_space<vmem>>) dst(%dma_wait3A_713 : memref<8x576xf32, #tpu.memory_space<hbm>>)
        } else {
        }
        %parallel_loop3A = arith.constant 0 : i32
        %parallel_loop3A_380 = arith.constant 8 : i32
        %parallel_loop3A_381 = arith.constant 1 : i32
        scf.for %parallel_loop3A_590 = %parallel_loop3A to %parallel_loop3A_380 step %parallel_loop3A_381  : i32 {
          %parallel_loop3A_591 = arith.constant 0 : i32
          %parallel_loop3A_592 = arith.constant 36 : i32
          %parallel_loop3A_593 = arith.constant 1 : i32
          scf.for %parallel_loop3A_594 = %parallel_loop3A_591 to %parallel_loop3A_592 step %parallel_loop3A_593  : i32 {
            %parallel_loop3A_595 = arith.constant 16 : i32
            %parallel_loop3A_596 = arith.muli %parallel_loop3A_594, %parallel_loop3A_595 : i32
            %parallel_loop3A_597 = arith.constant 0 : i32
            %parallel_loop3A_598 = arith.index_cast %parallel_loop3A_597 : i32 to index
            %parallel_loop3A_599 = arith.index_cast %parallel_loop3A_590 : i32 to index
            %parallel_loop3A_600 = arith.index_cast %parallel_loop3A_596 : i32 to index
            %parallel_loop3A_601 = tpu.vector_load %arg6[%parallel_loop3A_598, %parallel_loop3A_599, %parallel_loop3A_600] {strides = array<i32>} : memref<2x8x576xi32, #tpu.memory_space<vmem>>, vector<16xi32>,
            %parallel_loop3A_602 = arith.constant 0 : i32
            %parallel_loop3A_603 = vector.broadcast %parallel_loop3A_602 : i32 to vector<16xi32>
            %parallel_loop3A_604 = arith.addi %parallel_loop3A_601, %parallel_loop3A_603 : vector<16xi32>
            %parallel_loop3A_605 = tpu.vector_load_idx %arg5[%parallel_loop3A_604] : memref<18432xf32, #tpu.memory_space<vmem>>[vector<16xi32>], vector<16xf32>,
            %parallel_loop3A_606 = arith.constant 16 : i32
            %parallel_loop3A_607 = arith.muli %parallel_loop3A_594, %parallel_loop3A_606 : i32
            %parallel_loop3A_608 = arith.constant 0 : i32
            %parallel_loop3A_609 = arith.constant 0 : i32
            %parallel_loop3A_610 = arith.index_cast %parallel_loop3A_608 : i32 to index
            %parallel_loop3A_611 = arith.index_cast %parallel_loop3A_609 : i32 to index
            %parallel_loop3A_612 = arith.index_cast %parallel_loop3A_590 : i32 to index
            %parallel_loop3A_613 = arith.index_cast %parallel_loop3A_607 : i32 to index
            %parallel_loop3A_614 = tpu.vector_load %arg7[%parallel_loop3A_610, %parallel_loop3A_611, %parallel_loop3A_612, %parallel_loop3A_613] {strides = array<i32>} : memref<2x8x8x576xf32, #tpu.memory_space<vmem>>, vector<16xf32>,
            tpu.vector_store %arg7[%parallel_loop3A_610, %parallel_loop3A_611, %parallel_loop3A_612, %parallel_loop3A_613], %parallel_loop3A_605 {strides = array<i32>} : memref<2x8x8x576xf32, #tpu.memory_space<vmem>>, vector<16xf32>,
            %parallel_loop3A_615 = arith.constant 2304 : i32
            %parallel_loop3A_616 = vector.broadcast %parallel_loop3A_615 : i32 to vector<16xi32>
            %parallel_loop3A_617 = arith.addi %parallel_loop3A_601, %parallel_loop3A_616 : vector<16xi32>
            %parallel_loop3A_618 = tpu.vector_load_idx %arg5[%parallel_loop3A_617] : memref<18432xf32, #tpu.memory_space<vmem>>[vector<16xi32>], vector<16xf32>,
            %parallel_loop3A_619 = arith.constant 16 : i32
            %parallel_loop3A_620 = arith.muli %parallel_loop3A_594, %parallel_loop3A_619 : i32
            %parallel_loop3A_621 = arith.constant 0 : i32
            %parallel_loop3A_622 = arith.constant 1 : i32
            %parallel_loop3A_623 = arith.index_cast %parallel_loop3A_621 : i32 to index
            %parallel_loop3A_624 = arith.index_cast %parallel_loop3A_622 : i32 to index
            %parallel_loop3A_625 = arith.index_cast %parallel_loop3A_590 : i32 to index
            %parallel_loop3A_626 = arith.index_cast %parallel_loop3A_620 : i32 to index
            %parallel_loop3A_627 = tpu.vector_load %arg7[%parallel_loop3A_623, %parallel_loop3A_624, %parallel_loop3A_625, %parallel_loop3A_626] {strides = array<i32>} : memref<2x8x8x576xf32, #tpu.memory_space<vmem>>, vector<16xf32>,
            tpu.vector_store %arg7[%parallel_loop3A_623, %parallel_loop3A_624, %parallel_loop3A_625, %parallel_loop3A_626], %parallel_loop3A_618 {strides = array<i32>} : memref<2x8x8x576xf32, #tpu.memory_space<vmem>>, vector<16xf32>,
            %parallel_loop3A_628 = arith.constant 4608 : i32
            %parallel_loop3A_629 = vector.broadcast %parallel_loop3A_628 : i32 to vector<16xi32>
            %parallel_loop3A_630 = arith.addi %parallel_loop3A_601, %parallel_loop3A_629 : vector<16xi32>
            %parallel_loop3A_631 = tpu.vector_load_idx %arg5[%parallel_loop3A_630] : memref<18432xf32, #tpu.memory_space<vmem>>[vector<16xi32>], vector<16xf32>,
            %parallel_loop3A_632 = arith.constant 16 : i32
            %parallel_loop3A_633 = arith.muli %parallel_loop3A_594, %parallel_loop3A_632 : i32
            %parallel_loop3A_634 = arith.constant 0 : i32
            %parallel_loop3A_635 = arith.constant 2 : i32
            %parallel_loop3A_636 = arith.index_cast %parallel_loop3A_634 : i32 to index
            %parallel_loop3A_637 = arith.index_cast %parallel_loop3A_635 : i32 to index
            %parallel_loop3A_638 = arith.index_cast %parallel_loop3A_590 : i32 to index
            %parallel_loop3A_639 = arith.index_cast %parallel_loop3A_633 : i32 to index
            %parallel_loop3A_640 = tpu.vector_load %arg7[%parallel_loop3A_636, %parallel_loop3A_637, %parallel_loop3A_638, %parallel_loop3A_639] {strides = array<i32>} : memref<2x8x8x576xf32, #tpu.memory_space<vmem>>, vector<16xf32>,
            tpu.vector_store %arg7[%parallel_loop3A_636, %parallel_loop3A_637, %parallel_loop3A_638, %parallel_loop3A_639], %parallel_loop3A_631 {strides = array<i32>} : memref<2x8x8x576xf32, #tpu.memory_space<vmem>>, vector<16xf32>,
            %parallel_loop3A_641 = arith.constant 6912 : i32
            %parallel_loop3A_642 = vector.broadcast %parallel_loop3A_641 : i32 to vector<16xi32>
            %parallel_loop3A_643 = arith.addi %parallel_loop3A_601, %parallel_loop3A_642 : vector<16xi32>
            %parallel_loop3A_644 = tpu.vector_load_idx %arg5[%parallel_loop3A_643] : memref<18432xf32, #tpu.memory_space<vmem>>[vector<16xi32>], vector<16xf32>,
            %parallel_loop3A_645 = arith.constant 16 : i32
            %parallel_loop3A_646 = arith.muli %parallel_loop3A_594, %parallel_loop3A_645 : i32
            %parallel_loop3A_647 = arith.constant 0 : i32
            %parallel_loop3A_648 = arith.constant 3 : i32
            %parallel_loop3A_649 = arith.index_cast %parallel_loop3A_647 : i32 to index
            %parallel_loop3A_650 = arith.index_cast %parallel_loop3A_648 : i32 to index
            %parallel_loop3A_651 = arith.index_cast %parallel_loop3A_590 : i32 to index
            %parallel_loop3A_652 = arith.index_cast %parallel_loop3A_646 : i32 to index
            %parallel_loop3A_653 = tpu.vector_load %arg7[%parallel_loop3A_649, %parallel_loop3A_650, %parallel_loop3A_651, %parallel_loop3A_652] {strides = array<i32>} : memref<2x8x8x576xf32, #tpu.memory_space<vmem>>, vector<16xf32>,
            tpu.vector_store %arg7[%parallel_loop3A_649, %parallel_loop3A_650, %parallel_loop3A_651, %parallel_loop3A_652], %parallel_loop3A_644 {strides = array<i32>} : memref<2x8x8x576xf32, #tpu.memory_space<vmem>>, vector<16xf32>,
            %parallel_loop3A_654 = arith.constant 9216 : i32
            %parallel_loop3A_655 = vector.broadcast %parallel_loop3A_654 : i32 to vector<16xi32>
            %parallel_loop3A_656 = arith.addi %parallel_loop3A_601, %parallel_loop3A_655 : vector<16xi32>
            %parallel_loop3A_657 = tpu.vector_load_idx %arg5[%parallel_loop3A_656] : memref<18432xf32, #tpu.memory_space<vmem>>[vector<16xi32>], vector<16xf32>,
            %parallel_loop3A_658 = arith.constant 16 : i32
            %parallel_loop3A_659 = arith.muli %parallel_loop3A_594, %parallel_loop3A_658 : i32
            %parallel_loop3A_660 = arith.constant 0 : i32
            %parallel_loop3A_661 = arith.constant 4 : i32
            %parallel_loop3A_662 = arith.index_cast %parallel_loop3A_660 : i32 to index
            %parallel_loop3A_663 = arith.index_cast %parallel_loop3A_661 : i32 to index
            %parallel_loop3A_664 = arith.index_cast %parallel_loop3A_590 : i32 to index
            %parallel_loop3A_665 = arith.index_cast %parallel_loop3A_659 : i32 to index
            %parallel_loop3A_666 = tpu.vector_load %arg7[%parallel_loop3A_662, %parallel_loop3A_663, %parallel_loop3A_664, %parallel_loop3A_665] {strides = array<i32>} : memref<2x8x8x576xf32, #tpu.memory_space<vmem>>, vector<16xf32>,
            tpu.vector_store %arg7[%parallel_loop3A_662, %parallel_loop3A_663, %parallel_loop3A_664, %parallel_loop3A_665], %parallel_loop3A_657 {strides = array<i32>} : memref<2x8x8x576xf32, #tpu.memory_space<vmem>>, vector<16xf32>,
            %parallel_loop3A_667 = arith.constant 11520 : i32
            %parallel_loop3A_668 = vector.broadcast %parallel_loop3A_667 : i32 to vector<16xi32>
            %parallel_loop3A_669 = arith.addi %parallel_loop3A_601, %parallel_loop3A_668 : vector<16xi32>
            %parallel_loop3A_670 = tpu.vector_load_idx %arg5[%parallel_loop3A_669] : memref<18432xf32, #tpu.memory_space<vmem>>[vector<16xi32>], vector<16xf32>,
            %parallel_loop3A_671 = arith.constant 16 : i32
            %parallel_loop3A_672 = arith.muli %parallel_loop3A_594, %parallel_loop3A_671 : i32
            %parallel_loop3A_673 = arith.constant 0 : i32
            %parallel_loop3A_674 = arith.constant 5 : i32
            %parallel_loop3A_675 = arith.index_cast %parallel_loop3A_673 : i32 to index
            %parallel_loop3A_676 = arith.index_cast %parallel_loop3A_674 : i32 to index
            %parallel_loop3A_677 = arith.index_cast %parallel_loop3A_590 : i32 to index
            %parallel_loop3A_678 = arith.index_cast %parallel_loop3A_672 : i32 to index
            %parallel_loop3A_679 = tpu.vector_load %arg7[%parallel_loop3A_675, %parallel_loop3A_676, %parallel_loop3A_677, %parallel_loop3A_678] {strides = array<i32>} : memref<2x8x8x576xf32, #tpu.memory_space<vmem>>, vector<16xf32>,
            tpu.vector_store %arg7[%parallel_loop3A_675, %parallel_loop3A_676, %parallel_loop3A_677, %parallel_loop3A_678], %parallel_loop3A_670 {strides = array<i32>} : memref<2x8x8x576xf32, #tpu.memory_space<vmem>>, vector<16xf32>,
            %parallel_loop3A_680 = arith.constant 13824 : i32
            %parallel_loop3A_681 = vector.broadcast %parallel_loop3A_680 : i32 to vector<16xi32>
            %parallel_loop3A_682 = arith.addi %parallel_loop3A_601, %parallel_loop3A_681 : vector<16xi32>
            %parallel_loop3A_683 = tpu.vector_load_idx %arg5[%parallel_loop3A_682] : memref<18432xf32, #tpu.memory_space<vmem>>[vector<16xi32>], vector<16xf32>,
            %parallel_loop3A_684 = arith.constant 16 : i32
            %parallel_loop3A_685 = arith.muli %parallel_loop3A_594, %parallel_loop3A_684 : i32
            %parallel_loop3A_686 = arith.constant 0 : i32
            %parallel_loop3A_687 = arith.constant 6 : i32
            %parallel_loop3A_688 = arith.index_cast %parallel_loop3A_686 : i32 to index
            %parallel_loop3A_689 = arith.index_cast %parallel_loop3A_687 : i32 to index
            %parallel_loop3A_690 = arith.index_cast %parallel_loop3A_590 : i32 to index
            %parallel_loop3A_691 = arith.index_cast %parallel_loop3A_685 : i32 to index
            %parallel_loop3A_692 = tpu.vector_load %arg7[%parallel_loop3A_688, %parallel_loop3A_689, %parallel_loop3A_690, %parallel_loop3A_691] {strides = array<i32>} : memref<2x8x8x576xf32, #tpu.memory_space<vmem>>, vector<16xf32>,
            tpu.vector_store %arg7[%parallel_loop3A_688, %parallel_loop3A_689, %parallel_loop3A_690, %parallel_loop3A_691], %parallel_loop3A_683 {strides = array<i32>} : memref<2x8x8x576xf32, #tpu.memory_space<vmem>>, vector<16xf32>,
            %parallel_loop3A_693 = arith.constant 16128 : i32
            %parallel_loop3A_694 = vector.broadcast %parallel_loop3A_693 : i32 to vector<16xi32>
            %parallel_loop3A_695 = arith.addi %parallel_loop3A_601, %parallel_loop3A_694 : vector<16xi32>
            %parallel_loop3A_696 = tpu.vector_load_idx %arg5[%parallel_loop3A_695] : memref<18432xf32, #tpu.memory_space<vmem>>[vector<16xi32>], vector<16xf32>,
            %parallel_loop3A_697 = arith.constant 16 : i32
            %parallel_loop3A_698 = arith.muli %parallel_loop3A_594, %parallel_loop3A_697 : i32
            %parallel_loop3A_699 = arith.constant 0 : i32
            %parallel_loop3A_700 = arith.constant 7 : i32
            %parallel_loop3A_701 = arith.index_cast %parallel_loop3A_699 : i32 to index
            %parallel_loop3A_702 = arith.index_cast %parallel_loop3A_700 : i32 to index
            %parallel_loop3A_703 = arith.index_cast %parallel_loop3A_590 : i32 to index
            %parallel_loop3A_704 = arith.index_cast %parallel_loop3A_698 : i32 to index
            %parallel_loop3A_705 = tpu.vector_load %arg7[%parallel_loop3A_701, %parallel_loop3A_702, %parallel_loop3A_703, %parallel_loop3A_704] {strides = array<i32>} : memref<2x8x8x576xf32, #tpu.memory_space<vmem>>, vector<16xf32>,
            tpu.vector_store %arg7[%parallel_loop3A_701, %parallel_loop3A_702, %parallel_loop3A_703, %parallel_loop3A_704], %parallel_loop3A_696 {strides = array<i32>} : memref<2x8x8x576xf32, #tpu.memory_space<vmem>>, vector<16xf32>,
          } {sc.loop_unroll_factor = 2 : i64, sc.parallel_access}
        } {sc.loop_unroll_factor = 1 : i64, sc.parallel_access}
        %mul3A_382 = arith.constant 8 : i32
        %mul3A_383 = arith.muli %select_n3A_9, %mul3A_382 : i32
        %add3A_384 = arith.constant 0 : i32
        %add3A_385 = arith.addi %mul3A_383, %add3A_384 : i32
        %mul3A_386 = arith.constant 576 : i32
        %mul3A_387 = arith.muli %add3A_385, %mul3A_386 : i32
        %mul3A_388 = arith.constant 72 : i32
        %mul3A_389 = arith.muli %select_n3A_30, %mul3A_388 : i32
        %add3A_390 = arith.addi %mul3A_387, %mul3A_389 : i32
        %mul3A_391 = arith.constant 8 : i32
        %mul3A_392 = arith.muli %scan3A_315, %mul3A_391 : i32
        %add3A_393 = arith.addi %add3A_390, %mul3A_392 : i32
        %dma_start3A_394 = arith.constant 0 : i32
        %dma_start3A_395 = arith.constant 0 : i32
        %dma_start3A_396 = arith.constant 0 : i32
        %dma_start3A_397 = arith.constant 0 : i32
        %dma_start3A_398 = tpu.memref_slice %arg7[%dma_start3A_394, %dma_start3A_395, %dma_start3A_396, %dma_start3A_397] : memref<2x8x8x576xf32, #tpu.memory_space<vmem>> -> memref<1x1x8x576xf32, #tpu.memory_space<vmem>>
        %dma_start3A_399 = tpu.memref_squeeze %dma_start3A_398 : memref<1x1x8x576xf32, #tpu.memory_space<vmem>> -> memref<8x576xf32, #tpu.memory_space<vmem>>
        %dma_start3A_400 = arith.constant 0 : i32
        %dma_start3A_401 = tpu.memref_slice %arg4[%add3A_393, %dma_start3A_400] : memref<18432x576xf32, #tpu.memory_space<hbm>> -> memref<8x576xf32, #tpu.memory_space<hbm>>
        %dma_start3A_402 = arith.constant 0 : i32
        %dma_start3A_403 = tpu.memref_slice %arg4[%add3A_393, %dma_start3A_402] : memref<18432x576xf32, #tpu.memory_space<hbm>> -> memref<8x576xf32, #tpu.memory_space<hbm>>
        %dma_start3A_404 = arith.constant 0 : i32
        %dma_start3A_405 = arith.constant 0 : i32
        %dma_start3A_406 = tpu.memref_slice %arg7[%dma_start3A_394, %dma_start3A_395, %dma_start3A_404, %dma_start3A_405] : memref<2x8x8x576xf32, #tpu.memory_space<vmem>> -> memref<1x1x8x576xf32, #tpu.memory_space<vmem>>
        %dma_start3A_407 = tpu.memref_squeeze %dma_start3A_406 : memref<1x1x8x576xf32, #tpu.memory_space<vmem>> -> memref<8x576xf32, #tpu.memory_space<vmem>>
        tpu.enqueue_dma source(%dma_start3A_407 : memref<8x576xf32, #tpu.memory_space<vmem>>) target(%dma_start3A_403 : memref<8x576xf32, #tpu.memory_space<hbm>>) target_semaphore(%arg11 : memref<!tpu.dma_semaphore, #tpu.memory_space<semaphore_mem>>)
        %mul3A_408 = arith.constant 8 : i32
        %mul3A_409 = arith.muli %select_n3A_9, %mul3A_408 : i32
        %add3A_410 = arith.constant 1 : i32
        %add3A_411 = arith.addi %mul3A_409, %add3A_410 : i32
        %mul3A_412 = arith.constant 576 : i32
        %mul3A_413 = arith.muli %add3A_411, %mul3A_412 : i32
        %mul3A_414 = arith.constant 72 : i32
        %mul3A_415 = arith.muli %select_n3A_30, %mul3A_414 : i32
        %add3A_416 = arith.addi %mul3A_413, %mul3A_415 : i32
        %mul3A_417 = arith.constant 8 : i32
        %mul3A_418 = arith.muli %scan3A_315, %mul3A_417 : i32
        %add3A_419 = arith.addi %add3A_416, %mul3A_418 : i32
        %dma_start3A_420 = arith.constant 0 : i32
        %dma_start3A_421 = arith.constant 1 : i32
        %dma_start3A_422 = arith.constant 0 : i32
        %dma_start3A_423 = arith.constant 0 : i32
        %dma_start3A_424 = tpu.memref_slice %arg7[%dma_start3A_420, %dma_start3A_421, %dma_start3A_422, %dma_start3A_423] : memref<2x8x8x576xf32, #tpu.memory_space<vmem>> -> memref<1x1x8x576xf32, #tpu.memory_space<vmem>>
        %dma_start3A_425 = tpu.memref_squeeze %dma_start3A_424 : memref<1x1x8x576xf32, #tpu.memory_space<vmem>> -> memref<8x576xf32, #tpu.memory_space<vmem>>
        %dma_start3A_426 = arith.constant 0 : i32
        %dma_start3A_427 = tpu.memref_slice %arg4[%add3A_419, %dma_start3A_426] : memref<18432x576xf32, #tpu.memory_space<hbm>> -> memref<8x576xf32, #tpu.memory_space<hbm>>
        %dma_start3A_428 = arith.constant 0 : i32
        %dma_start3A_429 = tpu.memref_slice %arg4[%add3A_419, %dma_start3A_428] : memref<18432x576xf32, #tpu.memory_space<hbm>> -> memref<8x576xf32, #tpu.memory_space<hbm>>
        %dma_start3A_430 = arith.constant 0 : i32
        %dma_start3A_431 = arith.constant 0 : i32
        %dma_start3A_432 = tpu.memref_slice %arg7[%dma_start3A_420, %dma_start3A_421, %dma_start3A_430, %dma_start3A_431] : memref<2x8x8x576xf32, #tpu.memory_space<vmem>> -> memref<1x1x8x576xf32, #tpu.memory_space<vmem>>
        %dma_start3A_433 = tpu.memref_squeeze %dma_start3A_432 : memref<1x1x8x576xf32, #tpu.memory_space<vmem>> -> memref<8x576xf32, #tpu.memory_space<vmem>>
        tpu.enqueue_dma source(%dma_start3A_433 : memref<8x576xf32, #tpu.memory_space<vmem>>) target(%dma_start3A_429 : memref<8x576xf32, #tpu.memory_space<hbm>>) target_semaphore(%arg11 : memref<!tpu.dma_semaphore, #tpu.memory_space<semaphore_mem>>)
        %mul3A_434 = arith.constant 8 : i32
        %mul3A_435 = arith.muli %select_n3A_9, %mul3A_434 : i32
        %add3A_436 = arith.constant 2 : i32
        %add3A_437 = arith.addi %mul3A_435, %add3A_436 : i32
        %mul3A_438 = arith.constant 576 : i32
        %mul3A_439 = arith.muli %add3A_437, %mul3A_438 : i32
        %mul3A_440 = arith.constant 72 : i32
        %mul3A_441 = arith.muli %select_n3A_30, %mul3A_440 : i32
        %add3A_442 = arith.addi %mul3A_439, %mul3A_441 : i32
        %mul3A_443 = arith.constant 8 : i32
        %mul3A_444 = arith.muli %scan3A_315, %mul3A_443 : i32
        %add3A_445 = arith.addi %add3A_442, %mul3A_444 : i32
        %dma_start3A_446 = arith.constant 0 : i32
        %dma_start3A_447 = arith.constant 2 : i32
        %dma_start3A_448 = arith.constant 0 : i32
        %dma_start3A_449 = arith.constant 0 : i32
        %dma_start3A_450 = tpu.memref_slice %arg7[%dma_start3A_446, %dma_start3A_447, %dma_start3A_448, %dma_start3A_449] : memref<2x8x8x576xf32, #tpu.memory_space<vmem>> -> memref<1x1x8x576xf32, #tpu.memory_space<vmem>>
        %dma_start3A_451 = tpu.memref_squeeze %dma_start3A_450 : memref<1x1x8x576xf32, #tpu.memory_space<vmem>> -> memref<8x576xf32, #tpu.memory_space<vmem>>
        %dma_start3A_452 = arith.constant 0 : i32
        %dma_start3A_453 = tpu.memref_slice %arg4[%add3A_445, %dma_start3A_452] : memref<18432x576xf32, #tpu.memory_space<hbm>> -> memref<8x576xf32, #tpu.memory_space<hbm>>
        %dma_start3A_454 = arith.constant 0 : i32
        %dma_start3A_455 = tpu.memref_slice %arg4[%add3A_445, %dma_start3A_454] : memref<18432x576xf32, #tpu.memory_space<hbm>> -> memref<8x576xf32, #tpu.memory_space<hbm>>
        %dma_start3A_456 = arith.constant 0 : i32
        %dma_start3A_457 = arith.constant 0 : i32
        %dma_start3A_458 = tpu.memref_slice %arg7[%dma_start3A_446, %dma_start3A_447, %dma_start3A_456, %dma_start3A_457] : memref<2x8x8x576xf32, #tpu.memory_space<vmem>> -> memref<1x1x8x576xf32, #tpu.memory_space<vmem>>
        %dma_start3A_459 = tpu.memref_squeeze %dma_start3A_458 : memref<1x1x8x576xf32, #tpu.memory_space<vmem>> -> memref<8x576xf32, #tpu.memory_space<vmem>>
        tpu.enqueue_dma source(%dma_start3A_459 : memref<8x576xf32, #tpu.memory_space<vmem>>) target(%dma_start3A_455 : memref<8x576xf32, #tpu.memory_space<hbm>>) target_semaphore(%arg11 : memref<!tpu.dma_semaphore, #tpu.memory_space<semaphore_mem>>)
        %mul3A_460 = arith.constant 8 : i32
        %mul3A_461 = arith.muli %select_n3A_9, %mul3A_460 : i32
        %add3A_462 = arith.constant 3 : i32
        %add3A_463 = arith.addi %mul3A_461, %add3A_462 : i32
        %mul3A_464 = arith.constant 576 : i32
        %mul3A_465 = arith.muli %add3A_463, %mul3A_464 : i32
        %mul3A_466 = arith.constant 72 : i32
        %mul3A_467 = arith.muli %select_n3A_30, %mul3A_466 : i32
        %add3A_468 = arith.addi %mul3A_465, %mul3A_467 : i32
        %mul3A_469 = arith.constant 8 : i32
        %mul3A_470 = arith.muli %scan3A_315, %mul3A_469 : i32
        %add3A_471 = arith.addi %add3A_468, %mul3A_470 : i32
        %dma_start3A_472 = arith.constant 0 : i32
        %dma_start3A_473 = arith.constant 3 : i32
        %dma_start3A_474 = arith.constant 0 : i32
        %dma_start3A_475 = arith.constant 0 : i32
        %dma_start3A_476 = tpu.memref_slice %arg7[%dma_start3A_472, %dma_start3A_473, %dma_start3A_474, %dma_start3A_475] : memref<2x8x8x576xf32, #tpu.memory_space<vmem>> -> memref<1x1x8x576xf32, #tpu.memory_space<vmem>>
        %dma_start3A_477 = tpu.memref_squeeze %dma_start3A_476 : memref<1x1x8x576xf32, #tpu.memory_space<vmem>> -> memref<8x576xf32, #tpu.memory_space<vmem>>
        %dma_start3A_478 = arith.constant 0 : i32
        %dma_start3A_479 = tpu.memref_slice %arg4[%add3A_471, %dma_start3A_478] : memref<18432x576xf32, #tpu.memory_space<hbm>> -> memref<8x576xf32, #tpu.memory_space<hbm>>
        %dma_start3A_480 = arith.constant 0 : i32
        %dma_start3A_481 = tpu.memref_slice %arg4[%add3A_471, %dma_start3A_480] : memref<18432x576xf32, #tpu.memory_space<hbm>> -> memref<8x576xf32, #tpu.memory_space<hbm>>
        %dma_start3A_482 = arith.constant 0 : i32
        %dma_start3A_483 = arith.constant 0 : i32
        %dma_start3A_484 = tpu.memref_slice %arg7[%dma_start3A_472, %dma_start3A_473, %dma_start3A_482, %dma_start3A_483] : memref<2x8x8x576xf32, #tpu.memory_space<vmem>> -> memref<1x1x8x576xf32, #tpu.memory_space<vmem>>
        %dma_start3A_485 = tpu.memref_squeeze %dma_start3A_484 : memref<1x1x8x576xf32, #tpu.memory_space<vmem>> -> memref<8x576xf32, #tpu.memory_space<vmem>>
        tpu.enqueue_dma source(%dma_start3A_485 : memref<8x576xf32, #tpu.memory_space<vmem>>) target(%dma_start3A_481 : memref<8x576xf32, #tpu.memory_space<hbm>>) target_semaphore(%arg11 : memref<!tpu.dma_semaphore, #tpu.memory_space<semaphore_mem>>)
        %mul3A_486 = arith.constant 8 : i32
        %mul3A_487 = arith.muli %select_n3A_9, %mul3A_486 : i32
        %add3A_488 = arith.constant 4 : i32
        %add3A_489 = arith.addi %mul3A_487, %add3A_488 : i32
        %mul3A_490 = arith.constant 576 : i32
        %mul3A_491 = arith.muli %add3A_489, %mul3A_490 : i32
        %mul3A_492 = arith.constant 72 : i32
        %mul3A_493 = arith.muli %select_n3A_30, %mul3A_492 : i32
        %add3A_494 = arith.addi %mul3A_491, %mul3A_493 : i32
        %mul3A_495 = arith.constant 8 : i32
        %mul3A_496 = arith.muli %scan3A_315, %mul3A_495 : i32
        %add3A_497 = arith.addi %add3A_494, %mul3A_496 : i32
        %dma_start3A_498 = arith.constant 0 : i32
        %dma_start3A_499 = arith.constant 4 : i32
        %dma_start3A_500 = arith.constant 0 : i32
        %dma_start3A_501 = arith.constant 0 : i32
        %dma_start3A_502 = tpu.memref_slice %arg7[%dma_start3A_498, %dma_start3A_499, %dma_start3A_500, %dma_start3A_501] : memref<2x8x8x576xf32, #tpu.memory_space<vmem>> -> memref<1x1x8x576xf32, #tpu.memory_space<vmem>>
        %dma_start3A_503 = tpu.memref_squeeze %dma_start3A_502 : memref<1x1x8x576xf32, #tpu.memory_space<vmem>> -> memref<8x576xf32, #tpu.memory_space<vmem>>
        %dma_start3A_504 = arith.constant 0 : i32
        %dma_start3A_505 = tpu.memref_slice %arg4[%add3A_497, %dma_start3A_504] : memref<18432x576xf32, #tpu.memory_space<hbm>> -> memref<8x576xf32, #tpu.memory_space<hbm>>
        %dma_start3A_506 = arith.constant 0 : i32
        %dma_start3A_507 = tpu.memref_slice %arg4[%add3A_497, %dma_start3A_506] : memref<18432x576xf32, #tpu.memory_space<hbm>> -> memref<8x576xf32, #tpu.memory_space<hbm>>
        %dma_start3A_508 = arith.constant 0 : i32
        %dma_start3A_509 = arith.constant 0 : i32
        %dma_start3A_510 = tpu.memref_slice %arg7[%dma_start3A_498, %dma_start3A_499, %dma_start3A_508, %dma_start3A_509] : memref<2x8x8x576xf32, #tpu.memory_space<vmem>> -> memref<1x1x8x576xf32, #tpu.memory_space<vmem>>
        %dma_start3A_511 = tpu.memref_squeeze %dma_start3A_510 : memref<1x1x8x576xf32, #tpu.memory_space<vmem>> -> memref<8x576xf32, #tpu.memory_space<vmem>>
        tpu.enqueue_dma source(%dma_start3A_511 : memref<8x576xf32, #tpu.memory_space<vmem>>) target(%dma_start3A_507 : memref<8x576xf32, #tpu.memory_space<hbm>>) target_semaphore(%arg11 : memref<!tpu.dma_semaphore, #tpu.memory_space<semaphore_mem>>)
        %mul3A_512 = arith.constant 8 : i32
        %mul3A_513 = arith.muli %select_n3A_9, %mul3A_512 : i32
        %add3A_514 = arith.constant 5 : i32
        %add3A_515 = arith.addi %mul3A_513, %add3A_514 : i32
        %mul3A_516 = arith.constant 576 : i32
        %mul3A_517 = arith.muli %add3A_515, %mul3A_516 : i32
        %mul3A_518 = arith.constant 72 : i32
        %mul3A_519 = arith.muli %select_n3A_30, %mul3A_518 : i32
        %add3A_520 = arith.addi %mul3A_517, %mul3A_519 : i32
        %mul3A_521 = arith.constant 8 : i32
        %mul3A_522 = arith.muli %scan3A_315, %mul3A_521 : i32
        %add3A_523 = arith.addi %add3A_520, %mul3A_522 : i32
        %dma_start3A_524 = arith.constant 0 : i32
        %dma_start3A_525 = arith.constant 5 : i32
        %dma_start3A_526 = arith.constant 0 : i32
        %dma_start3A_527 = arith.constant 0 : i32
        %dma_start3A_528 = tpu.memref_slice %arg7[%dma_start3A_524, %dma_start3A_525, %dma_start3A_526, %dma_start3A_527] : memref<2x8x8x576xf32, #tpu.memory_space<vmem>> -> memref<1x1x8x576xf32, #tpu.memory_space<vmem>>
        %dma_start3A_529 = tpu.memref_squeeze %dma_start3A_528 : memref<1x1x8x576xf32, #tpu.memory_space<vmem>> -> memref<8x576xf32, #tpu.memory_space<vmem>>
        %dma_start3A_530 = arith.constant 0 : i32
        %dma_start3A_531 = tpu.memref_slice %arg4[%add3A_523, %dma_start3A_530] : memref<18432x576xf32, #tpu.memory_space<hbm>> -> memref<8x576xf32, #tpu.memory_space<hbm>>
        %dma_start3A_532 = arith.constant 0 : i32
        %dma_start3A_533 = tpu.memref_slice %arg4[%add3A_523, %dma_start3A_532] : memref<18432x576xf32, #tpu.memory_space<hbm>> -> memref<8x576xf32, #tpu.memory_space<hbm>>
        %dma_start3A_534 = arith.constant 0 : i32
        %dma_start3A_535 = arith.constant 0 : i32
        %dma_start3A_536 = tpu.memref_slice %arg7[%dma_start3A_524, %dma_start3A_525, %dma_start3A_534, %dma_start3A_535] : memref<2x8x8x576xf32, #tpu.memory_space<vmem>> -> memref<1x1x8x576xf32, #tpu.memory_space<vmem>>
        %dma_start3A_537 = tpu.memref_squeeze %dma_start3A_536 : memref<1x1x8x576xf32, #tpu.memory_space<vmem>> -> memref<8x576xf32, #tpu.memory_space<vmem>>
        tpu.enqueue_dma source(%dma_start3A_537 : memref<8x576xf32, #tpu.memory_space<vmem>>) target(%dma_start3A_533 : memref<8x576xf32, #tpu.memory_space<hbm>>) target_semaphore(%arg11 : memref<!tpu.dma_semaphore, #tpu.memory_space<semaphore_mem>>)
        %mul3A_538 = arith.constant 8 : i32
        %mul3A_539 = arith.muli %select_n3A_9, %mul3A_538 : i32
        %add3A_540 = arith.constant 6 : i32
        %add3A_541 = arith.addi %mul3A_539, %add3A_540 : i32
        %mul3A_542 = arith.constant 576 : i32
        %mul3A_543 = arith.muli %add3A_541, %mul3A_542 : i32
        %mul3A_544 = arith.constant 72 : i32
        %mul3A_545 = arith.muli %select_n3A_30, %mul3A_544 : i32
        %add3A_546 = arith.addi %mul3A_543, %mul3A_545 : i32
        %mul3A_547 = arith.constant 8 : i32
        %mul3A_548 = arith.muli %scan3A_315, %mul3A_547 : i32
        %add3A_549 = arith.addi %add3A_546, %mul3A_548 : i32
        %dma_start3A_550 = arith.constant 0 : i32
        %dma_start3A_551 = arith.constant 6 : i32
        %dma_start3A_552 = arith.constant 0 : i32
        %dma_start3A_553 = arith.constant 0 : i32
        %dma_start3A_554 = tpu.memref_slice %arg7[%dma_start3A_550, %dma_start3A_551, %dma_start3A_552, %dma_start3A_553] : memref<2x8x8x576xf32, #tpu.memory_space<vmem>> -> memref<1x1x8x576xf32, #tpu.memory_space<vmem>>
        %dma_start3A_555 = tpu.memref_squeeze %dma_start3A_554 : memref<1x1x8x576xf32, #tpu.memory_space<vmem>> -> memref<8x576xf32, #tpu.memory_space<vmem>>
        %dma_start3A_556 = arith.constant 0 : i32
        %dma_start3A_557 = tpu.memref_slice %arg4[%add3A_549, %dma_start3A_556] : memref<18432x576xf32, #tpu.memory_space<hbm>> -> memref<8x576xf32, #tpu.memory_space<hbm>>
        %dma_start3A_558 = arith.constant 0 : i32
        %dma_start3A_559 = tpu.memref_slice %arg4[%add3A_549, %dma_start3A_558] : memref<18432x576xf32, #tpu.memory_space<hbm>> -> memref<8x576xf32, #tpu.memory_space<hbm>>
        %dma_start3A_560 = arith.constant 0 : i32
        %dma_start3A_561 = arith.constant 0 : i32
        %dma_start3A_562 = tpu.memref_slice %arg7[%dma_start3A_550, %dma_start3A_551, %dma_start3A_560, %dma_start3A_561] : memref<2x8x8x576xf32, #tpu.memory_space<vmem>> -> memref<1x1x8x576xf32, #tpu.memory_space<vmem>>
        %dma_start3A_563 = tpu.memref_squeeze %dma_start3A_562 : memref<1x1x8x576xf32, #tpu.memory_space<vmem>> -> memref<8x576xf32, #tpu.memory_space<vmem>>
        tpu.enqueue_dma source(%dma_start3A_563 : memref<8x576xf32, #tpu.memory_space<vmem>>) target(%dma_start3A_559 : memref<8x576xf32, #tpu.memory_space<hbm>>) target_semaphore(%arg11 : memref<!tpu.dma_semaphore, #tpu.memory_space<semaphore_mem>>)
        %mul3A_564 = arith.constant 8 : i32
        %mul3A_565 = arith.muli %select_n3A_9, %mul3A_564 : i32
        %add3A_566 = arith.constant 7 : i32
        %add3A_567 = arith.addi %mul3A_565, %add3A_566 : i32
        %mul3A_568 = arith.constant 576 : i32
        %mul3A_569 = arith.muli %add3A_567, %mul3A_568 : i32
        %mul3A_570 = arith.constant 72 : i32
        %mul3A_571 = arith.muli %select_n3A_30, %mul3A_570 : i32
        %add3A_572 = arith.addi %mul3A_569, %mul3A_571 : i32
        %mul3A_573 = arith.constant 8 : i32
        %mul3A_574 = arith.muli %scan3A_315, %mul3A_573 : i32
        %add3A_575 = arith.addi %add3A_572, %mul3A_574 : i32
        %dma_start3A_576 = arith.constant 0 : i32
        %dma_start3A_577 = arith.constant 7 : i32
        %dma_start3A_578 = arith.constant 0 : i32
        %dma_start3A_579 = arith.constant 0 : i32
        %dma_start3A_580 = tpu.memref_slice %arg7[%dma_start3A_576, %dma_start3A_577, %dma_start3A_578, %dma_start3A_579] : memref<2x8x8x576xf32, #tpu.memory_space<vmem>> -> memref<1x1x8x576xf32, #tpu.memory_space<vmem>>
        %dma_start3A_581 = tpu.memref_squeeze %dma_start3A_580 : memref<1x1x8x576xf32, #tpu.memory_space<vmem>> -> memref<8x576xf32, #tpu.memory_space<vmem>>
        %dma_start3A_582 = arith.constant 0 : i32
        %dma_start3A_583 = tpu.memref_slice %arg4[%add3A_575, %dma_start3A_582] : memref<18432x576xf32, #tpu.memory_space<hbm>> -> memref<8x576xf32, #tpu.memory_space<hbm>>
        %dma_start3A_584 = arith.constant 0 : i32
        %dma_start3A_585 = tpu.memref_slice %arg4[%add3A_575, %dma_start3A_584] : memref<18432x576xf32, #tpu.memory_space<hbm>> -> memref<8x576xf32, #tpu.memory_space<hbm>>
        %dma_start3A_586 = arith.constant 0 : i32
        %dma_start3A_587 = arith.constant 0 : i32
        %dma_start3A_588 = tpu.memref_slice %arg7[%dma_start3A_576, %dma_start3A_577, %dma_start3A_586, %dma_start3A_587] : memref<2x8x8x576xf32, #tpu.memory_space<vmem>> -> memref<1x1x8x576xf32, #tpu.memory_space<vmem>>
        %dma_start3A_589 = tpu.memref_squeeze %dma_start3A_588 : memref<1x1x8x576xf32, #tpu.memory_space<vmem>> -> memref<8x576xf32, #tpu.memory_space<vmem>>
        tpu.enqueue_dma source(%dma_start3A_589 : memref<8x576xf32, #tpu.memory_space<vmem>>) target(%dma_start3A_585 : memref<8x576xf32, #tpu.memory_space<hbm>>) target_semaphore(%arg11 : memref<!tpu.dma_semaphore, #tpu.memory_space<semaphore_mem>>)
      } else {
      }
      %jit3A_335 = arith.constant 2 : i32
      %eq3A_336 = arith.constant 0 : i32
      %eq3A_337 = arith.cmpi eq, %jit3A_335, %eq3A_336 : i32
      %jit3A_338 = arith.constant 1 : i32
      %select_n3A_339 = arith.select %eq3A_337, %jit3A_338, %jit3A_335 : i32
      %rem3A_340 = arith.remsi %scan3A_315, %select_n3A_339 : i32
      %ne3A_341 = arith.constant 0 : i32
      %ne3A_342 = arith.cmpi ne, %rem3A_340, %ne3A_341 : i32
      %lt3A_343 = arith.constant 0 : i32
      %lt3A_344 = arith.cmpi slt, %rem3A_340, %lt3A_343 : i32
      %lt3A_345 = arith.constant 0 : i32
      %lt3A_346 = arith.cmpi slt, %select_n3A_339, %lt3A_345 : i32
      %ne3A_347 = arith.xori %lt3A_344, %lt3A_346 : i1
      %and3A_348 = arith.andi %ne3A_347, %ne3A_342 : i1
      %add3A_349 = arith.addi %rem3A_340, %select_n3A_339 : i32
      %select_n3A_350 = arith.select %and3A_348, %add3A_349, %rem3A_340 : i32
      %eq3A_351 = arith.constant 1 : i32
      %eq3A_352 = arith.cmpi eq, %select_n3A_350, %eq3A_351 : i32
      %convert_element_type3A_353 = arith.extui %eq3A_352 : i1 to i32
      %cond3A_354 = arith.constant 0 : i32
      %cond3A_355 = arith.cmpi ne, %convert_element_type3A_353, %cond3A_354 : i32
      scf.if %cond3A_355 {
        %lt3A_356 = arith.constant 8 : i32
        %lt3A_357 = arith.cmpi slt, %scan3A_315, %lt3A_356 : i32
        %convert_element_type3A_358 = arith.extui %lt3A_357 : i1 to i32
        %cond3A_359 = arith.constant 0 : i32
        %cond3A_360 = arith.cmpi ne, %convert_element_type3A_358, %cond3A_359 : i32
        scf.if %cond3A_360 {
          %add3A_590 = arith.constant 1 : i32
          %add3A_591 = arith.addi %scan3A_315, %add3A_590 : i32
          %mul3A_592 = arith.constant 8 : i32
          %mul3A_593 = arith.muli %add3A_591, %mul3A_592 : i32
          %add3A_594 = arith.addi %mul3A_37, %mul3A_593 : i32
          %dma_start3A_595 = arith.constant 0 : i32
          %dma_start3A_596 = arith.constant 0 : i32
          %dma_start3A_597 = arith.constant 0 : i32
          %dma_start3A_598 = tpu.memref_slice %arg6[%dma_start3A_595, %dma_start3A_596, %dma_start3A_597] : memref<2x8x576xi32, #tpu.memory_space<vmem>> -> memref<1x8x576xi32, #tpu.memory_space<vmem>>
          %dma_start3A_599 = tpu.memref_squeeze %dma_start3A_598 : memref<1x8x576xi32, #tpu.memory_space<vmem>> -> memref<8x576xi32, #tpu.memory_space<vmem>>
          %dma_start3A_600 = arith.constant 0 : i32
          %dma_start3A_601 = tpu.memref_slice %arg3[%add3A_594, %dma_start3A_600] : memref<576x576xi32, #tpu.memory_space<hbm>> -> memref<8x576xi32, #tpu.memory_space<hbm>>
          %dma_start3A_602 = arith.constant 0 : i32
          %dma_start3A_603 = arith.constant 0 : i32
          %dma_start3A_604 = tpu.memref_slice %arg6[%dma_start3A_595, %dma_start3A_602, %dma_start3A_603] : memref<2x8x576xi32, #tpu.memory_space<vmem>> -> memref<1x8x576xi32, #tpu.memory_space<vmem>>
          %dma_start3A_605 = tpu.memref_squeeze %dma_start3A_604 : memref<1x8x576xi32, #tpu.memory_space<vmem>> -> memref<8x576xi32, #tpu.memory_space<vmem>>
          %dma_start3A_606 = arith.constant 0 : i32
          %dma_start3A_607 = tpu.memref_slice %arg3[%add3A_594, %dma_start3A_606] : memref<576x576xi32, #tpu.memory_space<hbm>> -> memref<8x576xi32, #tpu.memory_space<hbm>>
          tpu.enqueue_dma source(%dma_start3A_607 : memref<8x576xi32, #tpu.memory_space<hbm>>) target(%dma_start3A_605 : memref<8x576xi32, #tpu.memory_space<vmem>>) target_semaphore(%arg9 : memref<!tpu.dma_semaphore, #tpu.memory_space<semaphore_mem>>)
        } else {
        }
        %dma_wait3A_361 = arith.constant 1 : i32
        %dma_wait3A_362 = arith.constant 0 : i32
        %dma_wait3A_363 = arith.constant 0 : i32
        %dma_wait3A_364 = tpu.memref_slice %arg6[%dma_wait3A_361, %dma_wait3A_362, %dma_wait3A_363] : memref<2x8x576xi32, #tpu.memory_space<vmem>> -> memref<1x8x576xi32, #tpu.memory_space<vmem>>
        %dma_wait3A_365 = tpu.memref_squeeze %dma_wait3A_364 : memref<1x8x576xi32, #tpu.memory_space<vmem>> -> memref<8x576xi32, #tpu.memory_space<vmem>>
        %dma_wait3A_366 = arith.constant 0 : i32
        %dma_wait3A_367 = arith.constant 0 : i32
        %dma_wait3A_368 = tpu.memref_slice %arg3[%dma_wait3A_366, %dma_wait3A_367] : memref<576x576xi32, #tpu.memory_space<hbm>> -> memref<8x576xi32, #tpu.memory_space<hbm>>
        %dma_wait3A_369 = arith.constant 0 : i32
        %dma_wait3A_370 = arith.constant 0 : i32
        %dma_wait3A_371 = tpu.memref_slice %arg6[%dma_wait3A_361, %dma_wait3A_369, %dma_wait3A_370] : memref<2x8x576xi32, #tpu.memory_space<vmem>> -> memref<1x8x576xi32, #tpu.memory_space<vmem>>
        %dma_wait3A_372 = tpu.memref_squeeze %dma_wait3A_371 : memref<1x8x576xi32, #tpu.memory_space<vmem>> -> memref<8x576xi32, #tpu.memory_space<vmem>>
        %dma_wait3A_373 = arith.constant 0 : i32
        %dma_wait3A_374 = arith.constant 0 : i32
        %dma_wait3A_375 = tpu.memref_slice %arg3[%dma_wait3A_373, %dma_wait3A_374] : memref<576x576xi32, #tpu.memory_space<hbm>> -> memref<8x576xi32, #tpu.memory_space<hbm>>
        tpu.wait_dma2 semaphore(%arg10 : memref<!tpu.dma_semaphore, #tpu.memory_space<semaphore_mem>>) src(%dma_wait3A_375 : memref<8x576xi32, #tpu.memory_space<hbm>>) dst(%dma_wait3A_372 : memref<8x576xi32, #tpu.memory_space<vmem>>)
        %ge3A = arith.constant 2 : i32
        %ge3A_376 = arith.cmpi sge, %scan3A_315, %ge3A : i32
        %convert_element_type3A_377 = arith.extui %ge3A_376 : i1 to i32
        %cond3A_378 = arith.constant 0 : i32
        %cond3A_379 = arith.cmpi ne, %convert_element_type3A_377, %cond3A_378 : i32
        scf.if %cond3A_379 {
          %dma_wait3A_590 = arith.constant 1 : i32
          %dma_wait3A_591 = arith.constant 0 : i32
          %dma_wait3A_592 = arith.constant 0 : i32
          %dma_wait3A_593 = arith.constant 0 : i32
          %dma_wait3A_594 = tpu.memref_slice %arg7[%dma_wait3A_590, %dma_wait3A_591, %dma_wait3A_592, %dma_wait3A_593] : memref<2x8x8x576xf32, #tpu.memory_space<vmem>> -> memref<1x1x8x576xf32, #tpu.memory_space<vmem>>
          %dma_wait3A_595 = tpu.memref_squeeze %dma_wait3A_594 : memref<1x1x8x576xf32, #tpu.memory_space<vmem>> -> memref<8x576xf32, #tpu.memory_space<vmem>>
          %dma_wait3A_596 = arith.constant 0 : i32
          %dma_wait3A_597 = arith.constant 0 : i32
          %dma_wait3A_598 = tpu.memref_slice %arg4[%dma_wait3A_596, %dma_wait3A_597] : memref<18432x576xf32, #tpu.memory_space<hbm>> -> memref<8x576xf32, #tpu.memory_space<hbm>>
          %dma_wait3A_599 = arith.constant 0 : i32
          %dma_wait3A_600 = arith.constant 0 : i32
          %dma_wait3A_601 = tpu.memref_slice %arg4[%dma_wait3A_599, %dma_wait3A_600] : memref<18432x576xf32, #tpu.memory_space<hbm>> -> memref<8x576xf32, #tpu.memory_space<hbm>>
          %dma_wait3A_602 = arith.constant 0 : i32
          %dma_wait3A_603 = arith.constant 0 : i32
          %dma_wait3A_604 = tpu.memref_slice %arg7[%dma_wait3A_590, %dma_wait3A_591, %dma_wait3A_602, %dma_wait3A_603] : memref<2x8x8x576xf32, #tpu.memory_space<vmem>> -> memref<1x1x8x576xf32, #tpu.memory_space<vmem>>
          %dma_wait3A_605 = tpu.memref_squeeze %dma_wait3A_604 : memref<1x1x8x576xf32, #tpu.memory_space<vmem>> -> memref<8x576xf32, #tpu.memory_space<vmem>>
          tpu.wait_dma2 semaphore(%arg12 : memref<!tpu.dma_semaphore, #tpu.memory_space<semaphore_mem>>) src(%dma_wait3A_605 : memref<8x576xf32, #tpu.memory_space<vmem>>) dst(%dma_wait3A_601 : memref<8x576xf32, #tpu.memory_space<hbm>>)
          %dma_wait3A_606 = arith.constant 1 : i32
          %dma_wait3A_607 = arith.constant 1 : i32
          %dma_wait3A_608 = arith.constant 0 : i32
          %dma_wait3A_609 = arith.constant 0 : i32
          %dma_wait3A_610 = tpu.memref_slice %arg7[%dma_wait3A_606, %dma_wait3A_607, %dma_wait3A_608, %dma_wait3A_609] : memref<2x8x8x576xf32, #tpu.memory_space<vmem>> -> memref<1x1x8x576xf32, #tpu.memory_space<vmem>>
          %dma_wait3A_611 = tpu.memref_squeeze %dma_wait3A_610 : memref<1x1x8x576xf32, #tpu.memory_space<vmem>> -> memref<8x576xf32, #tpu.memory_space<vmem>>
          %dma_wait3A_612 = arith.constant 0 : i32
          %dma_wait3A_613 = arith.constant 0 : i32
          %dma_wait3A_614 = tpu.memref_slice %arg4[%dma_wait3A_612, %dma_wait3A_613] : memref<18432x576xf32, #tpu.memory_space<hbm>> -> memref<8x576xf32, #tpu.memory_space<hbm>>
          %dma_wait3A_615 = arith.constant 0 : i32
          %dma_wait3A_616 = arith.constant 0 : i32
          %dma_wait3A_617 = tpu.memref_slice %arg4[%dma_wait3A_615, %dma_wait3A_616] : memref<18432x576xf32, #tpu.memory_space<hbm>> -> memref<8x576xf32, #tpu.memory_space<hbm>>
          %dma_wait3A_618 = arith.constant 0 : i32
          %dma_wait3A_619 = arith.constant 0 : i32
          %dma_wait3A_620 = tpu.memref_slice %arg7[%dma_wait3A_606, %dma_wait3A_607, %dma_wait3A_618, %dma_wait3A_619] : memref<2x8x8x576xf32, #tpu.memory_space<vmem>> -> memref<1x1x8x576xf32, #tpu.memory_space<vmem>>
          %dma_wait3A_621 = tpu.memref_squeeze %dma_wait3A_620 : memref<1x1x8x576xf32, #tpu.memory_space<vmem>> -> memref<8x576xf32, #tpu.memory_space<vmem>>
          tpu.wait_dma2 semaphore(%arg12 : memref<!tpu.dma_semaphore, #tpu.memory_space<semaphore_mem>>) src(%dma_wait3A_621 : memref<8x576xf32, #tpu.memory_space<vmem>>) dst(%dma_wait3A_617 : memref<8x576xf32, #tpu.memory_space<hbm>>)
          %dma_wait3A_622 = arith.constant 1 : i32
          %dma_wait3A_623 = arith.constant 2 : i32
          %dma_wait3A_624 = arith.constant 0 : i32
          %dma_wait3A_625 = arith.constant 0 : i32
          %dma_wait3A_626 = tpu.memref_slice %arg7[%dma_wait3A_622, %dma_wait3A_623, %dma_wait3A_624, %dma_wait3A_625] : memref<2x8x8x576xf32, #tpu.memory_space<vmem>> -> memref<1x1x8x576xf32, #tpu.memory_space<vmem>>
          %dma_wait3A_627 = tpu.memref_squeeze %dma_wait3A_626 : memref<1x1x8x576xf32, #tpu.memory_space<vmem>> -> memref<8x576xf32, #tpu.memory_space<vmem>>
          %dma_wait3A_628 = arith.constant 0 : i32
          %dma_wait3A_629 = arith.constant 0 : i32
          %dma_wait3A_630 = tpu.memref_slice %arg4[%dma_wait3A_628, %dma_wait3A_629] : memref<18432x576xf32, #tpu.memory_space<hbm>> -> memref<8x576xf32, #tpu.memory_space<hbm>>
          %dma_wait3A_631 = arith.constant 0 : i32
          %dma_wait3A_632 = arith.constant 0 : i32
          %dma_wait3A_633 = tpu.memref_slice %arg4[%dma_wait3A_631, %dma_wait3A_632] : memref<18432x576xf32, #tpu.memory_space<hbm>> -> memref<8x576xf32, #tpu.memory_space<hbm>>
          %dma_wait3A_634 = arith.constant 0 : i32
          %dma_wait3A_635 = arith.constant 0 : i32
          %dma_wait3A_636 = tpu.memref_slice %arg7[%dma_wait3A_622, %dma_wait3A_623, %dma_wait3A_634, %dma_wait3A_635] : memref<2x8x8x576xf32, #tpu.memory_space<vmem>> -> memref<1x1x8x576xf32, #tpu.memory_space<vmem>>
          %dma_wait3A_637 = tpu.memref_squeeze %dma_wait3A_636 : memref<1x1x8x576xf32, #tpu.memory_space<vmem>> -> memref<8x576xf32, #tpu.memory_space<vmem>>
          tpu.wait_dma2 semaphore(%arg12 : memref<!tpu.dma_semaphore, #tpu.memory_space<semaphore_mem>>) src(%dma_wait3A_637 : memref<8x576xf32, #tpu.memory_space<vmem>>) dst(%dma_wait3A_633 : memref<8x576xf32, #tpu.memory_space<hbm>>)
          %dma_wait3A_638 = arith.constant 1 : i32
          %dma_wait3A_639 = arith.constant 3 : i32
          %dma_wait3A_640 = arith.constant 0 : i32
          %dma_wait3A_641 = arith.constant 0 : i32
          %dma_wait3A_642 = tpu.memref_slice %arg7[%dma_wait3A_638, %dma_wait3A_639, %dma_wait3A_640, %dma_wait3A_641] : memref<2x8x8x576xf32, #tpu.memory_space<vmem>> -> memref<1x1x8x576xf32, #tpu.memory_space<vmem>>
          %dma_wait3A_643 = tpu.memref_squeeze %dma_wait3A_642 : memref<1x1x8x576xf32, #tpu.memory_space<vmem>> -> memref<8x576xf32, #tpu.memory_space<vmem>>
          %dma_wait3A_644 = arith.constant 0 : i32
          %dma_wait3A_645 = arith.constant 0 : i32
          %dma_wait3A_646 = tpu.memref_slice %arg4[%dma_wait3A_644, %dma_wait3A_645] : memref<18432x576xf32, #tpu.memory_space<hbm>> -> memref<8x576xf32, #tpu.memory_space<hbm>>
          %dma_wait3A_647 = arith.constant 0 : i32
          %dma_wait3A_648 = arith.constant 0 : i32
          %dma_wait3A_649 = tpu.memref_slice %arg4[%dma_wait3A_647, %dma_wait3A_648] : memref<18432x576xf32, #tpu.memory_space<hbm>> -> memref<8x576xf32, #tpu.memory_space<hbm>>
          %dma_wait3A_650 = arith.constant 0 : i32
          %dma_wait3A_651 = arith.constant 0 : i32
          %dma_wait3A_652 = tpu.memref_slice %arg7[%dma_wait3A_638, %dma_wait3A_639, %dma_wait3A_650, %dma_wait3A_651] : memref<2x8x8x576xf32, #tpu.memory_space<vmem>> -> memref<1x1x8x576xf32, #tpu.memory_space<vmem>>
          %dma_wait3A_653 = tpu.memref_squeeze %dma_wait3A_652 : memref<1x1x8x576xf32, #tpu.memory_space<vmem>> -> memref<8x576xf32, #tpu.memory_space<vmem>>
          tpu.wait_dma2 semaphore(%arg12 : memref<!tpu.dma_semaphore, #tpu.memory_space<semaphore_mem>>) src(%dma_wait3A_653 : memref<8x576xf32, #tpu.memory_space<vmem>>) dst(%dma_wait3A_649 : memref<8x576xf32, #tpu.memory_space<hbm>>)
          %dma_wait3A_654 = arith.constant 1 : i32
          %dma_wait3A_655 = arith.constant 4 : i32
          %dma_wait3A_656 = arith.constant 0 : i32
          %dma_wait3A_657 = arith.constant 0 : i32
          %dma_wait3A_658 = tpu.memref_slice %arg7[%dma_wait3A_654, %dma_wait3A_655, %dma_wait3A_656, %dma_wait3A_657] : memref<2x8x8x576xf32, #tpu.memory_space<vmem>> -> memref<1x1x8x576xf32, #tpu.memory_space<vmem>>
          %dma_wait3A_659 = tpu.memref_squeeze %dma_wait3A_658 : memref<1x1x8x576xf32, #tpu.memory_space<vmem>> -> memref<8x576xf32, #tpu.memory_space<vmem>>
          %dma_wait3A_660 = arith.constant 0 : i32
          %dma_wait3A_661 = arith.constant 0 : i32
          %dma_wait3A_662 = tpu.memref_slice %arg4[%dma_wait3A_660, %dma_wait3A_661] : memref<18432x576xf32, #tpu.memory_space<hbm>> -> memref<8x576xf32, #tpu.memory_space<hbm>>
          %dma_wait3A_663 = arith.constant 0 : i32
          %dma_wait3A_664 = arith.constant 0 : i32
          %dma_wait3A_665 = tpu.memref_slice %arg4[%dma_wait3A_663, %dma_wait3A_664] : memref<18432x576xf32, #tpu.memory_space<hbm>> -> memref<8x576xf32, #tpu.memory_space<hbm>>
          %dma_wait3A_666 = arith.constant 0 : i32
          %dma_wait3A_667 = arith.constant 0 : i32
          %dma_wait3A_668 = tpu.memref_slice %arg7[%dma_wait3A_654, %dma_wait3A_655, %dma_wait3A_666, %dma_wait3A_667] : memref<2x8x8x576xf32, #tpu.memory_space<vmem>> -> memref<1x1x8x576xf32, #tpu.memory_space<vmem>>
          %dma_wait3A_669 = tpu.memref_squeeze %dma_wait3A_668 : memref<1x1x8x576xf32, #tpu.memory_space<vmem>> -> memref<8x576xf32, #tpu.memory_space<vmem>>
          tpu.wait_dma2 semaphore(%arg12 : memref<!tpu.dma_semaphore, #tpu.memory_space<semaphore_mem>>) src(%dma_wait3A_669 : memref<8x576xf32, #tpu.memory_space<vmem>>) dst(%dma_wait3A_665 : memref<8x576xf32, #tpu.memory_space<hbm>>)
          %dma_wait3A_670 = arith.constant 1 : i32
          %dma_wait3A_671 = arith.constant 5 : i32
          %dma_wait3A_672 = arith.constant 0 : i32
          %dma_wait3A_673 = arith.constant 0 : i32
          %dma_wait3A_674 = tpu.memref_slice %arg7[%dma_wait3A_670, %dma_wait3A_671, %dma_wait3A_672, %dma_wait3A_673] : memref<2x8x8x576xf32, #tpu.memory_space<vmem>> -> memref<1x1x8x576xf32, #tpu.memory_space<vmem>>
          %dma_wait3A_675 = tpu.memref_squeeze %dma_wait3A_674 : memref<1x1x8x576xf32, #tpu.memory_space<vmem>> -> memref<8x576xf32, #tpu.memory_space<vmem>>
          %dma_wait3A_676 = arith.constant 0 : i32
          %dma_wait3A_677 = arith.constant 0 : i32
          %dma_wait3A_678 = tpu.memref_slice %arg4[%dma_wait3A_676, %dma_wait3A_677] : memref<18432x576xf32, #tpu.memory_space<hbm>> -> memref<8x576xf32, #tpu.memory_space<hbm>>
          %dma_wait3A_679 = arith.constant 0 : i32
          %dma_wait3A_680 = arith.constant 0 : i32
          %dma_wait3A_681 = tpu.memref_slice %arg4[%dma_wait3A_679, %dma_wait3A_680] : memref<18432x576xf32, #tpu.memory_space<hbm>> -> memref<8x576xf32, #tpu.memory_space<hbm>>
          %dma_wait3A_682 = arith.constant 0 : i32
          %dma_wait3A_683 = arith.constant 0 : i32
          %dma_wait3A_684 = tpu.memref_slice %arg7[%dma_wait3A_670, %dma_wait3A_671, %dma_wait3A_682, %dma_wait3A_683] : memref<2x8x8x576xf32, #tpu.memory_space<vmem>> -> memref<1x1x8x576xf32, #tpu.memory_space<vmem>>
          %dma_wait3A_685 = tpu.memref_squeeze %dma_wait3A_684 : memref<1x1x8x576xf32, #tpu.memory_space<vmem>> -> memref<8x576xf32, #tpu.memory_space<vmem>>
          tpu.wait_dma2 semaphore(%arg12 : memref<!tpu.dma_semaphore, #tpu.memory_space<semaphore_mem>>) src(%dma_wait3A_685 : memref<8x576xf32, #tpu.memory_space<vmem>>) dst(%dma_wait3A_681 : memref<8x576xf32, #tpu.memory_space<hbm>>)
          %dma_wait3A_686 = arith.constant 1 : i32
          %dma_wait3A_687 = arith.constant 6 : i32
          %dma_wait3A_688 = arith.constant 0 : i32
          %dma_wait3A_689 = arith.constant 0 : i32
          %dma_wait3A_690 = tpu.memref_slice %arg7[%dma_wait3A_686, %dma_wait3A_687, %dma_wait3A_688, %dma_wait3A_689] : memref<2x8x8x576xf32, #tpu.memory_space<vmem>> -> memref<1x1x8x576xf32, #tpu.memory_space<vmem>>
          %dma_wait3A_691 = tpu.memref_squeeze %dma_wait3A_690 : memref<1x1x8x576xf32, #tpu.memory_space<vmem>> -> memref<8x576xf32, #tpu.memory_space<vmem>>
          %dma_wait3A_692 = arith.constant 0 : i32
          %dma_wait3A_693 = arith.constant 0 : i32
          %dma_wait3A_694 = tpu.memref_slice %arg4[%dma_wait3A_692, %dma_wait3A_693] : memref<18432x576xf32, #tpu.memory_space<hbm>> -> memref<8x576xf32, #tpu.memory_space<hbm>>
          %dma_wait3A_695 = arith.constant 0 : i32
          %dma_wait3A_696 = arith.constant 0 : i32
          %dma_wait3A_697 = tpu.memref_slice %arg4[%dma_wait3A_695, %dma_wait3A_696] : memref<18432x576xf32, #tpu.memory_space<hbm>> -> memref<8x576xf32, #tpu.memory_space<hbm>>
          %dma_wait3A_698 = arith.constant 0 : i32
          %dma_wait3A_699 = arith.constant 0 : i32
          %dma_wait3A_700 = tpu.memref_slice %arg7[%dma_wait3A_686, %dma_wait3A_687, %dma_wait3A_698, %dma_wait3A_699] : memref<2x8x8x576xf32, #tpu.memory_space<vmem>> -> memref<1x1x8x576xf32, #tpu.memory_space<vmem>>
          %dma_wait3A_701 = tpu.memref_squeeze %dma_wait3A_700 : memref<1x1x8x576xf32, #tpu.memory_space<vmem>> -> memref<8x576xf32, #tpu.memory_space<vmem>>
          tpu.wait_dma2 semaphore(%arg12 : memref<!tpu.dma_semaphore, #tpu.memory_space<semaphore_mem>>) src(%dma_wait3A_701 : memref<8x576xf32, #tpu.memory_space<vmem>>) dst(%dma_wait3A_697 : memref<8x576xf32, #tpu.memory_space<hbm>>)
          %dma_wait3A_702 = arith.constant 1 : i32
          %dma_wait3A_703 = arith.constant 7 : i32
          %dma_wait3A_704 = arith.constant 0 : i32
          %dma_wait3A_705 = arith.constant 0 : i32
          %dma_wait3A_706 = tpu.memref_slice %arg7[%dma_wait3A_702, %dma_wait3A_703, %dma_wait3A_704, %dma_wait3A_705] : memref<2x8x8x576xf32, #tpu.memory_space<vmem>> -> memref<1x1x8x576xf32, #tpu.memory_space<vmem>>
          %dma_wait3A_707 = tpu.memref_squeeze %dma_wait3A_706 : memref<1x1x8x576xf32, #tpu.memory_space<vmem>> -> memref<8x576xf32, #tpu.memory_space<vmem>>
          %dma_wait3A_708 = arith.constant 0 : i32
          %dma_wait3A_709 = arith.constant 0 : i32
          %dma_wait3A_710 = tpu.memref_slice %arg4[%dma_wait3A_708, %dma_wait3A_709] : memref<18432x576xf32, #tpu.memory_space<hbm>> -> memref<8x576xf32, #tpu.memory_space<hbm>>
          %dma_wait3A_711 = arith.constant 0 : i32
          %dma_wait3A_712 = arith.constant 0 : i32
          %dma_wait3A_713 = tpu.memref_slice %arg4[%dma_wait3A_711, %dma_wait3A_712] : memref<18432x576xf32, #tpu.memory_space<hbm>> -> memref<8x576xf32, #tpu.memory_space<hbm>>
          %dma_wait3A_714 = arith.constant 0 : i32
          %dma_wait3A_715 = arith.constant 0 : i32
          %dma_wait3A_716 = tpu.memref_slice %arg7[%dma_wait3A_702, %dma_wait3A_703, %dma_wait3A_714, %dma_wait3A_715] : memref<2x8x8x576xf32, #tpu.memory_space<vmem>> -> memref<1x1x8x576xf32, #tpu.memory_space<vmem>>
          %dma_wait3A_717 = tpu.memref_squeeze %dma_wait3A_716 : memref<1x1x8x576xf32, #tpu.memory_space<vmem>> -> memref<8x576xf32, #tpu.memory_space<vmem>>
          tpu.wait_dma2 semaphore(%arg12 : memref<!tpu.dma_semaphore, #tpu.memory_space<semaphore_mem>>) src(%dma_wait3A_717 : memref<8x576xf32, #tpu.memory_space<vmem>>) dst(%dma_wait3A_713 : memref<8x576xf32, #tpu.memory_space<hbm>>)
        } else {
        }
        %parallel_loop3A = arith.constant 0 : i32
        %parallel_loop3A_380 = arith.constant 8 : i32
        %parallel_loop3A_381 = arith.constant 1 : i32
        scf.for %parallel_loop3A_590 = %parallel_loop3A to %parallel_loop3A_380 step %parallel_loop3A_381  : i32 {
          %parallel_loop3A_591 = arith.constant 0 : i32
          %parallel_loop3A_592 = arith.constant 36 : i32
          %parallel_loop3A_593 = arith.constant 1 : i32
          scf.for %parallel_loop3A_594 = %parallel_loop3A_591 to %parallel_loop3A_592 step %parallel_loop3A_593  : i32 {
            %parallel_loop3A_595 = arith.constant 16 : i32
            %parallel_loop3A_596 = arith.muli %parallel_loop3A_594, %parallel_loop3A_595 : i32
            %parallel_loop3A_597 = arith.constant 1 : i32
            %parallel_loop3A_598 = arith.index_cast %parallel_loop3A_597 : i32 to index
            %parallel_loop3A_599 = arith.index_cast %parallel_loop3A_590 : i32 to index
            %parallel_loop3A_600 = arith.index_cast %parallel_loop3A_596 : i32 to index
            %parallel_loop3A_601 = tpu.vector_load %arg6[%parallel_loop3A_598, %parallel_loop3A_599, %parallel_loop3A_600] {strides = array<i32>} : memref<2x8x576xi32, #tpu.memory_space<vmem>>, vector<16xi32>,
            %parallel_loop3A_602 = arith.constant 0 : i32
            %parallel_loop3A_603 = vector.broadcast %parallel_loop3A_602 : i32 to vector<16xi32>
            %parallel_loop3A_604 = arith.addi %parallel_loop3A_601, %parallel_loop3A_603 : vector<16xi32>
            %parallel_loop3A_605 = tpu.vector_load_idx %arg5[%parallel_loop3A_604] : memref<18432xf32, #tpu.memory_space<vmem>>[vector<16xi32>], vector<16xf32>,
            %parallel_loop3A_606 = arith.constant 16 : i32
            %parallel_loop3A_607 = arith.muli %parallel_loop3A_594, %parallel_loop3A_606 : i32
            %parallel_loop3A_608 = arith.constant 1 : i32
            %parallel_loop3A_609 = arith.constant 0 : i32
            %parallel_loop3A_610 = arith.index_cast %parallel_loop3A_608 : i32 to index
            %parallel_loop3A_611 = arith.index_cast %parallel_loop3A_609 : i32 to index
            %parallel_loop3A_612 = arith.index_cast %parallel_loop3A_590 : i32 to index
            %parallel_loop3A_613 = arith.index_cast %parallel_loop3A_607 : i32 to index
            %parallel_loop3A_614 = tpu.vector_load %arg7[%parallel_loop3A_610, %parallel_loop3A_611, %parallel_loop3A_612, %parallel_loop3A_613] {strides = array<i32>} : memref<2x8x8x576xf32, #tpu.memory_space<vmem>>, vector<16xf32>,
            tpu.vector_store %arg7[%parallel_loop3A_610, %parallel_loop3A_611, %parallel_loop3A_612, %parallel_loop3A_613], %parallel_loop3A_605 {strides = array<i32>} : memref<2x8x8x576xf32, #tpu.memory_space<vmem>>, vector<16xf32>,
            %parallel_loop3A_615 = arith.constant 2304 : i32
            %parallel_loop3A_616 = vector.broadcast %parallel_loop3A_615 : i32 to vector<16xi32>
            %parallel_loop3A_617 = arith.addi %parallel_loop3A_601, %parallel_loop3A_616 : vector<16xi32>
            %parallel_loop3A_618 = tpu.vector_load_idx %arg5[%parallel_loop3A_617] : memref<18432xf32, #tpu.memory_space<vmem>>[vector<16xi32>], vector<16xf32>,
            %parallel_loop3A_619 = arith.constant 16 : i32
            %parallel_loop3A_620 = arith.muli %parallel_loop3A_594, %parallel_loop3A_619 : i32
            %parallel_loop3A_621 = arith.constant 1 : i32
            %parallel_loop3A_622 = arith.constant 1 : i32
            %parallel_loop3A_623 = arith.index_cast %parallel_loop3A_621 : i32 to index
            %parallel_loop3A_624 = arith.index_cast %parallel_loop3A_622 : i32 to index
            %parallel_loop3A_625 = arith.index_cast %parallel_loop3A_590 : i32 to index
            %parallel_loop3A_626 = arith.index_cast %parallel_loop3A_620 : i32 to index
            %parallel_loop3A_627 = tpu.vector_load %arg7[%parallel_loop3A_623, %parallel_loop3A_624, %parallel_loop3A_625, %parallel_loop3A_626] {strides = array<i32>} : memref<2x8x8x576xf32, #tpu.memory_space<vmem>>, vector<16xf32>,
            tpu.vector_store %arg7[%parallel_loop3A_623, %parallel_loop3A_624, %parallel_loop3A_625, %parallel_loop3A_626], %parallel_loop3A_618 {strides = array<i32>} : memref<2x8x8x576xf32, #tpu.memory_space<vmem>>, vector<16xf32>,
            %parallel_loop3A_628 = arith.constant 4608 : i32
            %parallel_loop3A_629 = vector.broadcast %parallel_loop3A_628 : i32 to vector<16xi32>
            %parallel_loop3A_630 = arith.addi %parallel_loop3A_601, %parallel_loop3A_629 : vector<16xi32>
            %parallel_loop3A_631 = tpu.vector_load_idx %arg5[%parallel_loop3A_630] : memref<18432xf32, #tpu.memory_space<vmem>>[vector<16xi32>], vector<16xf32>,
            %parallel_loop3A_632 = arith.constant 16 : i32
            %parallel_loop3A_633 = arith.muli %parallel_loop3A_594, %parallel_loop3A_632 : i32
            %parallel_loop3A_634 = arith.constant 1 : i32
            %parallel_loop3A_635 = arith.constant 2 : i32
            %parallel_loop3A_636 = arith.index_cast %parallel_loop3A_634 : i32 to index
            %parallel_loop3A_637 = arith.index_cast %parallel_loop3A_635 : i32 to index
            %parallel_loop3A_638 = arith.index_cast %parallel_loop3A_590 : i32 to index
            %parallel_loop3A_639 = arith.index_cast %parallel_loop3A_633 : i32 to index
            %parallel_loop3A_640 = tpu.vector_load %arg7[%parallel_loop3A_636, %parallel_loop3A_637, %parallel_loop3A_638, %parallel_loop3A_639] {strides = array<i32>} : memref<2x8x8x576xf32, #tpu.memory_space<vmem>>, vector<16xf32>,
            tpu.vector_store %arg7[%parallel_loop3A_636, %parallel_loop3A_637, %parallel_loop3A_638, %parallel_loop3A_639], %parallel_loop3A_631 {strides = array<i32>} : memref<2x8x8x576xf32, #tpu.memory_space<vmem>>, vector<16xf32>,
            %parallel_loop3A_641 = arith.constant 6912 : i32
            %parallel_loop3A_642 = vector.broadcast %parallel_loop3A_641 : i32 to vector<16xi32>
            %parallel_loop3A_643 = arith.addi %parallel_loop3A_601, %parallel_loop3A_642 : vector<16xi32>
            %parallel_loop3A_644 = tpu.vector_load_idx %arg5[%parallel_loop3A_643] : memref<18432xf32, #tpu.memory_space<vmem>>[vector<16xi32>], vector<16xf32>,
            %parallel_loop3A_645 = arith.constant 16 : i32
            %parallel_loop3A_646 = arith.muli %parallel_loop3A_594, %parallel_loop3A_645 : i32
            %parallel_loop3A_647 = arith.constant 1 : i32
            %parallel_loop3A_648 = arith.constant 3 : i32
            %parallel_loop3A_649 = arith.index_cast %parallel_loop3A_647 : i32 to index
            %parallel_loop3A_650 = arith.index_cast %parallel_loop3A_648 : i32 to index
            %parallel_loop3A_651 = arith.index_cast %parallel_loop3A_590 : i32 to index
            %parallel_loop3A_652 = arith.index_cast %parallel_loop3A_646 : i32 to index
            %parallel_loop3A_653 = tpu.vector_load %arg7[%parallel_loop3A_649, %parallel_loop3A_650, %parallel_loop3A_651, %parallel_loop3A_652] {strides = array<i32>} : memref<2x8x8x576xf32, #tpu.memory_space<vmem>>, vector<16xf32>,
            tpu.vector_store %arg7[%parallel_loop3A_649, %parallel_loop3A_650, %parallel_loop3A_651, %parallel_loop3A_652], %parallel_loop3A_644 {strides = array<i32>} : memref<2x8x8x576xf32, #tpu.memory_space<vmem>>, vector<16xf32>,
            %parallel_loop3A_654 = arith.constant 9216 : i32
            %parallel_loop3A_655 = vector.broadcast %parallel_loop3A_654 : i32 to vector<16xi32>
            %parallel_loop3A_656 = arith.addi %parallel_loop3A_601, %parallel_loop3A_655 : vector<16xi32>
            %parallel_loop3A_657 = tpu.vector_load_idx %arg5[%parallel_loop3A_656] : memref<18432xf32, #tpu.memory_space<vmem>>[vector<16xi32>], vector<16xf32>,
            %parallel_loop3A_658 = arith.constant 16 : i32
            %parallel_loop3A_659 = arith.muli %parallel_loop3A_594, %parallel_loop3A_658 : i32
            %parallel_loop3A_660 = arith.constant 1 : i32
            %parallel_loop3A_661 = arith.constant 4 : i32
            %parallel_loop3A_662 = arith.index_cast %parallel_loop3A_660 : i32 to index
            %parallel_loop3A_663 = arith.index_cast %parallel_loop3A_661 : i32 to index
            %parallel_loop3A_664 = arith.index_cast %parallel_loop3A_590 : i32 to index
            %parallel_loop3A_665 = arith.index_cast %parallel_loop3A_659 : i32 to index
            %parallel_loop3A_666 = tpu.vector_load %arg7[%parallel_loop3A_662, %parallel_loop3A_663, %parallel_loop3A_664, %parallel_loop3A_665] {strides = array<i32>} : memref<2x8x8x576xf32, #tpu.memory_space<vmem>>, vector<16xf32>,
            tpu.vector_store %arg7[%parallel_loop3A_662, %parallel_loop3A_663, %parallel_loop3A_664, %parallel_loop3A_665], %parallel_loop3A_657 {strides = array<i32>} : memref<2x8x8x576xf32, #tpu.memory_space<vmem>>, vector<16xf32>,
            %parallel_loop3A_667 = arith.constant 11520 : i32
            %parallel_loop3A_668 = vector.broadcast %parallel_loop3A_667 : i32 to vector<16xi32>
            %parallel_loop3A_669 = arith.addi %parallel_loop3A_601, %parallel_loop3A_668 : vector<16xi32>
            %parallel_loop3A_670 = tpu.vector_load_idx %arg5[%parallel_loop3A_669] : memref<18432xf32, #tpu.memory_space<vmem>>[vector<16xi32>], vector<16xf32>,
            %parallel_loop3A_671 = arith.constant 16 : i32
            %parallel_loop3A_672 = arith.muli %parallel_loop3A_594, %parallel_loop3A_671 : i32
            %parallel_loop3A_673 = arith.constant 1 : i32
            %parallel_loop3A_674 = arith.constant 5 : i32
            %parallel_loop3A_675 = arith.index_cast %parallel_loop3A_673 : i32 to index
            %parallel_loop3A_676 = arith.index_cast %parallel_loop3A_674 : i32 to index
            %parallel_loop3A_677 = arith.index_cast %parallel_loop3A_590 : i32 to index
            %parallel_loop3A_678 = arith.index_cast %parallel_loop3A_672 : i32 to index
            %parallel_loop3A_679 = tpu.vector_load %arg7[%parallel_loop3A_675, %parallel_loop3A_676, %parallel_loop3A_677, %parallel_loop3A_678] {strides = array<i32>} : memref<2x8x8x576xf32, #tpu.memory_space<vmem>>, vector<16xf32>,
            tpu.vector_store %arg7[%parallel_loop3A_675, %parallel_loop3A_676, %parallel_loop3A_677, %parallel_loop3A_678], %parallel_loop3A_670 {strides = array<i32>} : memref<2x8x8x576xf32, #tpu.memory_space<vmem>>, vector<16xf32>,
            %parallel_loop3A_680 = arith.constant 13824 : i32
            %parallel_loop3A_681 = vector.broadcast %parallel_loop3A_680 : i32 to vector<16xi32>
            %parallel_loop3A_682 = arith.addi %parallel_loop3A_601, %parallel_loop3A_681 : vector<16xi32>
            %parallel_loop3A_683 = tpu.vector_load_idx %arg5[%parallel_loop3A_682] : memref<18432xf32, #tpu.memory_space<vmem>>[vector<16xi32>], vector<16xf32>,
            %parallel_loop3A_684 = arith.constant 16 : i32
            %parallel_loop3A_685 = arith.muli %parallel_loop3A_594, %parallel_loop3A_684 : i32
            %parallel_loop3A_686 = arith.constant 1 : i32
            %parallel_loop3A_687 = arith.constant 6 : i32
            %parallel_loop3A_688 = arith.index_cast %parallel_loop3A_686 : i32 to index
            %parallel_loop3A_689 = arith.index_cast %parallel_loop3A_687 : i32 to index
            %parallel_loop3A_690 = arith.index_cast %parallel_loop3A_590 : i32 to index
            %parallel_loop3A_691 = arith.index_cast %parallel_loop3A_685 : i32 to index
            %parallel_loop3A_692 = tpu.vector_load %arg7[%parallel_loop3A_688, %parallel_loop3A_689, %parallel_loop3A_690, %parallel_loop3A_691] {strides = array<i32>} : memref<2x8x8x576xf32, #tpu.memory_space<vmem>>, vector<16xf32>,
            tpu.vector_store %arg7[%parallel_loop3A_688, %parallel_loop3A_689, %parallel_loop3A_690, %parallel_loop3A_691], %parallel_loop3A_683 {strides = array<i32>} : memref<2x8x8x576xf32, #tpu.memory_space<vmem>>, vector<16xf32>,
            %parallel_loop3A_693 = arith.constant 16128 : i32
            %parallel_loop3A_694 = vector.broadcast %parallel_loop3A_693 : i32 to vector<16xi32>
            %parallel_loop3A_695 = arith.addi %parallel_loop3A_601, %parallel_loop3A_694 : vector<16xi32>
            %parallel_loop3A_696 = tpu.vector_load_idx %arg5[%parallel_loop3A_695] : memref<18432xf32, #tpu.memory_space<vmem>>[vector<16xi32>], vector<16xf32>,
            %parallel_loop3A_697 = arith.constant 16 : i32
            %parallel_loop3A_698 = arith.muli %parallel_loop3A_594, %parallel_loop3A_697 : i32
            %parallel_loop3A_699 = arith.constant 1 : i32
            %parallel_loop3A_700 = arith.constant 7 : i32
            %parallel_loop3A_701 = arith.index_cast %parallel_loop3A_699 : i32 to index
            %parallel_loop3A_702 = arith.index_cast %parallel_loop3A_700 : i32 to index
            %parallel_loop3A_703 = arith.index_cast %parallel_loop3A_590 : i32 to index
            %parallel_loop3A_704 = arith.index_cast %parallel_loop3A_698 : i32 to index
            %parallel_loop3A_705 = tpu.vector_load %arg7[%parallel_loop3A_701, %parallel_loop3A_702, %parallel_loop3A_703, %parallel_loop3A_704] {strides = array<i32>} : memref<2x8x8x576xf32, #tpu.memory_space<vmem>>, vector<16xf32>,
            tpu.vector_store %arg7[%parallel_loop3A_701, %parallel_loop3A_702, %parallel_loop3A_703, %parallel_loop3A_704], %parallel_loop3A_696 {strides = array<i32>} : memref<2x8x8x576xf32, #tpu.memory_space<vmem>>, vector<16xf32>,
          } {sc.loop_unroll_factor = 2 : i64, sc.parallel_access}
        } {sc.loop_unroll_factor = 1 : i64, sc.parallel_access}
        %mul3A_382 = arith.constant 8 : i32
        %mul3A_383 = arith.muli %select_n3A_9, %mul3A_382 : i32
        %add3A_384 = arith.constant 0 : i32
        %add3A_385 = arith.addi %mul3A_383, %add3A_384 : i32
        %mul3A_386 = arith.constant 576 : i32
        %mul3A_387 = arith.muli %add3A_385, %mul3A_386 : i32
        %mul3A_388 = arith.constant 72 : i32
        %mul3A_389 = arith.muli %select_n3A_30, %mul3A_388 : i32
        %add3A_390 = arith.addi %mul3A_387, %mul3A_389 : i32
        %mul3A_391 = arith.constant 8 : i32
        %mul3A_392 = arith.muli %scan3A_315, %mul3A_391 : i32
        %add3A_393 = arith.addi %add3A_390, %mul3A_392 : i32
        %dma_start3A_394 = arith.constant 1 : i32
        %dma_start3A_395 = arith.constant 0 : i32
        %dma_start3A_396 = arith.constant 0 : i32
        %dma_start3A_397 = arith.constant 0 : i32
        %dma_start3A_398 = tpu.memref_slice %arg7[%dma_start3A_394, %dma_start3A_395, %dma_start3A_396, %dma_start3A_397] : memref<2x8x8x576xf32, #tpu.memory_space<vmem>> -> memref<1x1x8x576xf32, #tpu.memory_space<vmem>>
        %dma_start3A_399 = tpu.memref_squeeze %dma_start3A_398 : memref<1x1x8x576xf32, #tpu.memory_space<vmem>> -> memref<8x576xf32, #tpu.memory_space<vmem>>
        %dma_start3A_400 = arith.constant 0 : i32
        %dma_start3A_401 = tpu.memref_slice %arg4[%add3A_393, %dma_start3A_400] : memref<18432x576xf32, #tpu.memory_space<hbm>> -> memref<8x576xf32, #tpu.memory_space<hbm>>
        %dma_start3A_402 = arith.constant 0 : i32
        %dma_start3A_403 = tpu.memref_slice %arg4[%add3A_393, %dma_start3A_402] : memref<18432x576xf32, #tpu.memory_space<hbm>> -> memref<8x576xf32, #tpu.memory_space<hbm>>
        %dma_start3A_404 = arith.constant 0 : i32
        %dma_start3A_405 = arith.constant 0 : i32
        %dma_start3A_406 = tpu.memref_slice %arg7[%dma_start3A_394, %dma_start3A_395, %dma_start3A_404, %dma_start3A_405] : memref<2x8x8x576xf32, #tpu.memory_space<vmem>> -> memref<1x1x8x576xf32, #tpu.memory_space<vmem>>
        %dma_start3A_407 = tpu.memref_squeeze %dma_start3A_406 : memref<1x1x8x576xf32, #tpu.memory_space<vmem>> -> memref<8x576xf32, #tpu.memory_space<vmem>>
        tpu.enqueue_dma source(%dma_start3A_407 : memref<8x576xf32, #tpu.memory_space<vmem>>) target(%dma_start3A_403 : memref<8x576xf32, #tpu.memory_space<hbm>>) target_semaphore(%arg12 : memref<!tpu.dma_semaphore, #tpu.memory_space<semaphore_mem>>)
        %mul3A_408 = arith.constant 8 : i32
        %mul3A_409 = arith.muli %select_n3A_9, %mul3A_408 : i32
        %add3A_410 = arith.constant 1 : i32
        %add3A_411 = arith.addi %mul3A_409, %add3A_410 : i32
        %mul3A_412 = arith.constant 576 : i32
        %mul3A_413 = arith.muli %add3A_411, %mul3A_412 : i32
        %mul3A_414 = arith.constant 72 : i32
        %mul3A_415 = arith.muli %select_n3A_30, %mul3A_414 : i32
        %add3A_416 = arith.addi %mul3A_413, %mul3A_415 : i32
        %mul3A_417 = arith.constant 8 : i32
        %mul3A_418 = arith.muli %scan3A_315, %mul3A_417 : i32
        %add3A_419 = arith.addi %add3A_416, %mul3A_418 : i32
        %dma_start3A_420 = arith.constant 1 : i32
        %dma_start3A_421 = arith.constant 1 : i32
        %dma_start3A_422 = arith.constant 0 : i32
        %dma_start3A_423 = arith.constant 0 : i32
        %dma_start3A_424 = tpu.memref_slice %arg7[%dma_start3A_420, %dma_start3A_421, %dma_start3A_422, %dma_start3A_423] : memref<2x8x8x576xf32, #tpu.memory_space<vmem>> -> memref<1x1x8x576xf32, #tpu.memory_space<vmem>>
        %dma_start3A_425 = tpu.memref_squeeze %dma_start3A_424 : memref<1x1x8x576xf32, #tpu.memory_space<vmem>> -> memref<8x576xf32, #tpu.memory_space<vmem>>
        %dma_start3A_426 = arith.constant 0 : i32
        %dma_start3A_427 = tpu.memref_slice %arg4[%add3A_419, %dma_start3A_426] : memref<18432x576xf32, #tpu.memory_space<hbm>> -> memref<8x576xf32, #tpu.memory_space<hbm>>
        %dma_start3A_428 = arith.constant 0 : i32
        %dma_start3A_429 = tpu.memref_slice %arg4[%add3A_419, %dma_start3A_428] : memref<18432x576xf32, #tpu.memory_space<hbm>> -> memref<8x576xf32, #tpu.memory_space<hbm>>
        %dma_start3A_430 = arith.constant 0 : i32
        %dma_start3A_431 = arith.constant 0 : i32
        %dma_start3A_432 = tpu.memref_slice %arg7[%dma_start3A_420, %dma_start3A_421, %dma_start3A_430, %dma_start3A_431] : memref<2x8x8x576xf32, #tpu.memory_space<vmem>> -> memref<1x1x8x576xf32, #tpu.memory_space<vmem>>
        %dma_start3A_433 = tpu.memref_squeeze %dma_start3A_432 : memref<1x1x8x576xf32, #tpu.memory_space<vmem>> -> memref<8x576xf32, #tpu.memory_space<vmem>>
        tpu.enqueue_dma source(%dma_start3A_433 : memref<8x576xf32, #tpu.memory_space<vmem>>) target(%dma_start3A_429 : memref<8x576xf32, #tpu.memory_space<hbm>>) target_semaphore(%arg12 : memref<!tpu.dma_semaphore, #tpu.memory_space<semaphore_mem>>)
        %mul3A_434 = arith.constant 8 : i32
        %mul3A_435 = arith.muli %select_n3A_9, %mul3A_434 : i32
        %add3A_436 = arith.constant 2 : i32
        %add3A_437 = arith.addi %mul3A_435, %add3A_436 : i32
        %mul3A_438 = arith.constant 576 : i32
        %mul3A_439 = arith.muli %add3A_437, %mul3A_438 : i32
        %mul3A_440 = arith.constant 72 : i32
        %mul3A_441 = arith.muli %select_n3A_30, %mul3A_440 : i32
        %add3A_442 = arith.addi %mul3A_439, %mul3A_441 : i32
        %mul3A_443 = arith.constant 8 : i32
        %mul3A_444 = arith.muli %scan3A_315, %mul3A_443 : i32
        %add3A_445 = arith.addi %add3A_442, %mul3A_444 : i32
        %dma_start3A_446 = arith.constant 1 : i32
        %dma_start3A_447 = arith.constant 2 : i32
        %dma_start3A_448 = arith.constant 0 : i32
        %dma_start3A_449 = arith.constant 0 : i32
        %dma_start3A_450 = tpu.memref_slice %arg7[%dma_start3A_446, %dma_start3A_447, %dma_start3A_448, %dma_start3A_449] : memref<2x8x8x576xf32, #tpu.memory_space<vmem>> -> memref<1x1x8x576xf32, #tpu.memory_space<vmem>>
        %dma_start3A_451 = tpu.memref_squeeze %dma_start3A_450 : memref<1x1x8x576xf32, #tpu.memory_space<vmem>> -> memref<8x576xf32, #tpu.memory_space<vmem>>
        %dma_start3A_452 = arith.constant 0 : i32
        %dma_start3A_453 = tpu.memref_slice %arg4[%add3A_445, %dma_start3A_452] : memref<18432x576xf32, #tpu.memory_space<hbm>> -> memref<8x576xf32, #tpu.memory_space<hbm>>
        %dma_start3A_454 = arith.constant 0 : i32
        %dma_start3A_455 = tpu.memref_slice %arg4[%add3A_445, %dma_start3A_454] : memref<18432x576xf32, #tpu.memory_space<hbm>> -> memref<8x576xf32, #tpu.memory_space<hbm>>
        %dma_start3A_456 = arith.constant 0 : i32
        %dma_start3A_457 = arith.constant 0 : i32
        %dma_start3A_458 = tpu.memref_slice %arg7[%dma_start3A_446, %dma_start3A_447, %dma_start3A_456, %dma_start3A_457] : memref<2x8x8x576xf32, #tpu.memory_space<vmem>> -> memref<1x1x8x576xf32, #tpu.memory_space<vmem>>
        %dma_start3A_459 = tpu.memref_squeeze %dma_start3A_458 : memref<1x1x8x576xf32, #tpu.memory_space<vmem>> -> memref<8x576xf32, #tpu.memory_space<vmem>>
        tpu.enqueue_dma source(%dma_start3A_459 : memref<8x576xf32, #tpu.memory_space<vmem>>) target(%dma_start3A_455 : memref<8x576xf32, #tpu.memory_space<hbm>>) target_semaphore(%arg12 : memref<!tpu.dma_semaphore, #tpu.memory_space<semaphore_mem>>)
        %mul3A_460 = arith.constant 8 : i32
        %mul3A_461 = arith.muli %select_n3A_9, %mul3A_460 : i32
        %add3A_462 = arith.constant 3 : i32
        %add3A_463 = arith.addi %mul3A_461, %add3A_462 : i32
        %mul3A_464 = arith.constant 576 : i32
        %mul3A_465 = arith.muli %add3A_463, %mul3A_464 : i32
        %mul3A_466 = arith.constant 72 : i32
        %mul3A_467 = arith.muli %select_n3A_30, %mul3A_466 : i32
        %add3A_468 = arith.addi %mul3A_465, %mul3A_467 : i32
        %mul3A_469 = arith.constant 8 : i32
        %mul3A_470 = arith.muli %scan3A_315, %mul3A_469 : i32
        %add3A_471 = arith.addi %add3A_468, %mul3A_470 : i32
        %dma_start3A_472 = arith.constant 1 : i32
        %dma_start3A_473 = arith.constant 3 : i32
        %dma_start3A_474 = arith.constant 0 : i32
        %dma_start3A_475 = arith.constant 0 : i32
        %dma_start3A_476 = tpu.memref_slice %arg7[%dma_start3A_472, %dma_start3A_473, %dma_start3A_474, %dma_start3A_475] : memref<2x8x8x576xf32, #tpu.memory_space<vmem>> -> memref<1x1x8x576xf32, #tpu.memory_space<vmem>>
        %dma_start3A_477 = tpu.memref_squeeze %dma_start3A_476 : memref<1x1x8x576xf32, #tpu.memory_space<vmem>> -> memref<8x576xf32, #tpu.memory_space<vmem>>
        %dma_start3A_478 = arith.constant 0 : i32
        %dma_start3A_479 = tpu.memref_slice %arg4[%add3A_471, %dma_start3A_478] : memref<18432x576xf32, #tpu.memory_space<hbm>> -> memref<8x576xf32, #tpu.memory_space<hbm>>
        %dma_start3A_480 = arith.constant 0 : i32
        %dma_start3A_481 = tpu.memref_slice %arg4[%add3A_471, %dma_start3A_480] : memref<18432x576xf32, #tpu.memory_space<hbm>> -> memref<8x576xf32, #tpu.memory_space<hbm>>
        %dma_start3A_482 = arith.constant 0 : i32
        %dma_start3A_483 = arith.constant 0 : i32
        %dma_start3A_484 = tpu.memref_slice %arg7[%dma_start3A_472, %dma_start3A_473, %dma_start3A_482, %dma_start3A_483] : memref<2x8x8x576xf32, #tpu.memory_space<vmem>> -> memref<1x1x8x576xf32, #tpu.memory_space<vmem>>
        %dma_start3A_485 = tpu.memref_squeeze %dma_start3A_484 : memref<1x1x8x576xf32, #tpu.memory_space<vmem>> -> memref<8x576xf32, #tpu.memory_space<vmem>>
        tpu.enqueue_dma source(%dma_start3A_485 : memref<8x576xf32, #tpu.memory_space<vmem>>) target(%dma_start3A_481 : memref<8x576xf32, #tpu.memory_space<hbm>>) target_semaphore(%arg12 : memref<!tpu.dma_semaphore, #tpu.memory_space<semaphore_mem>>)
        %mul3A_486 = arith.constant 8 : i32
        %mul3A_487 = arith.muli %select_n3A_9, %mul3A_486 : i32
        %add3A_488 = arith.constant 4 : i32
        %add3A_489 = arith.addi %mul3A_487, %add3A_488 : i32
        %mul3A_490 = arith.constant 576 : i32
        %mul3A_491 = arith.muli %add3A_489, %mul3A_490 : i32
        %mul3A_492 = arith.constant 72 : i32
        %mul3A_493 = arith.muli %select_n3A_30, %mul3A_492 : i32
        %add3A_494 = arith.addi %mul3A_491, %mul3A_493 : i32
        %mul3A_495 = arith.constant 8 : i32
        %mul3A_496 = arith.muli %scan3A_315, %mul3A_495 : i32
        %add3A_497 = arith.addi %add3A_494, %mul3A_496 : i32
        %dma_start3A_498 = arith.constant 1 : i32
        %dma_start3A_499 = arith.constant 4 : i32
        %dma_start3A_500 = arith.constant 0 : i32
        %dma_start3A_501 = arith.constant 0 : i32
        %dma_start3A_502 = tpu.memref_slice %arg7[%dma_start3A_498, %dma_start3A_499, %dma_start3A_500, %dma_start3A_501] : memref<2x8x8x576xf32, #tpu.memory_space<vmem>> -> memref<1x1x8x576xf32, #tpu.memory_space<vmem>>
        %dma_start3A_503 = tpu.memref_squeeze %dma_start3A_502 : memref<1x1x8x576xf32, #tpu.memory_space<vmem>> -> memref<8x576xf32, #tpu.memory_space<vmem>>
        %dma_start3A_504 = arith.constant 0 : i32
        %dma_start3A_505 = tpu.memref_slice %arg4[%add3A_497, %dma_start3A_504] : memref<18432x576xf32, #tpu.memory_space<hbm>> -> memref<8x576xf32, #tpu.memory_space<hbm>>
        %dma_start3A_506 = arith.constant 0 : i32
        %dma_start3A_507 = tpu.memref_slice %arg4[%add3A_497, %dma_start3A_506] : memref<18432x576xf32, #tpu.memory_space<hbm>> -> memref<8x576xf32, #tpu.memory_space<hbm>>
        %dma_start3A_508 = arith.constant 0 : i32
        %dma_start3A_509 = arith.constant 0 : i32
        %dma_start3A_510 = tpu.memref_slice %arg7[%dma_start3A_498, %dma_start3A_499, %dma_start3A_508, %dma_start3A_509] : memref<2x8x8x576xf32, #tpu.memory_space<vmem>> -> memref<1x1x8x576xf32, #tpu.memory_space<vmem>>
        %dma_start3A_511 = tpu.memref_squeeze %dma_start3A_510 : memref<1x1x8x576xf32, #tpu.memory_space<vmem>> -> memref<8x576xf32, #tpu.memory_space<vmem>>
        tpu.enqueue_dma source(%dma_start3A_511 : memref<8x576xf32, #tpu.memory_space<vmem>>) target(%dma_start3A_507 : memref<8x576xf32, #tpu.memory_space<hbm>>) target_semaphore(%arg12 : memref<!tpu.dma_semaphore, #tpu.memory_space<semaphore_mem>>)
        %mul3A_512 = arith.constant 8 : i32
        %mul3A_513 = arith.muli %select_n3A_9, %mul3A_512 : i32
        %add3A_514 = arith.constant 5 : i32
        %add3A_515 = arith.addi %mul3A_513, %add3A_514 : i32
        %mul3A_516 = arith.constant 576 : i32
        %mul3A_517 = arith.muli %add3A_515, %mul3A_516 : i32
        %mul3A_518 = arith.constant 72 : i32
        %mul3A_519 = arith.muli %select_n3A_30, %mul3A_518 : i32
        %add3A_520 = arith.addi %mul3A_517, %mul3A_519 : i32
        %mul3A_521 = arith.constant 8 : i32
        %mul3A_522 = arith.muli %scan3A_315, %mul3A_521 : i32
        %add3A_523 = arith.addi %add3A_520, %mul3A_522 : i32
        %dma_start3A_524 = arith.constant 1 : i32
        %dma_start3A_525 = arith.constant 5 : i32
        %dma_start3A_526 = arith.constant 0 : i32
        %dma_start3A_527 = arith.constant 0 : i32
        %dma_start3A_528 = tpu.memref_slice %arg7[%dma_start3A_524, %dma_start3A_525, %dma_start3A_526, %dma_start3A_527] : memref<2x8x8x576xf32, #tpu.memory_space<vmem>> -> memref<1x1x8x576xf32, #tpu.memory_space<vmem>>
        %dma_start3A_529 = tpu.memref_squeeze %dma_start3A_528 : memref<1x1x8x576xf32, #tpu.memory_space<vmem>> -> memref<8x576xf32, #tpu.memory_space<vmem>>
        %dma_start3A_530 = arith.constant 0 : i32
        %dma_start3A_531 = tpu.memref_slice %arg4[%add3A_523, %dma_start3A_530] : memref<18432x576xf32, #tpu.memory_space<hbm>> -> memref<8x576xf32, #tpu.memory_space<hbm>>
        %dma_start3A_532 = arith.constant 0 : i32
        %dma_start3A_533 = tpu.memref_slice %arg4[%add3A_523, %dma_start3A_532] : memref<18432x576xf32, #tpu.memory_space<hbm>> -> memref<8x576xf32, #tpu.memory_space<hbm>>
        %dma_start3A_534 = arith.constant 0 : i32
        %dma_start3A_535 = arith.constant 0 : i32
        %dma_start3A_536 = tpu.memref_slice %arg7[%dma_start3A_524, %dma_start3A_525, %dma_start3A_534, %dma_start3A_535] : memref<2x8x8x576xf32, #tpu.memory_space<vmem>> -> memref<1x1x8x576xf32, #tpu.memory_space<vmem>>
        %dma_start3A_537 = tpu.memref_squeeze %dma_start3A_536 : memref<1x1x8x576xf32, #tpu.memory_space<vmem>> -> memref<8x576xf32, #tpu.memory_space<vmem>>
        tpu.enqueue_dma source(%dma_start3A_537 : memref<8x576xf32, #tpu.memory_space<vmem>>) target(%dma_start3A_533 : memref<8x576xf32, #tpu.memory_space<hbm>>) target_semaphore(%arg12 : memref<!tpu.dma_semaphore, #tpu.memory_space<semaphore_mem>>)
        %mul3A_538 = arith.constant 8 : i32
        %mul3A_539 = arith.muli %select_n3A_9, %mul3A_538 : i32
        %add3A_540 = arith.constant 6 : i32
        %add3A_541 = arith.addi %mul3A_539, %add3A_540 : i32
        %mul3A_542 = arith.constant 576 : i32
        %mul3A_543 = arith.muli %add3A_541, %mul3A_542 : i32
        %mul3A_544 = arith.constant 72 : i32
        %mul3A_545 = arith.muli %select_n3A_30, %mul3A_544 : i32
        %add3A_546 = arith.addi %mul3A_543, %mul3A_545 : i32
        %mul3A_547 = arith.constant 8 : i32
        %mul3A_548 = arith.muli %scan3A_315, %mul3A_547 : i32
        %add3A_549 = arith.addi %add3A_546, %mul3A_548 : i32
        %dma_start3A_550 = arith.constant 1 : i32
        %dma_start3A_551 = arith.constant 6 : i32
        %dma_start3A_552 = arith.constant 0 : i32
        %dma_start3A_553 = arith.constant 0 : i32
        %dma_start3A_554 = tpu.memref_slice %arg7[%dma_start3A_550, %dma_start3A_551, %dma_start3A_552, %dma_start3A_553] : memref<2x8x8x576xf32, #tpu.memory_space<vmem>> -> memref<1x1x8x576xf32, #tpu.memory_space<vmem>>
        %dma_start3A_555 = tpu.memref_squeeze %dma_start3A_554 : memref<1x1x8x576xf32, #tpu.memory_space<vmem>> -> memref<8x576xf32, #tpu.memory_space<vmem>>
        %dma_start3A_556 = arith.constant 0 : i32
        %dma_start3A_557 = tpu.memref_slice %arg4[%add3A_549, %dma_start3A_556] : memref<18432x576xf32, #tpu.memory_space<hbm>> -> memref<8x576xf32, #tpu.memory_space<hbm>>
        %dma_start3A_558 = arith.constant 0 : i32
        %dma_start3A_559 = tpu.memref_slice %arg4[%add3A_549, %dma_start3A_558] : memref<18432x576xf32, #tpu.memory_space<hbm>> -> memref<8x576xf32, #tpu.memory_space<hbm>>
        %dma_start3A_560 = arith.constant 0 : i32
        %dma_start3A_561 = arith.constant 0 : i32
        %dma_start3A_562 = tpu.memref_slice %arg7[%dma_start3A_550, %dma_start3A_551, %dma_start3A_560, %dma_start3A_561] : memref<2x8x8x576xf32, #tpu.memory_space<vmem>> -> memref<1x1x8x576xf32, #tpu.memory_space<vmem>>
        %dma_start3A_563 = tpu.memref_squeeze %dma_start3A_562 : memref<1x1x8x576xf32, #tpu.memory_space<vmem>> -> memref<8x576xf32, #tpu.memory_space<vmem>>
        tpu.enqueue_dma source(%dma_start3A_563 : memref<8x576xf32, #tpu.memory_space<vmem>>) target(%dma_start3A_559 : memref<8x576xf32, #tpu.memory_space<hbm>>) target_semaphore(%arg12 : memref<!tpu.dma_semaphore, #tpu.memory_space<semaphore_mem>>)
        %mul3A_564 = arith.constant 8 : i32
        %mul3A_565 = arith.muli %select_n3A_9, %mul3A_564 : i32
        %add3A_566 = arith.constant 7 : i32
        %add3A_567 = arith.addi %mul3A_565, %add3A_566 : i32
        %mul3A_568 = arith.constant 576 : i32
        %mul3A_569 = arith.muli %add3A_567, %mul3A_568 : i32
        %mul3A_570 = arith.constant 72 : i32
        %mul3A_571 = arith.muli %select_n3A_30, %mul3A_570 : i32
        %add3A_572 = arith.addi %mul3A_569, %mul3A_571 : i32
        %mul3A_573 = arith.constant 8 : i32
        %mul3A_574 = arith.muli %scan3A_315, %mul3A_573 : i32
        %add3A_575 = arith.addi %add3A_572, %mul3A_574 : i32
        %dma_start3A_576 = arith.constant 1 : i32
        %dma_start3A_577 = arith.constant 7 : i32
        %dma_start3A_578 = arith.constant 0 : i32
        %dma_start3A_579 = arith.constant 0 : i32
        %dma_start3A_580 = tpu.memref_slice %arg7[%dma_start3A_576, %dma_start3A_577, %dma_start3A_578, %dma_start3A_579] : memref<2x8x8x576xf32, #tpu.memory_space<vmem>> -> memref<1x1x8x576xf32, #tpu.memory_space<vmem>>
        %dma_start3A_581 = tpu.memref_squeeze %dma_start3A_580 : memref<1x1x8x576xf32, #tpu.memory_space<vmem>> -> memref<8x576xf32, #tpu.memory_space<vmem>>
        %dma_start3A_582 = arith.constant 0 : i32
        %dma_start3A_583 = tpu.memref_slice %arg4[%add3A_575, %dma_start3A_582] : memref<18432x576xf32, #tpu.memory_space<hbm>> -> memref<8x576xf32, #tpu.memory_space<hbm>>
        %dma_start3A_584 = arith.constant 0 : i32
        %dma_start3A_585 = tpu.memref_slice %arg4[%add3A_575, %dma_start3A_584] : memref<18432x576xf32, #tpu.memory_space<hbm>> -> memref<8x576xf32, #tpu.memory_space<hbm>>
        %dma_start3A_586 = arith.constant 0 : i32
        %dma_start3A_587 = arith.constant 0 : i32
        %dma_start3A_588 = tpu.memref_slice %arg7[%dma_start3A_576, %dma_start3A_577, %dma_start3A_586, %dma_start3A_587] : memref<2x8x8x576xf32, #tpu.memory_space<vmem>> -> memref<1x1x8x576xf32, #tpu.memory_space<vmem>>
        %dma_start3A_589 = tpu.memref_squeeze %dma_start3A_588 : memref<1x1x8x576xf32, #tpu.memory_space<vmem>> -> memref<8x576xf32, #tpu.memory_space<vmem>>
        tpu.enqueue_dma source(%dma_start3A_589 : memref<8x576xf32, #tpu.memory_space<vmem>>) target(%dma_start3A_585 : memref<8x576xf32, #tpu.memory_space<hbm>>) target_semaphore(%arg12 : memref<!tpu.dma_semaphore, #tpu.memory_space<semaphore_mem>>)
      } else {
      }
    }
    %scan3A_58 = arith.constant 9 : i32
    %dma_wait3A_59 = arith.constant 0 : i32
    %dma_wait3A_60 = arith.constant 0 : i32
    %dma_wait3A_61 = arith.constant 0 : i32
    %dma_wait3A_62 = arith.constant 0 : i32
    %dma_wait3A_63 = tpu.memref_slice %arg7[%dma_wait3A_59, %dma_wait3A_60, %dma_wait3A_61, %dma_wait3A_62] : memref<2x8x8x576xf32, #tpu.memory_space<vmem>> -> memref<1x1x8x576xf32, #tpu.memory_space<vmem>>
    %dma_wait3A_64 = tpu.memref_squeeze %dma_wait3A_63 : memref<1x1x8x576xf32, #tpu.memory_space<vmem>> -> memref<8x576xf32, #tpu.memory_space<vmem>>
    %dma_wait3A_65 = arith.constant 0 : i32
    %dma_wait3A_66 = arith.constant 0 : i32
    %dma_wait3A_67 = tpu.memref_slice %arg4[%dma_wait3A_65, %dma_wait3A_66] : memref<18432x576xf32, #tpu.memory_space<hbm>> -> memref<8x576xf32, #tpu.memory_space<hbm>>
    %dma_wait3A_68 = arith.constant 0 : i32
    %dma_wait3A_69 = arith.constant 0 : i32
    %dma_wait3A_70 = tpu.memref_slice %arg4[%dma_wait3A_68, %dma_wait3A_69] : memref<18432x576xf32, #tpu.memory_space<hbm>> -> memref<8x576xf32, #tpu.memory_space<hbm>>
    %dma_wait3A_71 = arith.constant 0 : i32
    %dma_wait3A_72 = arith.constant 0 : i32
    %dma_wait3A_73 = tpu.memref_slice %arg7[%dma_wait3A_59, %dma_wait3A_60, %dma_wait3A_71, %dma_wait3A_72] : memref<2x8x8x576xf32, #tpu.memory_space<vmem>> -> memref<1x1x8x576xf32, #tpu.memory_space<vmem>>
    %dma_wait3A_74 = tpu.memref_squeeze %dma_wait3A_73 : memref<1x1x8x576xf32, #tpu.memory_space<vmem>> -> memref<8x576xf32, #tpu.memory_space<vmem>>
    tpu.wait_dma2 semaphore(%arg11 : memref<!tpu.dma_semaphore, #tpu.memory_space<semaphore_mem>>) src(%dma_wait3A_74 : memref<8x576xf32, #tpu.memory_space<vmem>>) dst(%dma_wait3A_70 : memref<8x576xf32, #tpu.memory_space<hbm>>)
    %dma_wait3A_75 = arith.constant 0 : i32
    %dma_wait3A_76 = arith.constant 1 : i32
    %dma_wait3A_77 = arith.constant 0 : i32
    %dma_wait3A_78 = arith.constant 0 : i32
    %dma_wait3A_79 = tpu.memref_slice %arg7[%dma_wait3A_75, %dma_wait3A_76, %dma_wait3A_77, %dma_wait3A_78] : memref<2x8x8x576xf32, #tpu.memory_space<vmem>> -> memref<1x1x8x576xf32, #tpu.memory_space<vmem>>
    %dma_wait3A_80 = tpu.memref_squeeze %dma_wait3A_79 : memref<1x1x8x576xf32, #tpu.memory_space<vmem>> -> memref<8x576xf32, #tpu.memory_space<vmem>>
    %dma_wait3A_81 = arith.constant 0 : i32
    %dma_wait3A_82 = arith.constant 0 : i32
    %dma_wait3A_83 = tpu.memref_slice %arg4[%dma_wait3A_81, %dma_wait3A_82] : memref<18432x576xf32, #tpu.memory_space<hbm>> -> memref<8x576xf32, #tpu.memory_space<hbm>>
    %dma_wait3A_84 = arith.constant 0 : i32
    %dma_wait3A_85 = arith.constant 0 : i32
    %dma_wait3A_86 = tpu.memref_slice %arg4[%dma_wait3A_84, %dma_wait3A_85] : memref<18432x576xf32, #tpu.memory_space<hbm>> -> memref<8x576xf32, #tpu.memory_space<hbm>>
    %dma_wait3A_87 = arith.constant 0 : i32
    %dma_wait3A_88 = arith.constant 0 : i32
    %dma_wait3A_89 = tpu.memref_slice %arg7[%dma_wait3A_75, %dma_wait3A_76, %dma_wait3A_87, %dma_wait3A_88] : memref<2x8x8x576xf32, #tpu.memory_space<vmem>> -> memref<1x1x8x576xf32, #tpu.memory_space<vmem>>
    %dma_wait3A_90 = tpu.memref_squeeze %dma_wait3A_89 : memref<1x1x8x576xf32, #tpu.memory_space<vmem>> -> memref<8x576xf32, #tpu.memory_space<vmem>>
    tpu.wait_dma2 semaphore(%arg11 : memref<!tpu.dma_semaphore, #tpu.memory_space<semaphore_mem>>) src(%dma_wait3A_90 : memref<8x576xf32, #tpu.memory_space<vmem>>) dst(%dma_wait3A_86 : memref<8x576xf32, #tpu.memory_space<hbm>>)
    %dma_wait3A_91 = arith.constant 0 : i32
    %dma_wait3A_92 = arith.constant 2 : i32
    %dma_wait3A_93 = arith.constant 0 : i32
    %dma_wait3A_94 = arith.constant 0 : i32
    %dma_wait3A_95 = tpu.memref_slice %arg7[%dma_wait3A_91, %dma_wait3A_92, %dma_wait3A_93, %dma_wait3A_94] : memref<2x8x8x576xf32, #tpu.memory_space<vmem>> -> memref<1x1x8x576xf32, #tpu.memory_space<vmem>>
    %dma_wait3A_96 = tpu.memref_squeeze %dma_wait3A_95 : memref<1x1x8x576xf32, #tpu.memory_space<vmem>> -> memref<8x576xf32, #tpu.memory_space<vmem>>
    %dma_wait3A_97 = arith.constant 0 : i32
    %dma_wait3A_98 = arith.constant 0 : i32
    %dma_wait3A_99 = tpu.memref_slice %arg4[%dma_wait3A_97, %dma_wait3A_98] : memref<18432x576xf32, #tpu.memory_space<hbm>> -> memref<8x576xf32, #tpu.memory_space<hbm>>
    %dma_wait3A_100 = arith.constant 0 : i32
    %dma_wait3A_101 = arith.constant 0 : i32
    %dma_wait3A_102 = tpu.memref_slice %arg4[%dma_wait3A_100, %dma_wait3A_101] : memref<18432x576xf32, #tpu.memory_space<hbm>> -> memref<8x576xf32, #tpu.memory_space<hbm>>
    %dma_wait3A_103 = arith.constant 0 : i32
    %dma_wait3A_104 = arith.constant 0 : i32
    %dma_wait3A_105 = tpu.memref_slice %arg7[%dma_wait3A_91, %dma_wait3A_92, %dma_wait3A_103, %dma_wait3A_104] : memref<2x8x8x576xf32, #tpu.memory_space<vmem>> -> memref<1x1x8x576xf32, #tpu.memory_space<vmem>>
    %dma_wait3A_106 = tpu.memref_squeeze %dma_wait3A_105 : memref<1x1x8x576xf32, #tpu.memory_space<vmem>> -> memref<8x576xf32, #tpu.memory_space<vmem>>
    tpu.wait_dma2 semaphore(%arg11 : memref<!tpu.dma_semaphore, #tpu.memory_space<semaphore_mem>>) src(%dma_wait3A_106 : memref<8x576xf32, #tpu.memory_space<vmem>>) dst(%dma_wait3A_102 : memref<8x576xf32, #tpu.memory_space<hbm>>)
    %dma_wait3A_107 = arith.constant 0 : i32
    %dma_wait3A_108 = arith.constant 3 : i32
    %dma_wait3A_109 = arith.constant 0 : i32
    %dma_wait3A_110 = arith.constant 0 : i32
    %dma_wait3A_111 = tpu.memref_slice %arg7[%dma_wait3A_107, %dma_wait3A_108, %dma_wait3A_109, %dma_wait3A_110] : memref<2x8x8x576xf32, #tpu.memory_space<vmem>> -> memref<1x1x8x576xf32, #tpu.memory_space<vmem>>
    %dma_wait3A_112 = tpu.memref_squeeze %dma_wait3A_111 : memref<1x1x8x576xf32, #tpu.memory_space<vmem>> -> memref<8x576xf32, #tpu.memory_space<vmem>>
    %dma_wait3A_113 = arith.constant 0 : i32
    %dma_wait3A_114 = arith.constant 0 : i32
    %dma_wait3A_115 = tpu.memref_slice %arg4[%dma_wait3A_113, %dma_wait3A_114] : memref<18432x576xf32, #tpu.memory_space<hbm>> -> memref<8x576xf32, #tpu.memory_space<hbm>>
    %dma_wait3A_116 = arith.constant 0 : i32
    %dma_wait3A_117 = arith.constant 0 : i32
    %dma_wait3A_118 = tpu.memref_slice %arg4[%dma_wait3A_116, %dma_wait3A_117] : memref<18432x576xf32, #tpu.memory_space<hbm>> -> memref<8x576xf32, #tpu.memory_space<hbm>>
    %dma_wait3A_119 = arith.constant 0 : i32
    %dma_wait3A_120 = arith.constant 0 : i32
    %dma_wait3A_121 = tpu.memref_slice %arg7[%dma_wait3A_107, %dma_wait3A_108, %dma_wait3A_119, %dma_wait3A_120] : memref<2x8x8x576xf32, #tpu.memory_space<vmem>> -> memref<1x1x8x576xf32, #tpu.memory_space<vmem>>
    %dma_wait3A_122 = tpu.memref_squeeze %dma_wait3A_121 : memref<1x1x8x576xf32, #tpu.memory_space<vmem>> -> memref<8x576xf32, #tpu.memory_space<vmem>>
    tpu.wait_dma2 semaphore(%arg11 : memref<!tpu.dma_semaphore, #tpu.memory_space<semaphore_mem>>) src(%dma_wait3A_122 : memref<8x576xf32, #tpu.memory_space<vmem>>) dst(%dma_wait3A_118 : memref<8x576xf32, #tpu.memory_space<hbm>>)
    %dma_wait3A_123 = arith.constant 0 : i32
    %dma_wait3A_124 = arith.constant 4 : i32
    %dma_wait3A_125 = arith.constant 0 : i32
    %dma_wait3A_126 = arith.constant 0 : i32
    %dma_wait3A_127 = tpu.memref_slice %arg7[%dma_wait3A_123, %dma_wait3A_124, %dma_wait3A_125, %dma_wait3A_126] : memref<2x8x8x576xf32, #tpu.memory_space<vmem>> -> memref<1x1x8x576xf32, #tpu.memory_space<vmem>>
    %dma_wait3A_128 = tpu.memref_squeeze %dma_wait3A_127 : memref<1x1x8x576xf32, #tpu.memory_space<vmem>> -> memref<8x576xf32, #tpu.memory_space<vmem>>
    %dma_wait3A_129 = arith.constant 0 : i32
    %dma_wait3A_130 = arith.constant 0 : i32
    %dma_wait3A_131 = tpu.memref_slice %arg4[%dma_wait3A_129, %dma_wait3A_130] : memref<18432x576xf32, #tpu.memory_space<hbm>> -> memref<8x576xf32, #tpu.memory_space<hbm>>
    %dma_wait3A_132 = arith.constant 0 : i32
    %dma_wait3A_133 = arith.constant 0 : i32
    %dma_wait3A_134 = tpu.memref_slice %arg4[%dma_wait3A_132, %dma_wait3A_133] : memref<18432x576xf32, #tpu.memory_space<hbm>> -> memref<8x576xf32, #tpu.memory_space<hbm>>
    %dma_wait3A_135 = arith.constant 0 : i32
    %dma_wait3A_136 = arith.constant 0 : i32
    %dma_wait3A_137 = tpu.memref_slice %arg7[%dma_wait3A_123, %dma_wait3A_124, %dma_wait3A_135, %dma_wait3A_136] : memref<2x8x8x576xf32, #tpu.memory_space<vmem>> -> memref<1x1x8x576xf32, #tpu.memory_space<vmem>>
    %dma_wait3A_138 = tpu.memref_squeeze %dma_wait3A_137 : memref<1x1x8x576xf32, #tpu.memory_space<vmem>> -> memref<8x576xf32, #tpu.memory_space<vmem>>
    tpu.wait_dma2 semaphore(%arg11 : memref<!tpu.dma_semaphore, #tpu.memory_space<semaphore_mem>>) src(%dma_wait3A_138 : memref<8x576xf32, #tpu.memory_space<vmem>>) dst(%dma_wait3A_134 : memref<8x576xf32, #tpu.memory_space<hbm>>)
    %dma_wait3A_139 = arith.constant 0 : i32
    %dma_wait3A_140 = arith.constant 5 : i32
    %dma_wait3A_141 = arith.constant 0 : i32
    %dma_wait3A_142 = arith.constant 0 : i32
    %dma_wait3A_143 = tpu.memref_slice %arg7[%dma_wait3A_139, %dma_wait3A_140, %dma_wait3A_141, %dma_wait3A_142] : memref<2x8x8x576xf32, #tpu.memory_space<vmem>> -> memref<1x1x8x576xf32, #tpu.memory_space<vmem>>
    %dma_wait3A_144 = tpu.memref_squeeze %dma_wait3A_143 : memref<1x1x8x576xf32, #tpu.memory_space<vmem>> -> memref<8x576xf32, #tpu.memory_space<vmem>>
    %dma_wait3A_145 = arith.constant 0 : i32
    %dma_wait3A_146 = arith.constant 0 : i32
    %dma_wait3A_147 = tpu.memref_slice %arg4[%dma_wait3A_145, %dma_wait3A_146] : memref<18432x576xf32, #tpu.memory_space<hbm>> -> memref<8x576xf32, #tpu.memory_space<hbm>>
    %dma_wait3A_148 = arith.constant 0 : i32
    %dma_wait3A_149 = arith.constant 0 : i32
    %dma_wait3A_150 = tpu.memref_slice %arg4[%dma_wait3A_148, %dma_wait3A_149] : memref<18432x576xf32, #tpu.memory_space<hbm>> -> memref<8x576xf32, #tpu.memory_space<hbm>>
    %dma_wait3A_151 = arith.constant 0 : i32
    %dma_wait3A_152 = arith.constant 0 : i32
    %dma_wait3A_153 = tpu.memref_slice %arg7[%dma_wait3A_139, %dma_wait3A_140, %dma_wait3A_151, %dma_wait3A_152] : memref<2x8x8x576xf32, #tpu.memory_space<vmem>> -> memref<1x1x8x576xf32, #tpu.memory_space<vmem>>
    %dma_wait3A_154 = tpu.memref_squeeze %dma_wait3A_153 : memref<1x1x8x576xf32, #tpu.memory_space<vmem>> -> memref<8x576xf32, #tpu.memory_space<vmem>>
    tpu.wait_dma2 semaphore(%arg11 : memref<!tpu.dma_semaphore, #tpu.memory_space<semaphore_mem>>) src(%dma_wait3A_154 : memref<8x576xf32, #tpu.memory_space<vmem>>) dst(%dma_wait3A_150 : memref<8x576xf32, #tpu.memory_space<hbm>>)
    %dma_wait3A_155 = arith.constant 0 : i32
    %dma_wait3A_156 = arith.constant 6 : i32
    %dma_wait3A_157 = arith.constant 0 : i32
    %dma_wait3A_158 = arith.constant 0 : i32
    %dma_wait3A_159 = tpu.memref_slice %arg7[%dma_wait3A_155, %dma_wait3A_156, %dma_wait3A_157, %dma_wait3A_158] : memref<2x8x8x576xf32, #tpu.memory_space<vmem>> -> memref<1x1x8x576xf32, #tpu.memory_space<vmem>>
    %dma_wait3A_160 = tpu.memref_squeeze %dma_wait3A_159 : memref<1x1x8x576xf32, #tpu.memory_space<vmem>> -> memref<8x576xf32, #tpu.memory_space<vmem>>
    %dma_wait3A_161 = arith.constant 0 : i32
    %dma_wait3A_162 = arith.constant 0 : i32
    %dma_wait3A_163 = tpu.memref_slice %arg4[%dma_wait3A_161, %dma_wait3A_162] : memref<18432x576xf32, #tpu.memory_space<hbm>> -> memref<8x576xf32, #tpu.memory_space<hbm>>
    %dma_wait3A_164 = arith.constant 0 : i32
    %dma_wait3A_165 = arith.constant 0 : i32
    %dma_wait3A_166 = tpu.memref_slice %arg4[%dma_wait3A_164, %dma_wait3A_165] : memref<18432x576xf32, #tpu.memory_space<hbm>> -> memref<8x576xf32, #tpu.memory_space<hbm>>
    %dma_wait3A_167 = arith.constant 0 : i32
    %dma_wait3A_168 = arith.constant 0 : i32
    %dma_wait3A_169 = tpu.memref_slice %arg7[%dma_wait3A_155, %dma_wait3A_156, %dma_wait3A_167, %dma_wait3A_168] : memref<2x8x8x576xf32, #tpu.memory_space<vmem>> -> memref<1x1x8x576xf32, #tpu.memory_space<vmem>>
    %dma_wait3A_170 = tpu.memref_squeeze %dma_wait3A_169 : memref<1x1x8x576xf32, #tpu.memory_space<vmem>> -> memref<8x576xf32, #tpu.memory_space<vmem>>
    tpu.wait_dma2 semaphore(%arg11 : memref<!tpu.dma_semaphore, #tpu.memory_space<semaphore_mem>>) src(%dma_wait3A_170 : memref<8x576xf32, #tpu.memory_space<vmem>>) dst(%dma_wait3A_166 : memref<8x576xf32, #tpu.memory_space<hbm>>)
    %dma_wait3A_171 = arith.constant 0 : i32
    %dma_wait3A_172 = arith.constant 7 : i32
    %dma_wait3A_173 = arith.constant 0 : i32
    %dma_wait3A_174 = arith.constant 0 : i32
    %dma_wait3A_175 = tpu.memref_slice %arg7[%dma_wait3A_171, %dma_wait3A_172, %dma_wait3A_173, %dma_wait3A_174] : memref<2x8x8x576xf32, #tpu.memory_space<vmem>> -> memref<1x1x8x576xf32, #tpu.memory_space<vmem>>
    %dma_wait3A_176 = tpu.memref_squeeze %dma_wait3A_175 : memref<1x1x8x576xf32, #tpu.memory_space<vmem>> -> memref<8x576xf32, #tpu.memory_space<vmem>>
    %dma_wait3A_177 = arith.constant 0 : i32
    %dma_wait3A_178 = arith.constant 0 : i32
    %dma_wait3A_179 = tpu.memref_slice %arg4[%dma_wait3A_177, %dma_wait3A_178] : memref<18432x576xf32, #tpu.memory_space<hbm>> -> memref<8x576xf32, #tpu.memory_space<hbm>>
    %dma_wait3A_180 = arith.constant 0 : i32
    %dma_wait3A_181 = arith.constant 0 : i32
    %dma_wait3A_182 = tpu.memref_slice %arg4[%dma_wait3A_180, %dma_wait3A_181] : memref<18432x576xf32, #tpu.memory_space<hbm>> -> memref<8x576xf32, #tpu.memory_space<hbm>>
    %dma_wait3A_183 = arith.constant 0 : i32
    %dma_wait3A_184 = arith.constant 0 : i32
    %dma_wait3A_185 = tpu.memref_slice %arg7[%dma_wait3A_171, %dma_wait3A_172, %dma_wait3A_183, %dma_wait3A_184] : memref<2x8x8x576xf32, #tpu.memory_space<vmem>> -> memref<1x1x8x576xf32, #tpu.memory_space<vmem>>
    %dma_wait3A_186 = tpu.memref_squeeze %dma_wait3A_185 : memref<1x1x8x576xf32, #tpu.memory_space<vmem>> -> memref<8x576xf32, #tpu.memory_space<vmem>>
    tpu.wait_dma2 semaphore(%arg11 : memref<!tpu.dma_semaphore, #tpu.memory_space<semaphore_mem>>) src(%dma_wait3A_186 : memref<8x576xf32, #tpu.memory_space<vmem>>) dst(%dma_wait3A_182 : memref<8x576xf32, #tpu.memory_space<hbm>>)
    %dma_wait3A_187 = arith.constant 1 : i32
    %dma_wait3A_188 = arith.constant 0 : i32
    %dma_wait3A_189 = arith.constant 0 : i32
    %dma_wait3A_190 = arith.constant 0 : i32
    %dma_wait3A_191 = tpu.memref_slice %arg7[%dma_wait3A_187, %dma_wait3A_188, %dma_wait3A_189, %dma_wait3A_190] : memref<2x8x8x576xf32, #tpu.memory_space<vmem>> -> memref<1x1x8x576xf32, #tpu.memory_space<vmem>>
    %dma_wait3A_192 = tpu.memref_squeeze %dma_wait3A_191 : memref<1x1x8x576xf32, #tpu.memory_space<vmem>> -> memref<8x576xf32, #tpu.memory_space<vmem>>
    %dma_wait3A_193 = arith.constant 0 : i32
    %dma_wait3A_194 = arith.constant 0 : i32
    %dma_wait3A_195 = tpu.memref_slice %arg4[%dma_wait3A_193, %dma_wait3A_194] : memref<18432x576xf32, #tpu.memory_space<hbm>> -> memref<8x576xf32, #tpu.memory_space<hbm>>
    %dma_wait3A_196 = arith.constant 0 : i32
    %dma_wait3A_197 = arith.constant 0 : i32
    %dma_wait3A_198 = tpu.memref_slice %arg4[%dma_wait3A_196, %dma_wait3A_197] : memref<18432x576xf32, #tpu.memory_space<hbm>> -> memref<8x576xf32, #tpu.memory_space<hbm>>
    %dma_wait3A_199 = arith.constant 0 : i32
    %dma_wait3A_200 = arith.constant 0 : i32
    %dma_wait3A_201 = tpu.memref_slice %arg7[%dma_wait3A_187, %dma_wait3A_188, %dma_wait3A_199, %dma_wait3A_200] : memref<2x8x8x576xf32, #tpu.memory_space<vmem>> -> memref<1x1x8x576xf32, #tpu.memory_space<vmem>>
    %dma_wait3A_202 = tpu.memref_squeeze %dma_wait3A_201 : memref<1x1x8x576xf32, #tpu.memory_space<vmem>> -> memref<8x576xf32, #tpu.memory_space<vmem>>
    tpu.wait_dma2 semaphore(%arg12 : memref<!tpu.dma_semaphore, #tpu.memory_space<semaphore_mem>>) src(%dma_wait3A_202 : memref<8x576xf32, #tpu.memory_space<vmem>>) dst(%dma_wait3A_198 : memref<8x576xf32, #tpu.memory_space<hbm>>)
    %dma_wait3A_203 = arith.constant 1 : i32
    %dma_wait3A_204 = arith.constant 1 : i32
    %dma_wait3A_205 = arith.constant 0 : i32
    %dma_wait3A_206 = arith.constant 0 : i32
    %dma_wait3A_207 = tpu.memref_slice %arg7[%dma_wait3A_203, %dma_wait3A_204, %dma_wait3A_205, %dma_wait3A_206] : memref<2x8x8x576xf32, #tpu.memory_space<vmem>> -> memref<1x1x8x576xf32, #tpu.memory_space<vmem>>
    %dma_wait3A_208 = tpu.memref_squeeze %dma_wait3A_207 : memref<1x1x8x576xf32, #tpu.memory_space<vmem>> -> memref<8x576xf32, #tpu.memory_space<vmem>>
    %dma_wait3A_209 = arith.constant 0 : i32
    %dma_wait3A_210 = arith.constant 0 : i32
    %dma_wait3A_211 = tpu.memref_slice %arg4[%dma_wait3A_209, %dma_wait3A_210] : memref<18432x576xf32, #tpu.memory_space<hbm>> -> memref<8x576xf32, #tpu.memory_space<hbm>>
    %dma_wait3A_212 = arith.constant 0 : i32
    %dma_wait3A_213 = arith.constant 0 : i32
    %dma_wait3A_214 = tpu.memref_slice %arg4[%dma_wait3A_212, %dma_wait3A_213] : memref<18432x576xf32, #tpu.memory_space<hbm>> -> memref<8x576xf32, #tpu.memory_space<hbm>>
    %dma_wait3A_215 = arith.constant 0 : i32
    %dma_wait3A_216 = arith.constant 0 : i32
    %dma_wait3A_217 = tpu.memref_slice %arg7[%dma_wait3A_203, %dma_wait3A_204, %dma_wait3A_215, %dma_wait3A_216] : memref<2x8x8x576xf32, #tpu.memory_space<vmem>> -> memref<1x1x8x576xf32, #tpu.memory_space<vmem>>
    %dma_wait3A_218 = tpu.memref_squeeze %dma_wait3A_217 : memref<1x1x8x576xf32, #tpu.memory_space<vmem>> -> memref<8x576xf32, #tpu.memory_space<vmem>>
    tpu.wait_dma2 semaphore(%arg12 : memref<!tpu.dma_semaphore, #tpu.memory_space<semaphore_mem>>) src(%dma_wait3A_218 : memref<8x576xf32, #tpu.memory_space<vmem>>) dst(%dma_wait3A_214 : memref<8x576xf32, #tpu.memory_space<hbm>>)
    %dma_wait3A_219 = arith.constant 1 : i32
    %dma_wait3A_220 = arith.constant 2 : i32
    %dma_wait3A_221 = arith.constant 0 : i32
    %dma_wait3A_222 = arith.constant 0 : i32
    %dma_wait3A_223 = tpu.memref_slice %arg7[%dma_wait3A_219, %dma_wait3A_220, %dma_wait3A_221, %dma_wait3A_222] : memref<2x8x8x576xf32, #tpu.memory_space<vmem>> -> memref<1x1x8x576xf32, #tpu.memory_space<vmem>>
    %dma_wait3A_224 = tpu.memref_squeeze %dma_wait3A_223 : memref<1x1x8x576xf32, #tpu.memory_space<vmem>> -> memref<8x576xf32, #tpu.memory_space<vmem>>
    %dma_wait3A_225 = arith.constant 0 : i32
    %dma_wait3A_226 = arith.constant 0 : i32
    %dma_wait3A_227 = tpu.memref_slice %arg4[%dma_wait3A_225, %dma_wait3A_226] : memref<18432x576xf32, #tpu.memory_space<hbm>> -> memref<8x576xf32, #tpu.memory_space<hbm>>
    %dma_wait3A_228 = arith.constant 0 : i32
    %dma_wait3A_229 = arith.constant 0 : i32
    %dma_wait3A_230 = tpu.memref_slice %arg4[%dma_wait3A_228, %dma_wait3A_229] : memref<18432x576xf32, #tpu.memory_space<hbm>> -> memref<8x576xf32, #tpu.memory_space<hbm>>
    %dma_wait3A_231 = arith.constant 0 : i32
    %dma_wait3A_232 = arith.constant 0 : i32
    %dma_wait3A_233 = tpu.memref_slice %arg7[%dma_wait3A_219, %dma_wait3A_220, %dma_wait3A_231, %dma_wait3A_232] : memref<2x8x8x576xf32, #tpu.memory_space<vmem>> -> memref<1x1x8x576xf32, #tpu.memory_space<vmem>>
    %dma_wait3A_234 = tpu.memref_squeeze %dma_wait3A_233 : memref<1x1x8x576xf32, #tpu.memory_space<vmem>> -> memref<8x576xf32, #tpu.memory_space<vmem>>
    tpu.wait_dma2 semaphore(%arg12 : memref<!tpu.dma_semaphore, #tpu.memory_space<semaphore_mem>>) src(%dma_wait3A_234 : memref<8x576xf32, #tpu.memory_space<vmem>>) dst(%dma_wait3A_230 : memref<8x576xf32, #tpu.memory_space<hbm>>)
    %dma_wait3A_235 = arith.constant 1 : i32
    %dma_wait3A_236 = arith.constant 3 : i32
    %dma_wait3A_237 = arith.constant 0 : i32
    %dma_wait3A_238 = arith.constant 0 : i32
    %dma_wait3A_239 = tpu.memref_slice %arg7[%dma_wait3A_235, %dma_wait3A_236, %dma_wait3A_237, %dma_wait3A_238] : memref<2x8x8x576xf32, #tpu.memory_space<vmem>> -> memref<1x1x8x576xf32, #tpu.memory_space<vmem>>
    %dma_wait3A_240 = tpu.memref_squeeze %dma_wait3A_239 : memref<1x1x8x576xf32, #tpu.memory_space<vmem>> -> memref<8x576xf32, #tpu.memory_space<vmem>>
    %dma_wait3A_241 = arith.constant 0 : i32
    %dma_wait3A_242 = arith.constant 0 : i32
    %dma_wait3A_243 = tpu.memref_slice %arg4[%dma_wait3A_241, %dma_wait3A_242] : memref<18432x576xf32, #tpu.memory_space<hbm>> -> memref<8x576xf32, #tpu.memory_space<hbm>>
    %dma_wait3A_244 = arith.constant 0 : i32
    %dma_wait3A_245 = arith.constant 0 : i32
    %dma_wait3A_246 = tpu.memref_slice %arg4[%dma_wait3A_244, %dma_wait3A_245] : memref<18432x576xf32, #tpu.memory_space<hbm>> -> memref<8x576xf32, #tpu.memory_space<hbm>>
    %dma_wait3A_247 = arith.constant 0 : i32
    %dma_wait3A_248 = arith.constant 0 : i32
    %dma_wait3A_249 = tpu.memref_slice %arg7[%dma_wait3A_235, %dma_wait3A_236, %dma_wait3A_247, %dma_wait3A_248] : memref<2x8x8x576xf32, #tpu.memory_space<vmem>> -> memref<1x1x8x576xf32, #tpu.memory_space<vmem>>
    %dma_wait3A_250 = tpu.memref_squeeze %dma_wait3A_249 : memref<1x1x8x576xf32, #tpu.memory_space<vmem>> -> memref<8x576xf32, #tpu.memory_space<vmem>>
    tpu.wait_dma2 semaphore(%arg12 : memref<!tpu.dma_semaphore, #tpu.memory_space<semaphore_mem>>) src(%dma_wait3A_250 : memref<8x576xf32, #tpu.memory_space<vmem>>) dst(%dma_wait3A_246 : memref<8x576xf32, #tpu.memory_space<hbm>>)
    %dma_wait3A_251 = arith.constant 1 : i32
    %dma_wait3A_252 = arith.constant 4 : i32
    %dma_wait3A_253 = arith.constant 0 : i32
    %dma_wait3A_254 = arith.constant 0 : i32
    %dma_wait3A_255 = tpu.memref_slice %arg7[%dma_wait3A_251, %dma_wait3A_252, %dma_wait3A_253, %dma_wait3A_254] : memref<2x8x8x576xf32, #tpu.memory_space<vmem>> -> memref<1x1x8x576xf32, #tpu.memory_space<vmem>>
    %dma_wait3A_256 = tpu.memref_squeeze %dma_wait3A_255 : memref<1x1x8x576xf32, #tpu.memory_space<vmem>> -> memref<8x576xf32, #tpu.memory_space<vmem>>
    %dma_wait3A_257 = arith.constant 0 : i32
    %dma_wait3A_258 = arith.constant 0 : i32
    %dma_wait3A_259 = tpu.memref_slice %arg4[%dma_wait3A_257, %dma_wait3A_258] : memref<18432x576xf32, #tpu.memory_space<hbm>> -> memref<8x576xf32, #tpu.memory_space<hbm>>
    %dma_wait3A_260 = arith.constant 0 : i32
    %dma_wait3A_261 = arith.constant 0 : i32
    %dma_wait3A_262 = tpu.memref_slice %arg4[%dma_wait3A_260, %dma_wait3A_261] : memref<18432x576xf32, #tpu.memory_space<hbm>> -> memref<8x576xf32, #tpu.memory_space<hbm>>
    %dma_wait3A_263 = arith.constant 0 : i32
    %dma_wait3A_264 = arith.constant 0 : i32
    %dma_wait3A_265 = tpu.memref_slice %arg7[%dma_wait3A_251, %dma_wait3A_252, %dma_wait3A_263, %dma_wait3A_264] : memref<2x8x8x576xf32, #tpu.memory_space<vmem>> -> memref<1x1x8x576xf32, #tpu.memory_space<vmem>>
    %dma_wait3A_266 = tpu.memref_squeeze %dma_wait3A_265 : memref<1x1x8x576xf32, #tpu.memory_space<vmem>> -> memref<8x576xf32, #tpu.memory_space<vmem>>
    tpu.wait_dma2 semaphore(%arg12 : memref<!tpu.dma_semaphore, #tpu.memory_space<semaphore_mem>>) src(%dma_wait3A_266 : memref<8x576xf32, #tpu.memory_space<vmem>>) dst(%dma_wait3A_262 : memref<8x576xf32, #tpu.memory_space<hbm>>)
    %dma_wait3A_267 = arith.constant 1 : i32
    %dma_wait3A_268 = arith.constant 5 : i32
    %dma_wait3A_269 = arith.constant 0 : i32
    %dma_wait3A_270 = arith.constant 0 : i32
    %dma_wait3A_271 = tpu.memref_slice %arg7[%dma_wait3A_267, %dma_wait3A_268, %dma_wait3A_269, %dma_wait3A_270] : memref<2x8x8x576xf32, #tpu.memory_space<vmem>> -> memref<1x1x8x576xf32, #tpu.memory_space<vmem>>
    %dma_wait3A_272 = tpu.memref_squeeze %dma_wait3A_271 : memref<1x1x8x576xf32, #tpu.memory_space<vmem>> -> memref<8x576xf32, #tpu.memory_space<vmem>>
    %dma_wait3A_273 = arith.constant 0 : i32
    %dma_wait3A_274 = arith.constant 0 : i32
    %dma_wait3A_275 = tpu.memref_slice %arg4[%dma_wait3A_273, %dma_wait3A_274] : memref<18432x576xf32, #tpu.memory_space<hbm>> -> memref<8x576xf32, #tpu.memory_space<hbm>>
    %dma_wait3A_276 = arith.constant 0 : i32
    %dma_wait3A_277 = arith.constant 0 : i32
    %dma_wait3A_278 = tpu.memref_slice %arg4[%dma_wait3A_276, %dma_wait3A_277] : memref<18432x576xf32, #tpu.memory_space<hbm>> -> memref<8x576xf32, #tpu.memory_space<hbm>>
    %dma_wait3A_279 = arith.constant 0 : i32
    %dma_wait3A_280 = arith.constant 0 : i32
    %dma_wait3A_281 = tpu.memref_slice %arg7[%dma_wait3A_267, %dma_wait3A_268, %dma_wait3A_279, %dma_wait3A_280] : memref<2x8x8x576xf32, #tpu.memory_space<vmem>> -> memref<1x1x8x576xf32, #tpu.memory_space<vmem>>
    %dma_wait3A_282 = tpu.memref_squeeze %dma_wait3A_281 : memref<1x1x8x576xf32, #tpu.memory_space<vmem>> -> memref<8x576xf32, #tpu.memory_space<vmem>>
    tpu.wait_dma2 semaphore(%arg12 : memref<!tpu.dma_semaphore, #tpu.memory_space<semaphore_mem>>) src(%dma_wait3A_282 : memref<8x576xf32, #tpu.memory_space<vmem>>) dst(%dma_wait3A_278 : memref<8x576xf32, #tpu.memory_space<hbm>>)
    %dma_wait3A_283 = arith.constant 1 : i32
    %dma_wait3A_284 = arith.constant 6 : i32
    %dma_wait3A_285 = arith.constant 0 : i32
    %dma_wait3A_286 = arith.constant 0 : i32
    %dma_wait3A_287 = tpu.memref_slice %arg7[%dma_wait3A_283, %dma_wait3A_284, %dma_wait3A_285, %dma_wait3A_286] : memref<2x8x8x576xf32, #tpu.memory_space<vmem>> -> memref<1x1x8x576xf32, #tpu.memory_space<vmem>>
    %dma_wait3A_288 = tpu.memref_squeeze %dma_wait3A_287 : memref<1x1x8x576xf32, #tpu.memory_space<vmem>> -> memref<8x576xf32, #tpu.memory_space<vmem>>
    %dma_wait3A_289 = arith.constant 0 : i32
    %dma_wait3A_290 = arith.constant 0 : i32
    %dma_wait3A_291 = tpu.memref_slice %arg4[%dma_wait3A_289, %dma_wait3A_290] : memref<18432x576xf32, #tpu.memory_space<hbm>> -> memref<8x576xf32, #tpu.memory_space<hbm>>
    %dma_wait3A_292 = arith.constant 0 : i32
    %dma_wait3A_293 = arith.constant 0 : i32
    %dma_wait3A_294 = tpu.memref_slice %arg4[%dma_wait3A_292, %dma_wait3A_293] : memref<18432x576xf32, #tpu.memory_space<hbm>> -> memref<8x576xf32, #tpu.memory_space<hbm>>
    %dma_wait3A_295 = arith.constant 0 : i32
    %dma_wait3A_296 = arith.constant 0 : i32
    %dma_wait3A_297 = tpu.memref_slice %arg7[%dma_wait3A_283, %dma_wait3A_284, %dma_wait3A_295, %dma_wait3A_296] : memref<2x8x8x576xf32, #tpu.memory_space<vmem>> -> memref<1x1x8x576xf32, #tpu.memory_space<vmem>>
    %dma_wait3A_298 = tpu.memref_squeeze %dma_wait3A_297 : memref<1x1x8x576xf32, #tpu.memory_space<vmem>> -> memref<8x576xf32, #tpu.memory_space<vmem>>
    tpu.wait_dma2 semaphore(%arg12 : memref<!tpu.dma_semaphore, #tpu.memory_space<semaphore_mem>>) src(%dma_wait3A_298 : memref<8x576xf32, #tpu.memory_space<vmem>>) dst(%dma_wait3A_294 : memref<8x576xf32, #tpu.memory_space<hbm>>)
    %dma_wait3A_299 = arith.constant 1 : i32
    %dma_wait3A_300 = arith.constant 7 : i32
    %dma_wait3A_301 = arith.constant 0 : i32
    %dma_wait3A_302 = arith.constant 0 : i32
    %dma_wait3A_303 = tpu.memref_slice %arg7[%dma_wait3A_299, %dma_wait3A_300, %dma_wait3A_301, %dma_wait3A_302] : memref<2x8x8x576xf32, #tpu.memory_space<vmem>> -> memref<1x1x8x576xf32, #tpu.memory_space<vmem>>
    %dma_wait3A_304 = tpu.memref_squeeze %dma_wait3A_303 : memref<1x1x8x576xf32, #tpu.memory_space<vmem>> -> memref<8x576xf32, #tpu.memory_space<vmem>>
    %dma_wait3A_305 = arith.constant 0 : i32
    %dma_wait3A_306 = arith.constant 0 : i32
    %dma_wait3A_307 = tpu.memref_slice %arg4[%dma_wait3A_305, %dma_wait3A_306] : memref<18432x576xf32, #tpu.memory_space<hbm>> -> memref<8x576xf32, #tpu.memory_space<hbm>>
    %dma_wait3A_308 = arith.constant 0 : i32
    %dma_wait3A_309 = arith.constant 0 : i32
    %dma_wait3A_310 = tpu.memref_slice %arg4[%dma_wait3A_308, %dma_wait3A_309] : memref<18432x576xf32, #tpu.memory_space<hbm>> -> memref<8x576xf32, #tpu.memory_space<hbm>>
    %dma_wait3A_311 = arith.constant 0 : i32
    %dma_wait3A_312 = arith.constant 0 : i32
    %dma_wait3A_313 = tpu.memref_slice %arg7[%dma_wait3A_299, %dma_wait3A_300, %dma_wait3A_311, %dma_wait3A_312] : memref<2x8x8x576xf32, #tpu.memory_space<vmem>> -> memref<1x1x8x576xf32, #tpu.memory_space<vmem>>
    %dma_wait3A_314 = tpu.memref_squeeze %dma_wait3A_313 : memref<1x1x8x576xf32, #tpu.memory_space<vmem>> -> memref<8x576xf32, #tpu.memory_space<vmem>>
    tpu.wait_dma2 semaphore(%arg12 : memref<!tpu.dma_semaphore, #tpu.memory_space<semaphore_mem>>) src(%dma_wait3A_314 : memref<8x576xf32, #tpu.memory_space<vmem>>) dst(%dma_wait3A_310 : memref<8x576xf32, #tpu.memory_space<hbm>>)
    return
  }
}

</mosaic_0001>

<sc_bundles>
// kernel: kernel.3.cloned.1.call-start
scs
__scs_entry_jumppad:
0x0: {  	(pc) =	sbr.rel $0x88, $3  }
0x1: {  	(tag) =	ssettag $0x0;
	lr =	simm.s32 $0x1  }
0x2: {  	[smem:$0x3F9F] =	sst lr;
	_ =	strace $0xD0000000  }
0x3: {  	_ = 	snop  }
0x4: {  	_ = 	snop  }
0x5: {  	_ = 	snop  }
0x6: {  	_ = 	snop  }
0x7: {  	_ = 	snop  }
__scs_overlays_trampoline_lowered:
0x8: {  	[smem:$0x3FAE] =	sst s0  }
0x9: {  	[smem:$0x3FAF] =	sst s1  }
0xa: {  	[smem:$0x3FB0] =	sst s2  }
0xb: {  	[smem:$0x3FB1] =	sst s3  }
0xc: {  	[smem:$0x3FB2] =	sst s4  }
0xd: {  	[smem:$0x3FB3] =	sst s5  }
0xe: {  	[smem:$0x3FB4] =	sst s6  }
0xf: {  	[smem:$0x3FB5] =	sst s7  }
0x10: {  	[smem:$0x3FB6] =	sst s8  }
0x11: {  	[smem:$0x3FB7] =	sst s9;
	s0 =	simm.s32 @!p0 $0x0  }
0x12: {  	s1 =	sld [smem:$0x3F9D];
	s0 =	simm.s32 @p0 $0x1  }
0x13: {  	[smem:$0x3FB8] =	sst s0;
	s0 =	simm.s32 @!p1 $0x0  }
0x14: {  	s2 =	sld [smem:$0x3F9C];
	s0 =	simm.s32 @p1 $0x1  }
0x15: {  	[smem:$0x3FB9] =	sst s0;
	s0 =	simm.s32 @!p2 $0x0  }
0x16: {  	s3 =	sld [smem:$0x3FDB];
	s0 =	simm.s32 @p2 $0x1  }
0x17: {  	s4 =	simm.s32 $0x1BF5;
	[smem:$0x3FBB] =	sst s0  }
0x18: {  	s0 =	sld [smem:$0x3F9E];
	_ =	swait.ge [sflag:s4], $0x0  }
0x19: {  	s7 =	sld [smem:$0x3F9F]  }
0x1a: {  	s8 =	sadd.s32 $0xFFFFE003, lr  }
0x1b: {  	s9 =	sadd.s32 $0xFFFFFEF7, lr;
	s5 =	simm.s32 $0xFFFFFFFF;
	p2 =	slt.u32 s8, $0xFFFFF086  }
0x1c: {  	p1 =	slt.u32 s9, $0xF7A;
	s5 =	simm.s32 @!p2 $0x0  }
0x1d: {  	s5 =	simm.s32 @p1 $0x1;
	p0 =	seq.s32 s7, s2  }
0x1e: {  	s7 =	smul.u32 @!p0 $0xF7A, s2;
	p2 =	seq.s32 @!p0 s5, $0x0  }
0x1f: {  	s9 =	smul.u32 $0xF7A, s1;
	s8 =	simm.s32 @!p0 $0x1BF5;
	p2 =	por !p2, p0  }
0x20: {  	[sflag:s8] =	ssyncset.s32 @!p0 $0xFFFFF086;
	s6 =	sadd.s32 @!p0 s3, s7;
	s7 =	simm.s32 @!p0 $0x108  }
0x21: {  	s3 =	sadd.s32 s3, s9;
	s6 =	sadd.s32 @!p0 $0x88, s6;
	s7 =	simm.s32 @p2 $0x1082  }
0x22: {  	[simem:s7], [sflag:s8] =	dma.local @!p0 [hbm:s6], $0xF7A  }
0x23: {  	s9 =	sor.u32 $0xD0000000, s2;
	s6 =	simm.s32 $0x108;
	_ =	swait.ge @!p0 [sflag:s8], $0x0  }
0x24: {  	s3 =	sadd.s32 $0x88, s3;
	s6 =	simm.s32 @!p1 $0x1082;
	[sflag:s4] =	ssyncset.s32 $0xFFFFF086  }
0x25: {  	[simem:s6], [sflag:s4] =	dma.local [hbm:s3], $0xF7A  }
0x26: {  	[smem:$0x3F9F] =	sst s1;
	(tag) =	ssettag s2;
	_ =	strace s9  }
0x27: {  	s1 =	sld [smem:$0x3FAF]  }
0x28: {  	s2 =	sld [smem:$0x3FB0]  }
0x29: {  	s4 =	sld [smem:$0x3FB2]  }
0x2a: {  	p0 =	seq.s32 s5, $0x0;
	s5 =	sld [smem:$0x3FB3]  }
0x2b: {  	s6 =	sld [smem:$0x3FB4]  }
0x2c: {  	s7 =	sld [smem:$0x3FB5]  }
0x2d: {  	s3 =	simm.s32 $0x108;
	s8 =	sld [smem:$0x3FB6]  }
0x2e: {  	s3 =	simm.s32 @!p0 $0x1082;
	s9 =	sld [smem:$0x3FB7]  }
0x2f: {  	lr =	sadd.s32 s0, s3;
	s0 =	sld [smem:$0x3FAE]  }
0x30: {  	s3 =	sld [smem:$0x3FB1]  }
0x31: {  	[smem:$0x3FBA] =	sst s10  }
0x32: {  	s10 =	sld [smem:$0x3FB8];
	_ =	sdelay $0x3  }
0x33: {  	p0 =	seq.s32 s10, $0x1;
	s10 =	sld [smem:$0x3FBA];
	_ =	sdelay $0x3  }
0x34: {  	[smem:$0x3FBA] =	sst s10  }
0x35: {  	s10 =	sld [smem:$0x3FB9];
	_ =	sdelay $0x3  }
0x36: {  	p1 =	seq.s32 s10, $0x1;
	s10 =	sld [smem:$0x3FBA];
	_ =	sdelay $0x3  }
0x37: {  	[smem:$0x3FBA] =	sst s10  }
0x38: {  	s10 =	sld [smem:$0x3FBB]  }
0x39: {  	_ = 	snop;
	(pc) =	sbr.ind lr, $3  }
0x3a: {  	_ = 	snop  }
0x3b: {  	_ = 	snop  }
0x3c: {  	p2 =	seq.s32 s10, $0x1;
	s10 =	sld [smem:$0x3FBA]  }
0x3d: {  	_ =	shalt  }
0x3e: {  	_ =	shalt  }
0x3f: {  	_ =	shalt  }
0x40: {  	_ =	shalt  }
0x41: {  	_ =	shalt  }
0x42: {  	_ =	shalt  }
0x43: {  	_ =	shalt  }
0x44: {  	_ =	shalt  }
0x45: {  	_ =	shalt  }
0x46: {  	_ =	shalt  }
0x47: {  	_ =	shalt  }
0x48: {  	_ =	shalt  }
0x49: {  	_ =	shalt  }
0x4a: {  	_ =	shalt  }
0x4b: {  	_ =	shalt  }
0x4c: {  	_ =	shalt  }
0x4d: {  	_ =	shalt  }
0x4e: {  	_ =	shalt  }
0x4f: {  	_ =	shalt  }
0x50: {  	_ =	shalt  }
0x51: {  	_ =	shalt  }
0x52: {  	_ =	shalt  }
0x53: {  	_ =	shalt  }
0x54: {  	_ =	shalt  }
0x55: {  	_ =	shalt  }
0x56: {  	_ =	shalt  }
0x57: {  	_ =	shalt  }
0x58: {  	_ =	shalt  }
0x59: {  	_ =	shalt  }
0x5a: {  	_ =	shalt  }
0x5b: {  	_ =	shalt  }
0x5c: {  	_ =	shalt  }
0x5d: {  	_ =	shalt  }
0x5e: {  	_ =	shalt  }
0x5f: {  	_ =	shalt  }
0x60: {  	_ =	shalt  }
0x61: {  	_ =	shalt  }
0x62: {  	_ =	shalt  }
0x63: {  	_ =	shalt  }
0x64: {  	_ =	shalt  }
0x65: {  	_ =	shalt  }
0x66: {  	_ =	shalt  }
0x67: {  	_ =	shalt  }
0x68: {  	_ =	shalt  }
0x69: {  	_ =	shalt  }
0x6a: {  	_ =	shalt  }
0x6b: {  	_ =	shalt  }
0x6c: {  	_ =	shalt  }
0x6d: {  	_ =	shalt  }
0x6e: {  	_ =	shalt  }
0x6f: {  	_ =	shalt  }
0x70: {  	_ =	shalt  }
0x71: {  	_ =	shalt  }
0x72: {  	_ =	shalt  }
0x73: {  	_ =	shalt  }
0x74: {  	_ =	shalt  }
0x75: {  	_ =	shalt  }
0x76: {  	_ =	shalt  }
0x77: {  	_ =	shalt  }
0x78: {  	_ =	shalt  }
0x79: {  	_ =	shalt  }
0x7a: {  	_ =	shalt  }
0x7b: {  	_ =	shalt  }
0x7c: {  	_ =	shalt  }
0x7d: {  	_ =	shalt  }
0x7e: {  	_ =	shalt  }
0x7f: {  	_ =	shalt  }
0x80: {  	_ =	shalt  }
0x81: {  	_ =	shalt  }
0x82: {  	_ =	shalt  }
0x83: {  	_ =	shalt  }
0x84: {  	_ =	shalt  }
0x85: {  	_ =	shalt  }
0x86: {  	_ =	shalt  }
0x87: {  	_ =	shalt  }
.Lfunc_end0:
.L_simem_size_0:
called_computation_lowered:
.L_overlay_start_0:
0x88: {  	s2 =	sld [smem:$0x3FD9]  }
0x89: {  	s3 =	sld [smem:$0x3FFE];
	_ =	sdelay $0x1  }
0x8a: {  	s1 =	srdreg.scid  }
0x8b: {  	s0 =	sand.u32 $0x1, s1  }
0x8c: {  	s17 =	sshll.u32 s0, $0xA;
	s2 =	sadd.s32 s3, s2  }
0x8d: {  	s2 =	sadd.s32 s2, s17  }
0x8e: {  	[smem:$0x3FC6] =	sst s2  }
0x8f: {  	_ = 	snop  }
0x90: {  	s2 =	sld [smem:$0x3FC8]  }
0x91: {  	s18 =	sld [smem:$0x3FD0];
	(tm) =	ssettm $0x1  }
0x92: {  	s4 =	sld [smem:$0x3FFB];
	_ =	sdelay $0x3  }
0x93: {  	_ =	strace s4  }
0x94: {  	s4 =	sld [smem:$0x3FFC];
	_ =	sdelay $0x3  }
0x95: {  	_ =	strace s4  }
0x96: {  	s4 =	sld [smem:$0x3FFD];
	_ =	sdelay $0x3  }
0x97: {  	_ =	strace s4  }
0x98: {  	_ =	strace $0x8FFFFFFF  }
0x99: {  	s19 =	sld [smem:$0x3FDB];
	_ =	sdelay $0x1  }
0x9a: {  	s5 =	simm.s32 $_scs_section_size  }
0x9b: {  	s6 =	simm.s32 $_size__tile_overlayer_lowered;
	s7 =	simm.s32 $_tile_overlayer_lowered  }
0x9c: {  	s22 =	simm.s32 $0x1BFF;
	s21 =	sshll.u32 s7, $0x1;
	s4 =	sadd.s32 s5, s19  }
0x9d: {  	s8 =	simm.s32 $0x0;
	s20 =	sshll.u32 s6, $0x1;
	s6 =	sadd.s32 s21, s4  }
0x9e: {  	[timem:s8], [sflag:s22] =	dma.local [hbm:s6], s20  }
0x9f: {  	_ =	swait.ge [sflag:s22], s20  }
0xa0: {  	s5 =	ssub.s32 $0x0, s20;
	[sflag:s22] =	ssyncset.done $0x0  }
0xa1: {  	[sflag:s22] =	ssyncadd.s32 s5;
	_ =	sdelay $0x1  }
0xa2: {  	s23 =	simm.s32 $0x1B8B  }
0xa3: {  	_ =	swait.ge [sflag:s23], $0x1  }
0xa4: {  	[sflag:s23] =	ssyncset.done $0x0  }
0xa5: {  	s25 =	simm.s32 $0x1B8E;
	s24 =	sld [smem:$0x3FFE];
	[sflag:s23] =	ssyncadd.s32 $0xFFFFFFFF  }
0xa6: {  	s26 =	simm.s32 $execute0_lowered;
	[smem:$0x3FD2] =	sst s25  }
0xa7: {  	s6 =	sshll.u32 s26, $0x1;
	_ =	strace $0x80000046;
	[dreg:$0x1] =	wrdreg $0xFFFFFFFF  }
0xa8: {  	s28 =	simm.s32 $_size_execute0_lowered;
	s4 =	sadd.s32 s4, s6;
	[dreg:$0x0] =	wrdreg $0x0  }
0xa9: {  	s6 =	sshll.u32 s28, $0x1;
	[dreg:$0x2] =	wrdreg s4  }
0xaa: {  	[dreg:$0x3] =	wrdreg s6  }
0xab: {  	[dreg:$0x4] =	wrdreg $0xC0  }
0xac: {  	_ =	task [dreg:s8], $0x5FFFF  }
0xad: {  	[dreg:$0x1] =	wrdreg $0xFFFFFFFF  }
0xae: {  	[dreg:$0x0] =	wrdreg $0x60  }
0xaf: {  	[dreg:$0x2] =	wrdreg s24  }
0xb0: {  	[dreg:$0x3] =	wrdreg s2  }
0xb1: {  	[dreg:$0x4] =	wrdreg s18  }
0xb2: {  	[dreg:$0x5] =	wrdreg $0x9  }
0xb3: {  	_ =	task.clear_ibuf [dreg:s8], $0x6FFFF;
	_ =	strace $0x90000046  }
0xb4: {  	s29 =	simm.s32 $0x9;
	_ =	strace $0x80000048  }
0xb5: {  	_ =	swait.ge [sflag:s29], $0x1  }
0xb6: {  	[sflag:s29] =	ssyncadd.s32 $0xFFFFFFFF  }
0xb7: {  	_ =	strace $0x90000048  }
0xb8: {  	_ =	sfence  }
0xb9: {  	s30 =	sld [smem:$0x0];
	_ =	sdelay $0x2  }
0xba: {  	s31 =	sshll.u32 s1, $0xD;
	s1 =	sshrl.u32 s1, $0x2  }
0xbb: {  	s3 =	sand.u32 $0x4000, s31;
	s1 =	sadd.s32 s1, s30  }
0xbc: {  	s0 =	sor.u32 s3, s0;
	s1 =	sshll.u32 s1, $0x11  }
0xbd: {  	s0 =	sor.u32 s1, s0  }
0xbe: {  	s0 =	sadd.s32 $0x8F2B, s0  }
0xbf: {  	[sflag:s0] =	ssyncadd.remote.s32 $0x1  }
0xc0: {  	_ =	sfence.sel $0xFFFF  }
0xc1: {  	[dreg:$0x0] =	wrdreg $0xFFFFFFFF;
	(pc) =	sbr.abs _section_cstart, $3  }
0xc2: {  	[dreg:$0x1] =	wrdreg $0xFFFFFFFF  }
0xc3: {  	_ =	task.clear_ibuf [dreg:s8], $0x2FFFF;
	_ =	strace $0x9FFFFFFF  }
0xc4: {  	(tm) =	ssettm $0x7FFFFFFF  }
0xc5: {  	_ =	shalt  }
tec
execute0_lowered:
.L_overlay_start_1:
0x0: {  	(tag) =	ssettag $0x1  }
0x1: {  	s0 =	rddreg [dreg:$0x0]  }
0x2: {  	s9 =	rddreg [dreg:$0x1];
	s3 =	stileid.u32  }
0x3: {  	s1 =	srdreg.scid;
	s4 =	simm.s32 $0x0;
	s2 =	sshll.u32 s3, $0x1  }
0x4: {  	s1 =	sand.u32 $0x1, s1;
	s5 =	sshrl.u32 s3, $0x1;
	s2 =	sand.u32 $0x2, s2  }
0x5: {  	s5 =	smul.u32 $0x48, s5;
	s2 =	sor.u32 s1, s2;
	s1 =	ssub.s32 $0x2, s1  }
0x6: {  	[smem:$0x7FF] =	sst s4;
	s6 =	smul.u32 $0x900, s2;
	s8 =	sshrl.u32 s1, $0x1  }
0x7: {  	s7 =	sshrl.u32 s5, $0x3;
	s2 =	smul.u32 $0x1200, s2;
	s1 =	ssub.s32 s1, s8  }
0x8: {  	s7 =	smul.u32 $0x280, s7;
	s0 =	sadd.s32 s6, s0;
	s1 =	smax.u32 s1, $0x1  }
0x9: {  	_ =	strace $0x80000047;
	s0 =	sadd.s32 $0x400, s0;
	[dreg:$0x1d] =	wrdreg s1  }
0xa: {  	s2 =	sor.u32 s5, s2;
	s23 =	sadd.s32 s9, s7;
	[dreg:$0x13] =	wrdreg s0  }
0xb: {  	s2 =	sshrl.u32 s2, $0x3;
	[dreg:$0x14] =	wrdreg s23  }
0xc: {  	s25 =	sadd.s32 $0x48, s2;
	[dreg:$0x15] =	wrdreg s2  }
0xd: {  	s26 =	sadd.s32 $0x90, s2;
	[dreg:$0x16] =	wrdreg s25  }
0xe: {  	s28 =	sadd.s32 $0xD8, s2;
	[dreg:$0x17] =	wrdreg s26  }
0xf: {  	s29 =	sadd.s32 $0x120, s2;
	[dreg:$0x18] =	wrdreg s28  }
.Ltmp0:
0x10: {  	s30 =	sadd.s32 $0x168, s2;
	[dreg:$0x19] =	wrdreg s29;
	(pc) =	sbr.rel .LBB2_1-.Ltmp0, $4  }
0x11: {  	s31 =	sadd.s32 $0x1B0, s2;
	[dreg:$0x1a] =	wrdreg s30  }
0x12: {  	s24 =	sadd.s32 $0x8, s5;
	s2 =	sadd.s32 $0x1F8, s2;
	[dreg:$0x1b] =	wrdreg s31  }
0x13: {  	s0 =	sshrl.u32 s24, $0x3;
	[dreg:$0x1c] =	wrdreg s2  }
0x14: {  	[dreg:$0x1e] =	wrdreg s0;
	s2 =	simm.s32 $0x0  }
.LBB2_14:
0x15: {  	s0 =	simm.s32 $0x4  }
0x16: {  	_ =	swait.ge [sflag:s0], $0x1400  }
0x17: {  	[sflag:s0] =	ssyncset.done $0x0  }
0x18: {  	[sflag:s0] =	ssyncadd.s32 $0xFFFFEC00  }
0x19: {  	_ =	swait.ge [sflag:s0], $0x1400  }
0x1a: {  	[sflag:s0] =	ssyncset.done $0x0  }
0x1b: {  	[sflag:s0] =	ssyncadd.s32 $0xFFFFEC00  }
0x1c: {  	_ =	swait.ge [sflag:s0], $0x1400  }
0x1d: {  	[sflag:s0] =	ssyncset.done $0x0  }
0x1e: {  	[sflag:s0] =	ssyncadd.s32 $0xFFFFEC00  }
0x1f: {  	_ =	swait.ge [sflag:s0], $0x1400  }
0x20: {  	[sflag:s0] =	ssyncset.done $0x0  }
0x21: {  	[sflag:s0] =	ssyncadd.s32 $0xFFFFEC00  }
0x22: {  	_ =	swait.ge [sflag:s0], $0x1400  }
0x23: {  	[sflag:s0] =	ssyncset.done $0x0  }
0x24: {  	[sflag:s0] =	ssyncadd.s32 $0xFFFFEC00  }
0x25: {  	_ =	swait.ge [sflag:s0], $0x1400  }
0x26: {  	[sflag:s0] =	ssyncset.done $0x0  }
0x27: {  	[sflag:s0] =	ssyncadd.s32 $0xFFFFEC00  }
0x28: {  	_ =	swait.ge [sflag:s0], $0x1400  }
0x29: {  	[sflag:s0] =	ssyncset.done $0x0  }
0x2a: {  	[sflag:s0] =	ssyncadd.s32 $0xFFFFEC00  }
0x2b: {  	_ =	swait.ge [sflag:s0], $0x1400  }
0x2c: {  	[sflag:s0] =	ssyncset.done $0x0  }
0x2d: {  	s1 =	simm.s32 $0x5;
	[sflag:s0] =	ssyncadd.s32 $0xFFFFEC00  }
0x2e: {  	_ =	swait.ge [sflag:s1], $0x1400  }
0x2f: {  	[sflag:s1] =	ssyncset.done $0x0  }
0x30: {  	[sflag:s1] =	ssyncadd.s32 $0xFFFFEC00  }
0x31: {  	_ =	swait.ge [sflag:s1], $0x1400  }
0x32: {  	[sflag:s1] =	ssyncset.done $0x0  }
0x33: {  	[sflag:s1] =	ssyncadd.s32 $0xFFFFEC00  }
0x34: {  	_ =	swait.ge [sflag:s1], $0x1400  }
0x35: {  	[sflag:s1] =	ssyncset.done $0x0  }
0x36: {  	[sflag:s1] =	ssyncadd.s32 $0xFFFFEC00  }
0x37: {  	_ =	swait.ge [sflag:s1], $0x1400  }
0x38: {  	[sflag:s1] =	ssyncset.done $0x0  }
0x39: {  	[sflag:s1] =	ssyncadd.s32 $0xFFFFEC00  }
0x3a: {  	_ =	swait.ge [sflag:s1], $0x1400  }
0x3b: {  	[sflag:s1] =	ssyncset.done $0x0  }
0x3c: {  	[sflag:s1] =	ssyncadd.s32 $0xFFFFEC00  }
0x3d: {  	_ =	swait.ge [sflag:s1], $0x1400  }
0x3e: {  	[sflag:s1] =	ssyncset.done $0x0  }
0x3f: {  	[sflag:s1] =	ssyncadd.s32 $0xFFFFEC00  }
0x40: {  	_ =	swait.ge [sflag:s1], $0x1400  }
0x41: {  	[sflag:s1] =	ssyncset.done $0x0  }
0x42: {  	[sflag:s1] =	ssyncadd.s32 $0xFFFFEC00  }
0x43: {  	_ =	swait.ge [sflag:s1], $0x1400  }
0x44: {  	s2 =	rddreg [dreg:$0x1f]  }
0x45: {  	s31 =	rddreg [dreg:$0x1d];
	s2 =	sadd.s32 $0x1, s2  }
0x46: {  	p0 =	sne.s32 s2, s31  }
.Ltmp1:
0x47: {  	_ = 	snop;
	(pc) =	sbr.rel @!p0 .LBB2_15-.Ltmp1, $3  }
0x48: {  	_ =	sdelay $0x1  }
0x49: {  	[sflag:s1] =	ssyncset.done $0x0  }
0x4a: {  	[sflag:s1] =	ssyncadd.s32 $0xFFFFEC00  }
.LBB2_1:
0x4b: {  	[dreg:$0x1f] =	wrdreg s2  }
0x4c: {  	s0 =	rddreg [dreg:$0x13]  }
0x4d: {  	s30 =	rddreg [dreg:$0x14]  }
0x4e: {  	[tilespmem:s4], [sflag:$0x1] =	stream.linear.gather [hbm4b:s0+s4], $0x4800, $0x38;
	[tilespmem:$0x1B000] =	vst v63  }
.Ltmp2:
0x4f: {  	s1 =	simm.s32 $0x4800;
	s31 =	simm.s32 $0x1;
	(pc) =	sbr.rel .LBB2_2-.Ltmp2, $4  }
0x50: {  	[tilespmem:s1], [sflag:$0x2] =	stream.linear.gather [hbm4b:s30+s4], $0x1400, $0x38;
	[tilespmem:$0x1B000] =	vst v63  }
0x51: {  	_ =	swait.ge [sflag:s31], $0x4800  }
0x52: {  	[sflag:s31] =	ssyncset.done $0x0  }
0x53: {  	s5 =	simm.s32 $0x0;
	[sflag:s31] =	ssyncadd.s32 $0xFFFFB800  }
.LBB2_13:
0x54: {  	s5 =	sadd.s32 $0x1, s5  }
0x55: {  	p0 =	sne.s32 s5, $0x9  }
.Ltmp3:
0x56: {  	_ = 	snop;
	(pc) =	sbr.rel @!p0 .LBB2_14-.Ltmp3, $1  }
0x57: {  	_ =	sdelay $0x3  }
.LBB2_2:
0x58: {  	s0 =	sand.u32 $0x1, s5  }
0x59: {  	p0 =	seq.s32 s0, $0x1  }
.Ltmp4:
0x5a: {  	_ = 	snop;
	(pc) =	sbr.rel @p0 .LBB2_8-.Ltmp4, $1  }
0x5b: {  	_ =	sdelay $0x3  }
0x5c: {  	[smem:$0x7FD] =	sst s0  }
0x5d: {  	p0 =	seq.s32 s5, $0x8;
	s0 =	rddreg [dreg:$0x1e]  }
0x5e: {  	s0 =	sadd.s32 @!p0 s5, s0  }
0x5f: {  	s0 =	smul.u32 @!p0 $0x280, s0  }
0x60: {  	s1 =	rddreg [dreg:$0x1];
	s31 =	simm.s32 $0x2  }
0x61: {  	s2 =	simm.s32 @!p0 $0x0;
	s6 =	simm.s32 @!p0 $0x5C00;
	s0 =	sadd.s32 @!p0 s1, s0  }
0x62: {  	[tilespmem:s6], [sflag:$0x3] =	stream.linear.gather @!p0 [hbm4b:s0+s2], $0x1400, $0x38;
	[tilespmem:$0x1B000] =	vst v63  }
0x63: {  	_ =	swait.ge [sflag:s31], $0x1400  }
0x64: {  	p0 =	slt.u32 s5, $0x2;
	[sflag:s31] =	ssyncset.done $0x0  }
0x65: {  	s0 =	simm.s32 @!p0 $0x4;
	[sflag:s31] =	ssyncadd.s32 $0xFFFFEC00  }
0x66: {  	_ =	swait.ge @!p0 [sflag:s0], $0x1400  }
0x67: {  	[sflag:s0] =	ssyncset.done @!p0 $0x0  }
0x68: {  	[sflag:s0] =	ssyncadd.s32 @!p0 $0xFFFFEC00  }
0x69: {  	_ =	swait.ge @!p0 [sflag:s0], $0x1400  }
0x6a: {  	[sflag:s0] =	ssyncset.done @!p0 $0x0  }
0x6b: {  	[sflag:s0] =	ssyncadd.s32 @!p0 $0xFFFFEC00  }
0x6c: {  	_ =	swait.ge @!p0 [sflag:s0], $0x1400  }
0x6d: {  	[sflag:s0] =	ssyncset.done @!p0 $0x0  }
0x6e: {  	[sflag:s0] =	ssyncadd.s32 @!p0 $0xFFFFEC00  }
0x6f: {  	_ =	swait.ge @!p0 [sflag:s0], $0x1400  }
0x70: {  	[sflag:s0] =	ssyncset.done @!p0 $0x0  }
0x71: {  	[sflag:s0] =	ssyncadd.s32 @!p0 $0xFFFFEC00  }
0x72: {  	_ =	swait.ge @!p0 [sflag:s0], $0x1400  }
0x73: {  	[sflag:s0] =	ssyncset.done @!p0 $0x0  }
0x74: {  	[sflag:s0] =	ssyncadd.s32 @!p0 $0xFFFFEC00  }
0x75: {  	_ =	swait.ge @!p0 [sflag:s0], $0x1400  }
0x76: {  	[sflag:s0] =	ssyncset.done @!p0 $0x0  }
0x77: {  	[sflag:s0] =	ssyncadd.s32 @!p0 $0xFFFFEC00  }
0x78: {  	_ =	swait.ge @!p0 [sflag:s0], $0x1400  }
0x79: {  	[sflag:s0] =	ssyncset.done @!p0 $0x0  }
0x7a: {  	[sflag:s0] =	ssyncadd.s32 @!p0 $0xFFFFEC00  }
0x7b: {  	_ =	swait.ge @!p0 [sflag:s0], $0x1400  }
0x7c: {  	s15 =	simm.s32 $0x0;
	[sflag:s0] =	ssyncset.done @!p0 $0x0  }
0x7d: {  	s1 =	smov.u32 s5;
	s6 =	simm.s32 $0x0;
	[sflag:s0] =	ssyncadd.s32 @!p0 $0xFFFFEC00  }
.LBB2_4:
0x7e: {  	s23 =	sshll.u32 s15, $0x7  }
0x7f: {  	s0 =	sadd.s32 $0x8400, s23  }
0x80: {  	s16 =	sadd.s32 $0x9800, s23;
	[dreg:$0x4] =	wrdreg s0  }
0x81: {  	s8 =	sand.u32 $0x1C00, s6;
	s17 =	sadd.s32 $0xAC00, s23;
	[dreg:$0x5] =	wrdreg s16  }
0x82: {  	s30 =	sand.u32 $0x60, s6;
	s18 =	sadd.s32 $0xC000, s23;
	[dreg:$0x6] =	wrdreg s17  }
0x83: {  	s19 =	sadd.s32 $0xD400, s23;
	s20 =	sadd.s32 $0xE800, s23;
	[dreg:$0x7] =	wrdreg s18  }
0x84: {  	s2 =	sor.u32 s23, s8;
	[dreg:$0x8] =	wrdreg s19;
	s19 =	sor.u32 $0x10, s30  }
0x85: {  	[dreg:$0x9] =	wrdreg s20;
	s21 =	sor.u32 s19, s2  }
0x86: {  	s2 =	sor.u32 s30, s2;
	v2 =	vld [tilespmem:s21+$0x4800]  }
0x87: {  	v3 =	vld [tilespmem:s2+$0x4800];
	_ =	sdelay $0x6  }
0x88: {  	v0 =	vld.idx.msk [tilespmem:v2+s4+$0x0], $0xffff  }
0x89: {  	s9 =	simm.s32 $0x100;
	s10 =	simm.s32 $0x20;
	v4 =	vadd.s32 $0x900, v2;
	v1 =	vld.idx.msk [tilespmem:v3+s4+$0x0], $0xffff  }
0x8a: {  	s0 =	sand.u32 $0x1C00, s9;
	s17 =	sand.u32 $0x60, s10;
	v5 =	vadd.s32 $0x900, v3  }
0x8b: {  	s22 =	sor.u32 s23, s0;
	s18 =	sor.u32 $0x10, s17  }
0x8c: {  	s24 =	sor.u32 s18, s22  }
0x8d: {  	s7 =	rddreg [dreg:$0x4];
	[tilespmem:s21+$0x7000] =	vst v0;
	v0 =	vld [tilespmem:s24+$0x4800]  }
0x8e: {  	[tilespmem:s2+$0x7000] =	vst v1;
	v1 =	vld.idx.msk [tilespmem:v4+s4+$0x0], $0xffff  }
0x8f: {  	v6 =	vadd.s32 $0x1200, v2;
	s2 =	sor.u32 s17, s22;
	v5 =	vld.idx.msk [tilespmem:v5+s4+$0x0], $0xffff  }
0x90: {  	v7 =	vadd.s32 $0x1200, v3;
	v4 =	vld [tilespmem:s2+$0x4800]  }
0x91: {  	s7 =	sadd.s32 s8, s7  }
0x92: {  	s25 =	sadd.s32 s19, s7  }
0x93: {  	s7 =	sadd.s32 s30, s7;
	[tilespmem:s25+$0x0] =	vst v1  }
0x94: {  	[tilespmem:s7+$0x0] =	vst v5;
	v1 =	vld.idx.msk [tilespmem:v6+s4+$0x0], $0xffff  }
0x95: {  	v5 =	vld.idx.msk [tilespmem:v7+s4+$0x0], $0xffff;
	v6 =	vadd.s32 $0x1B00, v2  }
0x96: {  	s7 =	rddreg [dreg:$0x5];
	v7 =	vadd.s32 $0x1B00, v3  }
0x97: {  	s7 =	sadd.s32 s8, s7;
	v8 =	vld.idx.msk [tilespmem:v0+s4+$0x0], $0xffff  }
0x98: {  	s3 =	simm.s32 $0x200;
	v10 =	vadd.s32 $0x900, v0;
	s26 =	sadd.s32 s19, s7;
	v9 =	vld.idx.msk [tilespmem:v4+s4+$0x0], $0xffff  }
0x99: {  	s11 =	simm.s32 $0x40;
	s21 =	sand.u32 $0x1C00, s3;
	s7 =	sadd.s32 s30, s7;
	[tilespmem:s26+$0x0] =	vst v1;
	v1 =	vadd.s32 $0x900, v4  }
0x9a: {  	s20 =	sand.u32 $0x60, s11;
	s5 =	sor.u32 s23, s21;
	[tilespmem:s7+$0x0] =	vst v5;
	v5 =	vld.idx.msk [tilespmem:v6+s4+$0x0], $0xffff  }
0x9b: {  	s12 =	rddreg [dreg:$0x4];
	s9 =	sor.u32 s20, s5;
	v6 =	vld.idx.msk [tilespmem:v7+s4+$0x0], $0xffff;
	v7 =	vadd.s32 $0x2400, v2  }
0x9c: {  	v12 =	vld [tilespmem:s9+$0x4800];
	s7 =	rddreg [dreg:$0x6];
	[tilespmem:s24+$0x7000] =	vst v8;
	v8 =	vadd.s32 $0x2400, v3  }
0x9d: {  	s22 =	sor.u32 $0x10, s20;
	[tilespmem:s2+$0x7000] =	vst v9;
	v9 =	vld.idx.msk [tilespmem:v10+s4+$0x0], $0xffff;
	s11 =	sadd.s32 s8, s7  }
0x9e: {  	v11 =	vadd.s32 $0x1200, v0;
	s7 =	sor.u32 s22, s5;
	s13 =	sadd.s32 s19, s11;
	v10 =	vld.idx.msk [tilespmem:v1+s4+$0x0], $0xffff  }
0x9f: {  	s2 =	sadd.s32 s30, s11;
	v1 =	vld [tilespmem:s7+$0x4800];
	[tilespmem:s13+$0x0] =	vst v5;
	v5 =	vadd.s32 $0x1200, v4  }
0xa0: {  	s14 =	sadd.s32 s0, s12;
	[tilespmem:s2+$0x0] =	vst v6;
	v6 =	vld.idx.msk [tilespmem:v7+s4+$0x0], $0xffff  }
0xa1: {  	s16 =	sadd.s32 s18, s14;
	v7 =	vld.idx.msk [tilespmem:v8+s4+$0x0], $0xffff;
	v8 =	vadd.s32 $0x2D00, v2  }
0xa2: {  	s2 =	sadd.s32 s17, s14;
	s10 =	rddreg [dreg:$0x7];
	[tilespmem:s16+$0x0] =	vst v9  }
0xa3: {  	v9 =	vld.idx.msk [tilespmem:v11+s4+$0x0], $0xffff;
	s24 =	sadd.s32 s8, s10;
	[tilespmem:s2+$0x0] =	vst v10  }
0xa4: {  	s26 =	sadd.s32 s19, s24;
	v10 =	vadd.s32 $0x2D00, v3;
	v5 =	vld.idx.msk [tilespmem:v5+s4+$0x0], $0xffff  }
0xa5: {  	s2 =	sadd.s32 s30, s24;
	s25 =	rddreg [dreg:$0x5];
	[tilespmem:s26+$0x0] =	vst v6;
	v6 =	vadd.s32 $0x1B00, v0  }
0xa6: {  	s10 =	sadd.s32 s0, s25;
	[tilespmem:s2+$0x0] =	vst v7;
	v7 =	vadd.s32 $0x1B00, v4;
	v8 =	vld.idx.msk [tilespmem:v8+s4+$0x0], $0xffff  }
0xa7: {  	v13 =	vadd.s32 $0x3600, v2;
	s3 =	sadd.s32 s18, s10;
	v11 =	vld.idx.msk [tilespmem:v1+s4+$0x0], $0xffff  }
0xa8: {  	v14 =	vadd.s32 $0x900, v1;
	s2 =	rddreg [dreg:$0x8];
	s10 =	sadd.s32 s17, s10;
	[tilespmem:s3+$0x0] =	vst v9;
	v9 =	vld.idx.msk [tilespmem:v12+s4+$0x0], $0xffff  }
0xa9: {  	v10 =	vld.idx.msk [tilespmem:v10+s4+$0x0], $0xffff;
	[tilespmem:s10+$0x0] =	vst v5;
	s10 =	sadd.s32 s8, s2  }
0xaa: {  	s24 =	simm.s32 $0x300;
	v5 =	vadd.s32 $0x900, v12;
	v6 =	vld.idx.msk [tilespmem:v6+s4+$0x0], $0xffff;
	s5 =	sadd.s32 s19, s10  }
0xab: {  	s26 =	sand.u32 $0x1C00, s24;
	s13 =	rddreg [dreg:$0x9];
	s2 =	simm.s32 $0x60;
	v7 =	vld.idx.msk [tilespmem:v7+s4+$0x0], $0xffff;
	[tilespmem:s5+$0x0] =	vst v8  }
0xac: {  	v15 =	vadd.s32 $0x2400, v0;
	s14 =	rddreg [dreg:$0x4];
	s16 =	sor.u32 s23, s26;
	s24 =	sand.u32 $0x60, s2;
	[tilespmem:s7+$0x7000] =	vst v11;
	v8 =	vld.idx.msk [tilespmem:v13+s4+$0x0], $0xffff  }
0xad: {  	s11 =	rddreg [dreg:$0x6];
	v11 =	vadd.s32 $0x2400, v4;
	s31 =	sor.u32 s24, s16;
	[tilespmem:s9+$0x7000] =	vst v9;
	v9 =	vld.idx.msk [tilespmem:v14+s4+$0x0], $0xffff  }
0xae: {  	s25 =	sor.u32 $0x10, s24;
	s3 =	sadd.s32 s0, s11;
	v13 =	vadd.s32 $0x3F00, v2;
	v19 =	vld [tilespmem:s31+$0x4800]  }
0xaf: {  	s29 =	sor.u32 s25, s16;
	s11 =	sadd.s32 s18, s3;
	v14 =	vadd.s32 $0x1200, v1;
	v5 =	vld.idx.msk [tilespmem:v5+s4+$0x0], $0xffff  }
0xb0: {  	s7 =	sadd.s32 s8, s13;
	s9 =	sadd.s32 s17, s3;
	v2 =	vld [tilespmem:s29+$0x4800];
	[tilespmem:s11+$0x0] =	vst v6;
	v6 =	vadd.s32 $0x1200, v12  }
0xb1: {  	s5 =	sadd.s32 s21, s14;
	s13 =	sadd.s32 s19, s7;
	[tilespmem:s9+$0x0] =	vst v7;
	v7 =	vld.idx.msk [tilespmem:v15+s4+$0x0], $0xffff  }
0xb2: {  	s14 =	sadd.s32 s22, s5;
	v15 =	vadd.s32 $0x3600, v3;
	v11 =	vld.idx.msk [tilespmem:v11+s4+$0x0], $0xffff;
	[tilespmem:s13+$0x0] =	vst v8  }
0xb3: {  	s9 =	sadd.s32 s20, s5;
	[tilespmem:s14+$0x0] =	vst v9;
	v8 =	vld.idx.msk [tilespmem:v13+s4+$0x0], $0xffff  }
0xb4: {  	v16 =	vadd.s32 $0x2D00, v0;
	s11 =	rddreg [dreg:$0x7];
	v14 =	vld.idx.msk [tilespmem:v14+s4+$0x0], $0xffff;
	[tilespmem:s9+$0x0] =	vst v5  }
0xb5: {  	v20 =	vadd.s32 $0x2D00, v4;
	s10 =	sadd.s32 s30, s10;
	s16 =	sadd.s32 s0, s11;
	v22 =	vld.idx.msk [tilespmem:v6+s4+$0x0], $0xffff  }
0xb6: {  	s28 =	sadd.s32 $0xFC00, s23;
	v24 =	vadd.s32 $0x1B00, v1;
	[tilespmem:s10+$0x0] =	vst v10;
	s11 =	sadd.s32 s18, s16;
	v23 =	vld.idx.msk [tilespmem:v19+s4+$0x0], $0xffff  }
0xb7: {  	v26 =	vadd.s32 $0x1B00, v12;
	s5 =	sadd.s32 s8, s28;
	v9 =	vadd.s32 $0x2D00, v12;
	s9 =	sadd.s32 s17, s16;
	s3 =	rddreg [dreg:$0x5];
	[tilespmem:s11+$0x0] =	vst v7;
	v25 =	vld.idx.msk [tilespmem:v15+s4+$0x0], $0xffff  }
0xb8: {  	s8 =	sadd.s32 s19, s5;
	v18 =	vadd.s32 $0x900, v19;
	v10 =	vadd.s32 $0x2D00, v19;
	v13 =	vadd.s32 $0x1B00, v19;
	[tilespmem:s9+$0x0] =	vst v11;
	v21 =	vld.idx.msk [tilespmem:v2+s4+$0x0], $0xffff;
	s12 =	sadd.s32 s21, s3  }
0xb9: {  	v5 =	vadd.s32 $0x3600, v12;
	v6 =	vadd.s32 $0x3F00, v3;
	v3 =	vadd.s32 $0x3F00, v4;
	v17 =	vld.idx.msk [tilespmem:v16+s4+$0x0], $0xffff;
	s14 =	sadd.s32 s22, s12;
	[tilespmem:s8+$0x0] =	vst v8  }
0xba: {  	s19 =	simm.s32 $0x400;
	v7 =	vadd.s32 $0x3600, v4;
	v11 =	vadd.s32 $0x2400, v12;
	v4 =	vadd.s32 $0x3F00, v12;
	s13 =	rddreg [dreg:$0x8];
	s9 =	sadd.s32 s20, s12;
	v16 =	vld.idx.msk [tilespmem:v20+s4+$0x0], $0xffff;
	[tilespmem:s14+$0x0] =	vst v14  }
0xbb: {  	s16 =	sadd.s32 s30, s7;
	s30 =	sadd.s32 s30, s5;
	v15 =	vadd.s32 $0x1200, v19;
	v12 =	vadd.s32 $0x3F00, v19;
	v14 =	vadd.s32 $0x2400, v19;
	v20 =	vld.idx.msk [tilespmem:v24+s4+$0x0], $0xffff;
	[tilespmem:s9+$0x0] =	vst v22;
	s9 =	sadd.s32 s0, s13  }
0xbc: {  	s8 =	simm.s32 $0x6;
	v8 =	vadd.s32 $0x3600, v19;
	v19 =	vadd.s32 $0x3600, v0;
	v24 =	vadd.s32 $0x900, v2;
	v22 =	vld.idx.msk [tilespmem:v26+s4+$0x0], $0xffff;
	s12 =	rddreg [dreg:$0x6];
	s7 =	sadd.s32 s18, s9;
	[tilespmem:s16+$0x0] =	vst v25  }
.LBB2_5:
0xbd: {  	_ = 	snop  }
0xbe: {  	[tilespmem:s7+$0x0] =	vst v17  }
0xbf: {  	s2 =	sadd.s32 $0x20, s2;
	v25 =	vadd.s32 $0x2400, v1;
	v17 =	vld.idx.msk [tilespmem:v6+s4+$0x0], $0xffff;
	[tilespmem:s31+$0x7000] =	vst v23  }
0xc0: {  	s10 =	sand.u32 $0x1C00, s19;
	s11 =	sand.u32 $0x60, s2;
	[tilespmem:s29+$0x7000] =	vst v21;
	v18 =	vld.idx.msk [tilespmem:v18+s4+$0x0], $0xffff  }
0xc1: {  	s12 =	sadd.s32 s21, s12;
	s5 =	sor.u32 s23, s10;
	s16 =	sor.u32 $0x10, s11;
	v6 =	vmov v3;
	v3 =	vmov v4;
	v4 =	vmov v12;
	v12 =	vld.idx.msk [tilespmem:v19+s4+$0x0], $0xffff  }
0xc2: {  	s13 =	rddreg [dreg:$0x9];
	s3 =	sadd.s32 s22, s12;
	s29 =	sor.u32 s16, s5;
	v19 =	vld.idx.msk [tilespmem:v24+s4+$0x0], $0xffff  }
0xc3: {  	s14 =	rddreg [dreg:$0x4];
	s31 =	sor.u32 s11, s5;
	v21 =	vadd.s32 $0x3F00, v0;
	v0 =	vmov v1;
	v1 =	vmov v2;
	s5 =	sadd.s32 s20, s12;
	v2 =	vld [tilespmem:s29+$0x4800];
	[tilespmem:s3+$0x0] =	vst v20  }
0xc4: {  	s9 =	sadd.s32 s17, s9;
	s7 =	sadd.s32 s0, s13;
	s13 =	sadd.s32 s26, s14;
	[tilespmem:s5+$0x0] =	vst v22;
	v20 =	vld.idx.msk [tilespmem:v25+s4+$0x0], $0xffff  }
0xc5: {  	v23 =	vadd.s32 $0x1200, v1;
	s5 =	sadd.s32 s24, s13;
	v22 =	vld [tilespmem:s31+$0x4800];
	[tilespmem:s9+$0x0] =	vst v16  }
0xc6: {  	s12 =	smov.u32 s22;
	s22 =	smov.u32 s25;
	s25 =	sadd.s32 s18, s7;
	v16 =	vld.idx.msk [tilespmem:v11+s4+$0x0], $0xffff;
	[tilespmem:s5+$0x0] =	vst v18  }
0xc7: {  	v24 =	vadd.s32 $0x2D00, v0;
	s9 =	sadd.s32 s22, s13;
	[tilespmem:s25+$0x0] =	vst v12  }
0xc8: {  	s14 =	rddreg [dreg:$0x7];
	[tilespmem:s9+$0x0] =	vst v19;
	v27 =	vld.idx.msk [tilespmem:v15+s4+$0x0], $0xffff  }
0xc9: {  	s8 =	sadd.s32 $0x2, s8;
	s13 =	sadd.s32 s17, s7;
	s5 =	sadd.s32 s21, s14;
	v25 =	vld.idx.msk [tilespmem:v21+s4+$0x0], $0xffff  }
0xca: {  	s7 =	rddreg [dreg:$0x5];
	s14 =	sadd.s32 s0, s28;
	s3 =	sadd.s32 s12, s5;
	[tilespmem:s30+$0x0] =	vst v17;
	v26 =	vld.idx.msk [tilespmem:v23+s4+$0x0], $0xffff  }
0xcb: {  	s0 =	smov.u32 s21;
	s21 =	smov.u32 s26;
	s9 =	sadd.s32 s20, s5;
	[tilespmem:s3+$0x0] =	vst v20;
	v29 =	vld.idx.msk [tilespmem:v7+s4+$0x0], $0xffff  }
0xcc: {  	p0 =	slt.u32 s8, $0x22;
	v28 =	vadd.s32 $0x1B00, v1;
	s25 =	smov.u32 s16;
	s5 =	sadd.s32 s21, s7;
	v17 =	vld.idx.msk [tilespmem:v24+s4+$0x0], $0xffff;
	[tilespmem:s9+$0x0] =	vst v16  }
.Ltmp5:
0xcd: {  	s16 =	sadd.s32 s18, s14;
	s18 =	sadd.s32 s24, s5;
	v16 =	vld.idx.msk [tilespmem:v9+s4+$0x0], $0xffff;
	(pc) =	sbr.rel @p0 .LBB2_5-.Ltmp5, $4  }
0xce: {  	s19 =	sadd.s32 $0x100, s19;
	s26 =	smov.u32 s10;
	s7 =	rddreg [dreg:$0x8];
	v18 =	vadd.s32 $0x900, v22;
	v23 =	vld.idx.msk [tilespmem:v22+s4+$0x0], $0xffff;
	[tilespmem:s18+$0x0] =	vst v27  }
0xcf: {  	v11 =	vmovc v14;
	s30 =	sadd.s32 s17, s14;
	s17 =	smov.u32 s20;
	v15 =	vadd.s32 $0x1200, v22;
	v30 =	vadd.s32 $0x1B00, v22;
	v14 =	vadd.s32 $0x2400, v22;
	s5 =	sadd.s32 s22, s5;
	v21 =	vld.idx.msk [tilespmem:v2+s4+$0x0], $0xffff;
	[tilespmem:s16+$0x0] =	vst v25  }
0xd0: {  	s20 =	smov.u32 s24;
	v7 =	vmovc v5;
	v5 =	vmovc v8;
	v20 =	vadd.s32 $0x2D00, v22;
	v8 =	vadd.s32 $0x3600, v22;
	v12 =	vadd.s32 $0x3F00, v22;
	s9 =	sadd.s32 s0, s7;
	s18 =	smov.u32 s12;
	[tilespmem:s5+$0x0] =	vst v26;
	v22 =	vld.idx.msk [tilespmem:v13+s4+$0x0], $0xffff  }
0xd1: {  	v19 =	vadd.s32 $0x3600, v0;
	s24 =	smov.u32 s11;
	v24 =	vadd.s32 $0x900, v2;
	v9 =	vmovc v10;
	v10 =	vmovc v20;
	s12 =	rddreg [dreg:$0x6];
	s7 =	sadd.s32 s18, s9;
	[tilespmem:s13+$0x0] =	vst v29;
	v13 =	vmov v30;
	v20 =	vld.idx.msk [tilespmem:v28+s4+$0x0], $0xffff  }
0xd2: {  	_ =	sdelay $0x2  }
0xd3: {  	s2 =	rddreg [dreg:$0x4];
	[tilespmem:s31+$0x7000] =	vst v23  }
0xd4: {  	[tilespmem:s29+$0x7000] =	vst v21;
	v18 =	vld.idx.msk [tilespmem:v18+s4+$0x0], $0xffff  }
0xd5: {  	v21 =	vld.idx.msk [tilespmem:v24+s4+$0x0], $0xffff  }
0xd6: {  	v47 =	vadd.s32 $0x1200, v2  }
0xd7: {  	s2 =	sadd.s32 s26, s2  }
0xd8: {  	s3 =	sadd.s32 s25, s2;
	s2 =	sadd.s32 s24, s2  }
0xd9: {  	[tilespmem:s2+$0x0] =	vst v18  }
0xda: {  	[tilespmem:s3+$0x0] =	vst v21;
	v15 =	vld.idx.msk [tilespmem:v15+s4+$0x0], $0xffff  }
0xdb: {  	v48 =	vld.idx.msk [tilespmem:v47+s4+$0x0], $0xffff  }
0xdc: {  	v49 =	vadd.s32 $0x1B00, v2;
	s2 =	rddreg [dreg:$0x5]  }
0xdd: {  	s2 =	sadd.s32 s26, s2  }
0xde: {  	s5 =	sadd.s32 s25, s2;
	s2 =	sadd.s32 s24, s2  }
0xdf: {  	[tilespmem:s2+$0x0] =	vst v15  }
0xe0: {  	v50 =	vadd.s32 $0x2400, v1;
	[tilespmem:s5+$0x0] =	vst v48;
	v13 =	vld.idx.msk [tilespmem:v13+s4+$0x0], $0xffff  }
0xe1: {  	s8 =	sadd.s32 s21, s12;
	v18 =	vld.idx.msk [tilespmem:v49+s4+$0x0], $0xffff  }
0xe2: {  	v51 =	vadd.s32 $0x2400, v2;
	s3 =	sadd.s32 s20, s8;
	s2 =	rddreg [dreg:$0x6]  }
0xe3: {  	[tilespmem:s3+$0x0] =	vst v22;
	s5 =	sadd.s32 s22, s8;
	s2 =	sadd.s32 s26, s2  }
0xe4: {  	v11 =	vld.idx.msk [tilespmem:v11+s4+$0x0], $0xffff;
	[tilespmem:s5+$0x0] =	vst v20;
	s10 =	sadd.s32 s25, s2;
	s2 =	sadd.s32 s24, s2  }
0xe5: {  	v15 =	vld.idx.msk [tilespmem:v50+s4+$0x0], $0xffff;
	[tilespmem:s2+$0x0] =	vst v13  }
0xe6: {  	v52 =	vadd.s32 $0x2D00, v1;
	s5 =	rddreg [dreg:$0x7];
	[tilespmem:s10+$0x0] =	vst v18;
	v14 =	vld.idx.msk [tilespmem:v14+s4+$0x0], $0xffff  }
0xe7: {  	s11 =	rddreg [dreg:$0x9];
	s5 =	sadd.s32 s21, s5;
	v18 =	vld.idx.msk [tilespmem:v51+s4+$0x0], $0xffff  }
0xe8: {  	[tilespmem:s7+$0x0] =	vst v17;
	v53 =	vadd.s32 $0x2D00, v2;
	s12 =	sadd.s32 s22, s5;
	s5 =	sadd.s32 s20, s5;
	s2 =	rddreg [dreg:$0x7]  }
0xe9: {  	v6 =	vld.idx.msk [tilespmem:v6+s4+$0x0], $0xffff;
	[tilespmem:s5+$0x0] =	vst v11;
	s2 =	sadd.s32 s26, s2  }
0xea: {  	v9 =	vld.idx.msk [tilespmem:v9+s4+$0x0], $0xffff;
	[tilespmem:s12+$0x0] =	vst v15;
	s13 =	sadd.s32 s25, s2;
	s2 =	sadd.s32 s24, s2  }
0xeb: {  	v55 =	vld.idx.msk [tilespmem:v52+s4+$0x0], $0xffff;
	[tilespmem:s2+$0x0] =	vst v14  }
0xec: {  	v56 =	vadd.s32 $0x3600, v1;
	s14 =	sadd.s32 s17, s9;
	s7 =	rddreg [dreg:$0x8];
	[tilespmem:s13+$0x0] =	vst v18;
	v10 =	vld.idx.msk [tilespmem:v10+s4+$0x0], $0xffff  }
0xed: {  	[tilespmem:s14+$0x0] =	vst v16;
	s7 =	sadd.s32 s21, s7;
	v57 =	vld.idx.msk [tilespmem:v53+s4+$0x0], $0xffff  }
0xee: {  	v58 =	vadd.s32 $0x3600, v2;
	v7 =	vld.idx.msk [tilespmem:v7+s4+$0x0], $0xffff;
	[tilespmem:s30+$0x0] =	vst v6;
	s23 =	sadd.s32 s20, s7;
	s5 =	rddreg [dreg:$0x8]  }
0xef: {  	v54 =	vld.idx.msk [tilespmem:v19+s4+$0x0], $0xffff;
	s8 =	rddreg [dreg:$0x9];
	s19 =	sadd.s32 s22, s7;
	[tilespmem:s23+$0x0] =	vst v9;
	s5 =	sadd.s32 s26, s5  }
0xf0: {  	v0 =	vadd.s32 $0x3F00, v0;
	v5 =	vld.idx.msk [tilespmem:v5+s4+$0x0], $0xffff;
	[tilespmem:s19+$0x0] =	vst v55;
	s9 =	sadd.s32 s24, s5  }
0xf1: {  	s3 =	sadd.s32 s0, s11;
	s31 =	rddreg [dreg:$0x9];
	v11 =	vld.idx.msk [tilespmem:v56+s4+$0x0], $0xffff;
	s29 =	sadd.s32 s25, s5;
	[tilespmem:s9+$0x0] =	vst v10  }
0xf2: {  	v59 =	vadd.s32 $0x3F00, v1;
	s10 =	sadd.s32 s17, s3;
	[tilespmem:s29+$0x0] =	vst v57;
	v62 =	vld.idx.msk [tilespmem:v8+s4+$0x0], $0xffff  }
0xf3: {  	s16 =	sadd.s32 s18, s3;
	[tilespmem:s10+$0x0] =	vst v7;
	s11 =	sadd.s32 s21, s8;
	v60 =	vld.idx.msk [tilespmem:v58+s4+$0x0], $0xffff  }
0xf4: {  	v61 =	vadd.s32 $0x3F00, v2;
	[tilespmem:s16+$0x0] =	vst v54;
	v3 =	vld.idx.msk [tilespmem:v3+s4+$0x0], $0xffff;
	s3 =	sadd.s32 s20, s11  }
0xf5: {  	v0 =	vld.idx.msk [tilespmem:v0+s4+$0x0], $0xffff;
	s12 =	sadd.s32 s22, s11;
	s13 =	sadd.s32 s26, s31;
	[tilespmem:s3+$0x0] =	vst v5  }
0xf6: {  	s2 =	sadd.s32 s24, s13;
	v4 =	vld.idx.msk [tilespmem:v4+s4+$0x0], $0xffff;
	[tilespmem:s12+$0x0] =	vst v11  }
0xf7: {  	s16 =	sadd.s32 s0, s28;
	s14 =	sadd.s32 s25, s13;
	v1 =	vld.idx.msk [tilespmem:v59+s4+$0x0], $0xffff;
	[tilespmem:s2+$0x0] =	vst v62  }
0xf8: {  	s15 =	sadd.s32 $0x1, s15;
	s0 =	sadd.s32 s17, s16;
	[tilespmem:s14+$0x0] =	vst v60;
	v63 =	vld.idx.msk [tilespmem:v12+s4+$0x0], $0xffff  }
0xf9: {  	p0 =	sne.s32 s15, $0x8;
	s23 =	sadd.s32 s21, s28;
	s19 =	sadd.s32 s18, s16;
	[tilespmem:s0+$0x0] =	vst v3;
	v2 =	vld.idx.msk [tilespmem:v61+s4+$0x0], $0xffff  }
.Ltmp6:
0xfa: {  	[tilespmem:s19+$0x0] =	vst v0;
	s2 =	sadd.s32 s20, s23;
	(pc) =	sbr.rel @p0 .LBB2_4-.Ltmp6, $4  }
0xfb: {  	s30 =	sadd.s32 s26, s28;
	s29 =	sadd.s32 s22, s23;
	[tilespmem:s2+$0x0] =	vst v4  }
0xfc: {  	s0 =	sadd.s32 s24, s30;
	[tilespmem:s29+$0x0] =	vst v1  }
0xfd: {  	s31 =	sadd.s32 s25, s30;
	[tilespmem:s0+$0x0] =	vst v63  }
0xfe: {  	[tilespmem:s31+$0x0] =	vst v2  }
0xff: {  	s0 =	rddreg [dreg:$0x15]  }
0x100: {  	s11 =	rddreg [dreg:$0x16]  }
0x101: {  	s5 =	smov.u32 s1;
	s12 =	rddreg [dreg:$0x2];
	s0 =	sadd.s32 s0, s1  }
0x102: {  	s3 =	simm.s32 $0x7000;
	s15 =	rddreg [dreg:$0x17];
	s0 =	smul.u32 $0x280, s0  }
0x103: {  	s14 =	simm.s32 $0x8400;
	s16 =	rddreg [dreg:$0x18];
	s2 =	sadd.s32 s11, s5  }
0x104: {  	s17 =	simm.s32 $0x9800;
	s2 =	smul.u32 $0x280, s2;
	s0 =	sadd.s32 s12, s0  }
0x105: {  	[hbm4b:s0+s4] =	stream.linear.scatter [tilespmem:s3], [sflag:$0x4], $0x1400, $0x38;
	[tilespmem:$0x1B000] =	vst v63  }
0x106: {  	s19 =	simm.s32 $0xAC00;
	s20 =	rddreg [dreg:$0x19];
	s0 =	sadd.s32 s15, s5  }
0x107: {  	s13 =	sadd.s32 s12, s2;
	s2 =	sadd.s32 s16, s5;
	s0 =	smul.u32 $0x280, s0  }
0x108: {  	[hbm4b:s13+s4] =	stream.linear.scatter [tilespmem:s14], [sflag:$0x4], $0x1400, $0x38;
	[tilespmem:$0x1B000] =	vst v63  }
0x109: {  	s21 =	rddreg [dreg:$0x1a];
	s2 =	smul.u32 $0x280, s2;
	s0 =	sadd.s32 s12, s0  }
0x10a: {  	[hbm4b:s0+s4] =	stream.linear.scatter [tilespmem:s17], [sflag:$0x4], $0x1400, $0x38;
	[tilespmem:$0x1B000] =	vst v63  }
0x10b: {  	s22 =	simm.s32 $0xC000;
	s25 =	rddreg [dreg:$0x1b];
	s0 =	sadd.s32 s20, s5  }
0x10c: {  	s18 =	sadd.s32 s12, s2;
	s2 =	sadd.s32 s21, s5;
	s0 =	smul.u32 $0x280, s0  }
0x10d: {  	[hbm4b:s18+s4] =	stream.linear.scatter [tilespmem:s19], [sflag:$0x4], $0x1400, $0x38;
	[tilespmem:$0x1B000] =	vst v63  }
0x10e: {  	s31 =	sld [smem:$0x7FD];
	s2 =	smul.u32 $0x280, s2;
	s0 =	sadd.s32 s12, s0  }
0x10f: {  	[hbm4b:s0+s4] =	stream.linear.scatter [tilespmem:s22], [sflag:$0x4], $0x1400, $0x38;
	[tilespmem:$0x1B000] =	vst v63  }
0x110: {  	s24 =	simm.s32 $0xD400;
	s26 =	rddreg [dreg:$0x1c];
	s0 =	sadd.s32 s25, s5  }
0x111: {  	p0 =	seq.s32 s31, $0x0;
	s23 =	sadd.s32 s12, s2;
	s0 =	smul.u32 $0x280, s0  }
0x112: {  	[hbm4b:s23+s4] =	stream.linear.scatter [tilespmem:s24], [sflag:$0x4], $0x1400, $0x38;
	[tilespmem:$0x1B000] =	vst v63  }
.Ltmp7:
0x113: {  	s2 =	sadd.s32 s26, s5;
	(pc) =	sbr.rel @p0 .LBB2_13-.Ltmp7, $4  }
0x114: {  	s28 =	simm.s32 $0xE800;
	s2 =	smul.u32 $0x280, s2;
	s0 =	sadd.s32 s12, s0  }
0x115: {  	[hbm4b:s0+s4] =	stream.linear.scatter [tilespmem:s28], [sflag:$0x4], $0x1400, $0x38;
	[tilespmem:$0x1B000] =	vst v63  }
0x116: {  	s30 =	simm.s32 $0xFC00;
	s29 =	sadd.s32 s12, s2  }
0x117: {  	[hbm4b:s29+s4] =	stream.linear.scatter [tilespmem:s30], [sflag:$0x4], $0x1400, $0x38;
	[tilespmem:$0x1B000] =	vst v63  }
.LBB2_8:
0x118: {  	p0 =	seq.s32 s5, $0x8;
	s0 =	rddreg [dreg:$0x1e]  }
0x119: {  	s0 =	sadd.s32 @!p0 s5, s0  }
0x11a: {  	s0 =	smul.u32 @!p0 $0x280, s0  }
0x11b: {  	s1 =	rddreg [dreg:$0x1];
	s31 =	simm.s32 $0x3  }
0x11c: {  	s2 =	simm.s32 @!p0 $0x0;
	s3 =	simm.s32 @!p0 $0x4800;
	s0 =	sadd.s32 @!p0 s1, s0  }
0x11d: {  	[tilespmem:s3], [sflag:$0x2] =	stream.linear.gather @!p0 [hbm4b:s0+s2], $0x1400, $0x38;
	[tilespmem:$0x1B000] =	vst v63  }
0x11e: {  	_ =	swait.ge [sflag:s31], $0x1400  }
0x11f: {  	p0 =	slt.u32 s5, $0x2;
	[sflag:s31] =	ssyncset.done $0x0  }
0x120: {  	s0 =	simm.s32 @!p0 $0x5;
	[smem:$0x7FC] =	sst s5;
	[sflag:s31] =	ssyncadd.s32 $0xFFFFEC00  }
0x121: {  	_ =	swait.ge @!p0 [sflag:s0], $0x1400  }
0x122: {  	[sflag:s0] =	ssyncset.done @!p0 $0x0  }
0x123: {  	[sflag:s0] =	ssyncadd.s32 @!p0 $0xFFFFEC00  }
0x124: {  	_ =	swait.ge @!p0 [sflag:s0], $0x1400  }
0x125: {  	[sflag:s0] =	ssyncset.done @!p0 $0x0  }
0x126: {  	[sflag:s0] =	ssyncadd.s32 @!p0 $0xFFFFEC00  }
0x127: {  	_ =	swait.ge @!p0 [sflag:s0], $0x1400  }
0x128: {  	[sflag:s0] =	ssyncset.done @!p0 $0x0  }
0x129: {  	[sflag:s0] =	ssyncadd.s32 @!p0 $0xFFFFEC00  }
0x12a: {  	_ =	swait.ge @!p0 [sflag:s0], $0x1400  }
0x12b: {  	[sflag:s0] =	ssyncset.done @!p0 $0x0  }
0x12c: {  	[sflag:s0] =	ssyncadd.s32 @!p0 $0xFFFFEC00  }
0x12d: {  	_ =	swait.ge @!p0 [sflag:s0], $0x1400  }
0x12e: {  	[sflag:s0] =	ssyncset.done @!p0 $0x0  }
0x12f: {  	[sflag:s0] =	ssyncadd.s32 @!p0 $0xFFFFEC00  }
0x130: {  	_ =	swait.ge @!p0 [sflag:s0], $0x1400  }
0x131: {  	[sflag:s0] =	ssyncset.done @!p0 $0x0  }
0x132: {  	[sflag:s0] =	ssyncadd.s32 @!p0 $0xFFFFEC00  }
0x133: {  	_ =	swait.ge @!p0 [sflag:s0], $0x1400  }
0x134: {  	[sflag:s0] =	ssyncset.done @!p0 $0x0  }
0x135: {  	[sflag:s0] =	ssyncadd.s32 @!p0 $0xFFFFEC00  }
0x136: {  	_ =	swait.ge @!p0 [sflag:s0], $0x1400  }
0x137: {  	[sflag:s0] =	ssyncset.done @!p0 $0x0  }
0x138: {  	s5 =	simm.s32 $0x0;
	[sflag:s0] =	ssyncadd.s32 @!p0 $0xFFFFEC00  }
.LBB2_9:
0x139: {  	s0 =	sshll.u32 s5, $0x7  }
0x13a: {  	s2 =	sadd.s32 $0x5C00, s0  }
0x13b: {  	s6 =	sadd.s32 $0x11000, s0;
	[dreg:$0xa] =	wrdreg s2  }
0x13c: {  	s7 =	sadd.s32 $0x12400, s0;
	[dreg:$0xb] =	wrdreg s6  }
0x13d: {  	s8 =	sadd.s32 $0x13800, s0;
	[dreg:$0xc] =	wrdreg s7  }
0x13e: {  	s9 =	sadd.s32 $0x14C00, s0;
	[dreg:$0xd] =	wrdreg s8  }
0x13f: {  	s10 =	sadd.s32 $0x16000, s0;
	[dreg:$0xe] =	wrdreg s9  }
0x140: {  	s1 =	simm.s32 $0x0;
	s11 =	sadd.s32 $0x17400, s0;
	[dreg:$0xf] =	wrdreg s10  }
0x141: {  	s12 =	sadd.s32 $0x18800, s0;
	s25 =	sand.u32 $0x60, s1;
	[dreg:$0x10] =	wrdreg s11  }
0x142: {  	s0 =	sadd.s32 $0x19C00, s0;
	s2 =	sand.u32 $0x1C00, s1;
	s3 =	rddreg [dreg:$0xa]  }
0x143: {  	[dreg:$0x11] =	wrdreg s12;
	s28 =	sor.u32 $0x10, s25;
	s3 =	sadd.s32 s2, s3  }
0x144: {  	[dreg:$0x12] =	wrdreg s0;
	s13 =	sadd.s32 s28, s3  }
0x145: {  	v1 =	vld [tilespmem:s13+$0x0];
	_ =	sdelay $0x3  }
0x146: {  	s14 =	sadd.s32 s25, s3  }
0x147: {  	v3 =	vld [tilespmem:s14+$0x0];
	_ =	sdelay $0x2  }
0x148: {  	v0 =	vld.idx.msk [tilespmem:v1+s4+$0x0], $0xffff  }
0x149: {  	v2 =	vadd.s32 $0x900, v1  }
0x14a: {  	s15 =	rddreg [dreg:$0xb]  }
0x14b: {  	s0 =	sadd.s32 s2, s15  }
0x14c: {  	s7 =	simm.s32 $0x100;
	s8 =	simm.s32 $0x20;
	s6 =	sadd.s32 s28, s0  }
0x14d: {  	s16 =	rddreg [dreg:$0xa];
	s26 =	sand.u32 $0x60, s8;
	s30 =	sand.u32 $0x1C00, s7;
	v4 =	vld.idx.msk [tilespmem:v3+s4+$0x0], $0xffff;
	[tilespmem:s6+$0x0] =	vst v0  }
0x14e: {  	s29 =	sor.u32 $0x10, s26;
	s3 =	sadd.s32 s30, s16;
	v0 =	vadd.s32 $0x900, v3;
	v2 =	vld.idx.msk [tilespmem:v2+s4+$0x0], $0xffff  }
0x14f: {  	s17 =	sadd.s32 s29, s3;
	v6 =	vadd.s32 $0x1200, v1  }
0x150: {  	v5 =	vld [tilespmem:s17+$0x0];
	s6 =	rddreg [dreg:$0xc]  }
0x151: {  	s0 =	sadd.s32 s25, s0;
	s3 =	sadd.s32 s26, s3;
	s6 =	sadd.s32 s2, s6  }
0x152: {  	[tilespmem:s0+$0x0] =	vst v4;
	v4 =	vld [tilespmem:s3+$0x0];
	s18 =	sadd.s32 s28, s6  }
0x153: {  	v0 =	vld.idx.msk [tilespmem:v0+s4+$0x0], $0xffff;
	[tilespmem:s18+$0x0] =	vst v2  }
0x154: {  	v2 =	vld.idx.msk [tilespmem:v6+s4+$0x0], $0xffff  }
0x155: {  	v6 =	vadd.s32 $0x1200, v3  }
0x156: {  	v7 =	vadd.s32 $0x1B00, v1;
	s0 =	rddreg [dreg:$0xd]  }
0x157: {  	s19 =	sadd.s32 s25, s6;
	s0 =	sadd.s32 s2, s0  }
0x158: {  	s20 =	sadd.s32 s28, s0;
	[tilespmem:s19+$0x0] =	vst v0;
	v0 =	vld.idx.msk [tilespmem:v5+s4+$0x0], $0xffff  }
0x159: {  	s23 =	simm.s32 $0x200;
	s9 =	simm.s32 $0x40;
	s21 =	rddreg [dreg:$0xb];
	[tilespmem:s20+$0x0] =	vst v2;
	v2 =	vadd.s32 $0x900, v5  }
0x15a: {  	s22 =	rddreg [dreg:$0xa];
	s15 =	sand.u32 $0x1C00, s23;
	s6 =	sand.u32 $0x60, s9;
	v6 =	vld.idx.msk [tilespmem:v6+s4+$0x0], $0xffff  }
0x15b: {  	s10 =	sadd.s32 s30, s21;
	s7 =	sadd.s32 s15, s22;
	s18 =	sor.u32 $0x10, s6;
	v7 =	vld.idx.msk [tilespmem:v7+s4+$0x0], $0xffff  }
0x15c: {  	s11 =	sadd.s32 s29, s10;
	v8 =	vadd.s32 $0x2400, v1;
	s24 =	sadd.s32 s18, s7;
	v9 =	vld.idx.msk [tilespmem:v4+s4+$0x0], $0xffff  }
0x15d: {  	v10 =	vadd.s32 $0x900, v4;
	s3 =	rddreg [dreg:$0xe];
	[tilespmem:s11+$0x0] =	vst v0;
	v0 =	vld [tilespmem:s24+$0x0]  }
0x15e: {  	s0 =	sadd.s32 s25, s0;
	s3 =	sadd.s32 s2, s3;
	v2 =	vld.idx.msk [tilespmem:v2+s4+$0x0], $0xffff  }
0x15f: {  	v11 =	vadd.s32 $0x1200, v5;
	s12 =	sadd.s32 s6, s7;
	s11 =	sadd.s32 s28, s3;
	[tilespmem:s0+$0x0] =	vst v6  }
0x160: {  	s14 =	sadd.s32 s26, s10;
	s1 =	rddreg [dreg:$0xc];
	v6 =	vld [tilespmem:s12+$0x0];
	[tilespmem:s11+$0x0] =	vst v7  }
0x161: {  	[tilespmem:s14+$0x0] =	vst v9;
	s16 =	sadd.s32 s30, s1;
	v7 =	vld.idx.msk [tilespmem:v8+s4+$0x0], $0xffff  }
0x162: {  	v9 =	vld.idx.msk [tilespmem:v10+s4+$0x0], $0xffff;
	s17 =	sadd.s32 s29, s16;
	v8 =	vadd.s32 $0x1B00, v3  }
0x163: {  	v10 =	vadd.s32 $0x2D00, v1;
	s13 =	rddreg [dreg:$0xf];
	[tilespmem:s17+$0x0] =	vst v2  }
0x164: {  	s9 =	sadd.s32 s2, s13;
	v2 =	vld.idx.msk [tilespmem:v11+s4+$0x0], $0xffff  }
0x165: {  	s20 =	sadd.s32 s28, s9;
	v11 =	vadd.s32 $0x1B00, v5  }
0x166: {  	s0 =	sadd.s32 s26, s16;
	s19 =	rddreg [dreg:$0xd];
	v13 =	vld.idx.msk [tilespmem:v0+s4+$0x0], $0xffff;
	[tilespmem:s20+$0x0] =	vst v7;
	v7 =	vadd.s32 $0x1200, v4  }
0x167: {  	s21 =	rddreg [dreg:$0xb];
	[tilespmem:s0+$0x0] =	vst v9;
	v9 =	vadd.s32 $0x900, v0;
	v8 =	vld.idx.msk [tilespmem:v8+s4+$0x0], $0xffff;
	s7 =	sadd.s32 s30, s19  }
0x168: {  	v12 =	vadd.s32 $0x2400, v3;
	s8 =	rddreg [dreg:$0x10];
	v10 =	vld.idx.msk [tilespmem:v10+s4+$0x0], $0xffff;
	s22 =	sadd.s32 s29, s7  }
0x169: {  	v15 =	vadd.s32 $0x3600, v1;
	v14 =	vld.idx.msk [tilespmem:v6+s4+$0x0], $0xffff;
	s10 =	sadd.s32 s2, s8;
	s8 =	sadd.s32 s15, s21;
	[tilespmem:s22+$0x0] =	vst v2  }
0x16a: {  	s23 =	simm.s32 $0x60;
	s11 =	sadd.s32 s18, s8;
	v2 =	vld.idx.msk [tilespmem:v11+s4+$0x0], $0xffff  }
0x16b: {  	s3 =	sadd.s32 s25, s3;
	s12 =	simm.s32 $0x300;
	s13 =	rddreg [dreg:$0xa];
	[tilespmem:s11+$0x0] =	vst v13;
	v7 =	vld.idx.msk [tilespmem:v7+s4+$0x0], $0xffff  }
0x16c: {  	s0 =	sand.u32 $0x60, s23;
	s21 =	sand.u32 $0x1C00, s12;
	s24 =	sadd.s32 s28, s10;
	[tilespmem:s3+$0x0] =	vst v8;
	v9 =	vld.idx.msk [tilespmem:v9+s4+$0x0], $0xffff  }
0x16d: {  	s20 =	sor.u32 $0x10, s0;
	s17 =	sadd.s32 s21, s13;
	v11 =	vld.idx.msk [tilespmem:v12+s4+$0x0], $0xffff;
	s1 =	rddreg [dreg:$0x11];
	v12 =	vadd.s32 $0x900, v6;
	[tilespmem:s24+$0x0] =	vst v10  }
0x16e: {  	s22 =	sadd.s32 s20, s17;
	s14 =	rddreg [dreg:$0xe];
	v8 =	vadd.s32 $0x2400, v5;
	v10 =	vld.idx.msk [tilespmem:v15+s4+$0x0], $0xffff  }
0x16f: {  	s8 =	sadd.s32 s6, s8;
	v13 =	vadd.s32 $0x1200, v0;
	s3 =	sadd.s32 s30, s14;
	v15 =	vadd.s32 $0x3F00, v1;
	v1 =	vld [tilespmem:s22+$0x0]  }
0x170: {  	s23 =	sadd.s32 s0, s17;
	s19 =	rddreg [dreg:$0xc];
	[tilespmem:s8+$0x0] =	vst v14;
	s16 =	sadd.s32 s29, s3  }
0x171: {  	s7 =	sadd.s32 s26, s7;
	v17 =	vld [tilespmem:s23+$0x0];
	s24 =	sadd.s32 s15, s19;
	[tilespmem:s16+$0x0] =	vst v2;
	v2 =	vadd.s32 $0x1B00, v4  }
0x172: {  	s8 =	sadd.s32 s2, s1;
	s14 =	sadd.s32 s18, s24;
	[tilespmem:s7+$0x0] =	vst v7;
	v12 =	vld.idx.msk [tilespmem:v12+s4+$0x0], $0xffff  }
0x173: {  	s16 =	sadd.s32 s28, s8;
	[tilespmem:s14+$0x0] =	vst v9;
	v7 =	vld.idx.msk [tilespmem:v8+s4+$0x0], $0xffff;
	v8 =	vadd.s32 $0x2D00, v3  }
0x174: {  	v14 =	vadd.s32 $0x2D00, v5;
	v9 =	vld.idx.msk [tilespmem:v13+s4+$0x0], $0xffff;
	[tilespmem:s16+$0x0] =	vst v10  }
0x175: {  	s9 =	sadd.s32 s25, s9;
	s1 =	rddreg [dreg:$0xf];
	v10 =	vld.idx.msk [tilespmem:v15+s4+$0x0], $0xffff  }
0x176: {  	s11 =	sadd.s32 s6, s24;
	v13 =	vadd.s32 $0x1200, v6;
	[tilespmem:s9+$0x0] =	vst v11;
	s7 =	sadd.s32 s30, s1;
	v2 =	vld.idx.msk [tilespmem:v2+s4+$0x0], $0xffff  }
0x177: {  	s12 =	rddreg [dreg:$0xd];
	v11 =	vadd.s32 $0x1B00, v0;
	s17 =	sadd.s32 s29, s7;
	[tilespmem:s11+$0x0] =	vst v12;
	v12 =	vld.idx.msk [tilespmem:v1+s4+$0x0], $0xffff  }
0x178: {  	s10 =	sadd.s32 s25, s10;
	s12 =	sadd.s32 s15, s12;
	[tilespmem:s17+$0x0] =	vst v7;
	v7 =	vld.idx.msk [tilespmem:v8+s4+$0x0], $0xffff;
	v8 =	vadd.s32 $0x2400, v4  }
0x179: {  	s23 =	simm.s32 $0x400;
	s22 =	rddreg [dreg:$0xb];
	v16 =	vadd.s32 $0x900, v1;
	s19 =	sadd.s32 s18, s12;
	v14 =	vld.idx.msk [tilespmem:v14+s4+$0x0], $0xffff  }
0x17a: {  	s3 =	sadd.s32 s26, s3;
	s13 =	sadd.s32 s21, s22;
	v15 =	vadd.s32 $0x3600, v5;
	[tilespmem:s19+$0x0] =	vst v9;
	v9 =	vld.idx.msk [tilespmem:v17+s4+$0x0], $0xffff;
	s17 =	rddreg [dreg:$0xa]  }
0x17b: {  	s23 =	sand.u32 $0x1C00, s23;
	s24 =	sadd.s32 s20, s13;
	s9 =	rddreg [dreg:$0x10];
	v13 =	vld.idx.msk [tilespmem:v13+s4+$0x0], $0xffff;
	[tilespmem:s3+$0x0] =	vst v2  }
0x17c: {  	v18 =	vadd.s32 $0x3600, v3;
	s1 =	simm.s32 $0x80;
	s11 =	rddreg [dreg:$0x12];
	v11 =	vld.idx.msk [tilespmem:v11+s4+$0x0], $0xffff;
	s9 =	sadd.s32 s30, s9;
	[tilespmem:s24+$0x0] =	vst v12  }
0x17d: {  	s22 =	sand.u32 $0x60, s1;
	s14 =	rddreg [dreg:$0xe];
	s19 =	sadd.s32 s29, s9;
	v8 =	vld.idx.msk [tilespmem:v8+s4+$0x0], $0xffff;
	[tilespmem:s10+$0x0] =	vst v7  }
0x17e: {  	v19 =	vadd.s32 $0x2400, v0;
	s3 =	sadd.s32 s23, s17;
	s31 =	rddreg [dreg:$0x11];
	s24 =	sor.u32 $0x10, s22;
	[tilespmem:s19+$0x0] =	vst v14;
	v7 =	vld.idx.msk [tilespmem:v16+s4+$0x0], $0xffff  }
0x17f: {  	s13 =	sadd.s32 s0, s13;
	s10 =	sadd.s32 s15, s14;
	v14 =	vadd.s32 $0x900, v17;
	s19 =	sadd.s32 s24, s3;
	v12 =	vld.idx.msk [tilespmem:v15+s4+$0x0], $0xffff  }
0x180: {  	s1 =	rddreg [dreg:$0xc];
	s16 =	sadd.s32 s18, s10;
	[tilespmem:s13+$0x0] =	vst v9;
	v9 =	vadd.s32 $0x1B00, v6;
	v2 =	vld [tilespmem:s19+$0x0]  }
0x181: {  	s12 =	sadd.s32 s6, s12;
	s3 =	sadd.s32 s22, s3;
	v16 =	vadd.s32 $0x2D00, v4;
	[tilespmem:s16+$0x0] =	vst v11;
	v11 =	vld.idx.msk [tilespmem:v18+s4+$0x0], $0xffff  }
0x182: {  	s2 =	sadd.s32 s2, s11;
	[tilespmem:s12+$0x0] =	vst v13;
	v13 =	vadd.s32 $0x1200, v1;
	v25 =	vld [tilespmem:s3+$0x0]  }
0x183: {  	v5 =	vadd.s32 $0x3F00, v5;
	s11 =	sadd.s32 s28, s2;
	v15 =	vld.idx.msk [tilespmem:v19+s4+$0x0], $0xffff  }
0x184: {  	v20 =	vadd.s32 $0x2D00, v0;
	s8 =	sadd.s32 s25, s8;
	s7 =	sadd.s32 s26, s7;
	[tilespmem:s11+$0x0] =	vst v10;
	s3 =	sadd.s32 s21, s1;
	v18 =	vld.idx.msk [tilespmem:v14+s4+$0x0], $0xffff  }
0x185: {  	s13 =	sadd.s32 s30, s31;
	s17 =	rddreg [dreg:$0xf];
	s1 =	sadd.s32 s20, s3;
	[tilespmem:s7+$0x0] =	vst v8;
	v30 =	vld.idx.msk [tilespmem:v9+s4+$0x0], $0xffff  }
0x186: {  	v28 =	vadd.s32 $0x1200, v17;
	v31 =	vadd.s32 $0x1B00, v1;
	s25 =	sadd.s32 s25, s2;
	s19 =	sadd.s32 s29, s13;
	s14 =	sadd.s32 s15, s17;
	[tilespmem:s1+$0x0] =	vst v7;
	v19 =	vld.idx.msk [tilespmem:v16+s4+$0x0], $0xffff  }
0x187: {  	v10 =	vadd.s32 $0x2D00, v6;
	v8 =	vadd.s32 $0x3600, v6;
	v7 =	vadd.s32 $0x3600, v4;
	s1 =	sadd.s32 s6, s10;
	s10 =	rddreg [dreg:$0xb];
	[tilespmem:s19+$0x0] =	vst v12;
	v27 =	vld.idx.msk [tilespmem:v13+s4+$0x0], $0xffff;
	s19 =	sadd.s32 s18, s14  }
0x188: {  	s2 =	sadd.s32 s26, s9;
	s31 =	simm.s32 $0x8;
	v14 =	vadd.s32 $0x2400, v6;
	v6 =	vadd.s32 $0x3F00, v6;
	v16 =	vadd.s32 $0x1B00, v17;
	s17 =	rddreg [dreg:$0xd];
	v23 =	vld.idx.msk [tilespmem:v5+s4+$0x0], $0xffff;
	[tilespmem:s19+$0x0] =	vst v15  }
0x189: {  	s28 =	sadd.s32 s26, s13;
	s3 =	sadd.s32 s0, s3;
	v9 =	vadd.s32 $0x3600, v17;
	[tilespmem:s8+$0x0] =	vst v11;
	v12 =	vadd.s32 $0x2400, v17;
	v11 =	vadd.s32 $0x2D00, v17;
	s16 =	rddreg [dreg:$0x12];
	v22 =	vld.idx.msk [tilespmem:v20+s4+$0x0], $0xffff  }
0x18a: {  	v21 =	vadd.s32 $0x900, v25;
	v13 =	vadd.s32 $0x2D00, v25;
	s8 =	simm.s32 $0x500;
	v29 =	vadd.s32 $0x900, v2;
	s13 =	sadd.s32 s21, s17;
	s12 =	sadd.s32 s30, s16;
	v26 =	vld.idx.msk [tilespmem:v2+s4+$0x0], $0xffff;
	[tilespmem:s3+$0x0] =	vst v18  }
0x18b: {  	v5 =	vadd.s32 $0x3F00, v3;
	v3 =	vadd.s32 $0x3F00, v4;
	v4 =	vadd.s32 $0x3F00, v17;
	s16 =	rddreg [dreg:$0x10];
	s19 =	sadd.s32 s20, s13;
	s11 =	sadd.s32 s0, s13;
	v24 =	vld.idx.msk [tilespmem:v25+s4+$0x0], $0xffff;
	[tilespmem:s1+$0x0] =	vst v30  }
0x18c: {  	v17 =	vadd.s32 $0x1B00, v25;
	v15 =	vadd.s32 $0x3F00, v25;
	v20 =	vadd.s32 $0x3600, v25;
	s30 =	simm.s32 $0xA0;
	s17 =	sadd.s32 s29, s12;
	s29 =	sadd.s32 s6, s14;
	[tilespmem:s19+$0x0] =	vst v27;
	v27 =	vld.idx.msk [tilespmem:v28+s4+$0x0], $0xffff  }
0x18d: {  	s26 =	sadd.s32 s26, s12;
	v18 =	vadd.s32 $0x1200, v25;
	s19 =	sadd.s32 s15, s16;
	[tilespmem:s17+$0x0] =	vst v23;
	v23 =	vadd.s32 $0x2400, v25;
	v25 =	vadd.s32 $0x3600, v0;
	s7 =	rddreg [dreg:$0xe];
	v28 =	vld.idx.msk [tilespmem:v31+s4+$0x0], $0xffff  }
.LBB2_10:
0x18e: {  	_ = 	snop  }
0x18f: {  	s3 =	rddreg [dreg:$0xa];
	s12 =	sadd.s32 s23, s10;
	v30 =	vld.idx.msk [tilespmem:v14+s4+$0x0], $0xffff;
	s13 =	sadd.s32 s18, s19;
	[tilespmem:s2+$0x0] =	vst v19  }
0x190: {  	s9 =	smov.u32 s0;
	s0 =	smov.u32 s22;
	s1 =	sadd.s32 s24, s12;
	[tilespmem:s13+$0x0] =	vst v22  }
0x191: {  	s10 =	smov.u32 s21;
	s22 =	sand.u32 $0x60, s30;
	s16 =	sand.u32 $0x1C00, s8;
	[tilespmem:s1+$0x0] =	vst v26;
	v22 =	vld.idx.msk [tilespmem:v7+s4+$0x0], $0xffff  }
0x192: {  	s17 =	sadd.s32 s16, s3;
	s3 =	sadd.s32 s10, s7;
	v19 =	vadd.s32 $0x2400, v1;
	s13 =	sor.u32 $0x10, s22;
	v7 =	vmovc v8;
	v8 =	vmov v9;
	v9 =	vmov v20;
	v20 =	vld.idx.msk [tilespmem:v25+s4+$0x0], $0xffff  }
0x193: {  	v14 =	vmov v12;
	v12 =	vmov v23;
	s14 =	rddreg [dreg:$0x11];
	s21 =	sadd.s32 s20, s3;
	v23 =	vld.idx.msk [tilespmem:v29+s4+$0x0], $0xffff;
	s7 =	sadd.s32 s13, s17;
	[tilespmem:s11+$0x0] =	vst v27  }
0x194: {  	s31 =	sadd.s32 $0x2, s31;
	s1 =	rddreg [dreg:$0xc];
	v25 =	vadd.s32 $0x3F00, v0;
	v0 =	vmov v1;
	v1 =	vmov v2;
	v2 =	vld [tilespmem:s7+$0x0];
	s7 =	sadd.s32 s0, s12;
	[tilespmem:s21+$0x0] =	vst v28  }
0x195: {  	s17 =	sadd.s32 s22, s17;
	s11 =	sadd.s32 s15, s14;
	v26 =	vld.idx.msk [tilespmem:v5+s4+$0x0], $0xffff;
	v27 =	vadd.s32 $0x1200, v1;
	s21 =	smov.u32 s23;
	[tilespmem:s7+$0x0] =	vst v24  }
0x196: {  	s8 =	sadd.s32 $0x100, s8;
	s23 =	sadd.s32 s18, s11;
	s1 =	sadd.s32 s21, s1;
	v24 =	vld [tilespmem:s17+$0x0];
	[tilespmem:s29+$0x0] =	vst v30  }
0x197: {  	s30 =	sadd.s32 $0x20, s30;
	v5 =	vmovc v3;
	v3 =	vmov v6;
	v6 =	vmov v4;
	v4 =	vmov v15;
	s14 =	sadd.s32 s0, s1;
	s1 =	sadd.s32 s24, s1;
	v15 =	vld.idx.msk [tilespmem:v19+s4+$0x0], $0xffff;
	[tilespmem:s23+$0x0] =	vst v20  }
0x198: {  	p0 =	slt.u32 s31, $0x22;
	s2 =	sadd.s32 s6, s19;
	s19 =	rddreg [dreg:$0xf];
	v29 =	vadd.s32 $0x2D00, v0;
	v28 =	vld.idx.msk [tilespmem:v21+s4+$0x0], $0xffff;
	[tilespmem:s1+$0x0] =	vst v23  }
0x199: {  	s12 =	sadd.s32 s9, s3;
	s3 =	sadd.s32 s6, s11;
	s7 =	sadd.s32 s10, s19;
	v30 =	vld.idx.msk [tilespmem:v25+s4+$0x0], $0xffff  }
0x19a: {  	s19 =	rddreg [dreg:$0xd];
	s1 =	smov.u32 s18;
	s18 =	smov.u32 s20;
	[tilespmem:s28+$0x0] =	vst v22;
	v31 =	vld.idx.msk [tilespmem:v27+s4+$0x0], $0xffff  }
0x19b: {  	s17 =	rddreg [dreg:$0x12];
	s29 =	sadd.s32 s9, s7;
	v32 =	vld.idx.msk [tilespmem:v16+s4+$0x0], $0xffff;
	s7 =	sadd.s32 s18, s7;
	[tilespmem:s25+$0x0] =	vst v26  }
0x19c: {  	v34 =	vadd.s32 $0x1B00, v1;
	s23 =	smov.u32 s16;
	s20 =	smov.u32 s24;
	s24 =	smov.u32 s13;
	v19 =	vld.idx.msk [tilespmem:v10+s4+$0x0], $0xffff;
	[tilespmem:s7+$0x0] =	vst v15  }
.Ltmp8:
0x19d: {  	s28 =	smov.u32 s3;
	s13 =	sadd.s32 s15, s17;
	v22 =	vld.idx.msk [tilespmem:v29+s4+$0x0], $0xffff;
	(pc) =	sbr.rel @p0 .LBB2_10-.Ltmp8, $4  }
0x19e: {  	s17 =	sadd.s32 s21, s19;
	s19 =	rddreg [dreg:$0x10];
	s1 =	sadd.s32 s1, s13;
	v21 =	vadd.s32 $0x900, v24;
	[tilespmem:s14+$0x0] =	vst v28;
	v26 =	vld.idx.msk [tilespmem:v2+s4+$0x0], $0xffff  }
0x19f: {  	s15 =	smov.u32 s10;
	s10 =	rddreg [dreg:$0xb];
	v16 =	vmovc v17;
	v33 =	vadd.s32 $0x1200, v24;
	v17 =	vadd.s32 $0x1B00, v24;
	v23 =	vadd.s32 $0x2400, v24;
	s7 =	sadd.s32 s20, s17;
	v27 =	vld.idx.msk [tilespmem:v18+s4+$0x0], $0xffff;
	[tilespmem:s1+$0x0] =	vst v30  }
0x1a0: {  	s25 =	smov.u32 s26;
	s11 =	sadd.s32 s0, s17;
	s26 =	sadd.s32 s6, s13;
	v10 =	vmovc v11;
	v11 =	vmovc v13;
	v13 =	vadd.s32 $0x2D00, v24;
	v20 =	vadd.s32 $0x3600, v24;
	v15 =	vadd.s32 $0x3F00, v24;
	v24 =	vld.idx.msk [tilespmem:v24+s4+$0x0], $0xffff;
	[tilespmem:s7+$0x0] =	vst v31  }
0x1a1: {  	v25 =	vadd.s32 $0x3600, v0;
	s6 =	smov.u32 s9;
	s19 =	sadd.s32 s15, s19;
	v29 =	vadd.s32 $0x900, v2;
	v18 =	vmov v33;
	s7 =	rddreg [dreg:$0xe];
	[tilespmem:s12+$0x0] =	vst v32;
	v28 =	vld.idx.msk [tilespmem:v34+s4+$0x0], $0xffff  }
0x1a2: {  	_ = 	snop  }
0x1a3: {  	s1 =	sadd.s32 s23, s10  }
0x1a4: {  	s3 =	sadd.s32 s24, s1  }
0x1a5: {  	[tilespmem:s3+$0x0] =	vst v26  }
0x1a6: {  	v26 =	vld.idx.msk [tilespmem:v29+s4+$0x0], $0xffff  }
0x1a7: {  	v45 =	vadd.s32 $0x1200, v2  }
0x1a8: {  	s3 =	rddreg [dreg:$0xc]  }
0x1a9: {  	s3 =	sadd.s32 s23, s3  }
0x1aa: {  	s10 =	sadd.s32 s24, s3  }
0x1ab: {  	s1 =	sadd.s32 s22, s1;
	[tilespmem:s10+$0x0] =	vst v26  }
0x1ac: {  	[tilespmem:s1+$0x0] =	vst v24;
	v46 =	vld.idx.msk [tilespmem:v45+s4+$0x0], $0xffff  }
0x1ad: {  	v47 =	vadd.s32 $0x1B00, v2;
	v21 =	vld.idx.msk [tilespmem:v21+s4+$0x0], $0xffff  }
0x1ae: {  	s1 =	rddreg [dreg:$0xd]  }
0x1af: {  	s1 =	sadd.s32 s23, s1  }
0x1b0: {  	s12 =	sadd.s32 s24, s1  }
0x1b1: {  	v48 =	vadd.s32 $0x2400, v1;
	s3 =	sadd.s32 s22, s3;
	[tilespmem:s12+$0x0] =	vst v46  }
0x1b2: {  	[tilespmem:s3+$0x0] =	vst v21;
	v24 =	vld.idx.msk [tilespmem:v47+s4+$0x0], $0xffff  }
0x1b3: {  	s7 =	sadd.s32 s21, s7;
	v49 =	vadd.s32 $0x2400, v2;
	v18 =	vld.idx.msk [tilespmem:v18+s4+$0x0], $0xffff  }
0x1b4: {  	s8 =	sadd.s32 s20, s7;
	s3 =	rddreg [dreg:$0xe]  }
0x1b5: {  	[tilespmem:s8+$0x0] =	vst v28;
	s3 =	sadd.s32 s23, s3  }
0x1b6: {  	[tilespmem:s11+$0x0] =	vst v27;
	v50 =	vld.idx.msk [tilespmem:v48+s4+$0x0], $0xffff;
	s13 =	sadd.s32 s24, s3  }
0x1b7: {  	v51 =	vadd.s32 $0x2D00, v1;
	v16 =	vld.idx.msk [tilespmem:v16+s4+$0x0], $0xffff;
	s1 =	sadd.s32 s22, s1;
	[tilespmem:s13+$0x0] =	vst v24  }
0x1b8: {  	s8 =	rddreg [dreg:$0xf];
	[tilespmem:s1+$0x0] =	vst v18;
	v24 =	vld.idx.msk [tilespmem:v49+s4+$0x0], $0xffff  }
0x1b9: {  	v52 =	vadd.s32 $0x2D00, v2;
	s9 =	sadd.s32 s18, s19;
	s14 =	rddreg [dreg:$0x11];
	[tilespmem:s2+$0x0] =	vst v19;
	s8 =	sadd.s32 s21, s8;
	v17 =	vld.idx.msk [tilespmem:v17+s4+$0x0], $0xffff  }
0x1ba: {  	v14 =	vld.idx.msk [tilespmem:v14+s4+$0x0], $0xffff;
	[tilespmem:s9+$0x0] =	vst v22;
	s16 =	sadd.s32 s20, s8;
	s1 =	rddreg [dreg:$0xf]  }
0x1bb: {  	s7 =	sadd.s32 s0, s7;
	v7 =	vld.idx.msk [tilespmem:v7+s4+$0x0], $0xffff;
	[tilespmem:s16+$0x0] =	vst v50;
	s1 =	sadd.s32 s23, s1  }
0x1bc: {  	s11 =	rddreg [dreg:$0x10];
	[tilespmem:s7+$0x0] =	vst v16;
	v18 =	vld.idx.msk [tilespmem:v51+s4+$0x0], $0xffff;
	s17 =	sadd.s32 s24, s1  }
0x1bd: {  	v53 =	vadd.s32 $0x3600, v1;
	v12 =	vld.idx.msk [tilespmem:v12+s4+$0x0], $0xffff;
	s3 =	sadd.s32 s22, s3;
	[tilespmem:s17+$0x0] =	vst v24  }
0x1be: {  	v54 =	vld.idx.msk [tilespmem:v52+s4+$0x0], $0xffff;
	s30 =	rddreg [dreg:$0x10];
	[tilespmem:s3+$0x0] =	vst v17  }
0x1bf: {  	v55 =	vadd.s32 $0x3600, v2;
	[tilespmem:s29+$0x0] =	vst v14;
	s10 =	sadd.s32 s21, s11;
	v56 =	vld.idx.msk [tilespmem:v23+s4+$0x0], $0xffff  }
0x1c0: {  	v22 =	vld.idx.msk [tilespmem:v25+s4+$0x0], $0xffff;
	[tilespmem:s28+$0x0] =	vst v7;
	s12 =	sadd.s32 s20, s10  }
0x1c1: {  	v10 =	vld.idx.msk [tilespmem:v10+s4+$0x0], $0xffff;
	s16 =	sadd.s32 s0, s8;
	s13 =	rddreg [dreg:$0x11];
	[tilespmem:s12+$0x0] =	vst v18;
	s7 =	sadd.s32 s23, s30  }
0x1c2: {  	s9 =	sadd.s32 s15, s14;
	[tilespmem:s16+$0x0] =	vst v12;
	v57 =	vld.idx.msk [tilespmem:v53+s4+$0x0], $0xffff;
	s14 =	sadd.s32 s24, s7  }
0x1c3: {  	v11 =	vld.idx.msk [tilespmem:v11+s4+$0x0], $0xffff;
	s1 =	sadd.s32 s22, s1;
	s12 =	rddreg [dreg:$0x11];
	[tilespmem:s14+$0x0] =	vst v54  }
0x1c4: {  	s31 =	sadd.s32 s18, s9;
	v58 =	vld.idx.msk [tilespmem:v55+s4+$0x0], $0xffff;
	[tilespmem:s1+$0x0] =	vst v56  }
0x1c5: {  	[tilespmem:s31+$0x0] =	vst v22;
	s29 =	sadd.s32 s21, s13;
	s17 =	sadd.s32 s6, s19;
	v13 =	vld.idx.msk [tilespmem:v13+s4+$0x0], $0xffff  }
0x1c6: {  	s19 =	rddreg [dreg:$0x12];
	[tilespmem:s17+$0x0] =	vst v10;
	s30 =	sadd.s32 s20, s29  }
0x1c7: {  	v0 =	vadd.s32 $0x3F00, v0;
	v5 =	vld.idx.msk [tilespmem:v5+s4+$0x0], $0xffff;
	s10 =	sadd.s32 s0, s10;
	s31 =	sadd.s32 s23, s12;
	[tilespmem:s30+$0x0] =	vst v57  }
0x1c8: {  	v59 =	vadd.s32 $0x3F00, v1;
	v8 =	vld.idx.msk [tilespmem:v8+s4+$0x0], $0xffff;
	s11 =	sadd.s32 s24, s31;
	s12 =	rddreg [dreg:$0x12];
	[tilespmem:s10+$0x0] =	vst v11  }
0x1c9: {  	s13 =	sadd.s32 s22, s7;
	v9 =	vld.idx.msk [tilespmem:v9+s4+$0x0], $0xffff;
	[tilespmem:s11+$0x0] =	vst v58  }
0x1ca: {  	v3 =	vld.idx.msk [tilespmem:v3+s4+$0x0], $0xffff;
	s14 =	rddreg [dreg:$0x12];
	[tilespmem:s13+$0x0] =	vst v13  }
0x1cb: {  	v60 =	vadd.s32 $0x3F00, v2;
	v61 =	vld.idx.msk [tilespmem:v20+s4+$0x0], $0xffff  }
0x1cc: {  	[tilespmem:s25+$0x0] =	vst v5;
	v0 =	vld.idx.msk [tilespmem:v0+s4+$0x0], $0xffff;
	s16 =	sadd.s32 s6, s9;
	s2 =	sadd.s32 s15, s19  }
0x1cd: {  	s17 =	sadd.s32 s18, s2;
	s18 =	sadd.s32 s0, s29;
	v1 =	vld.idx.msk [tilespmem:v59+s4+$0x0], $0xffff;
	[tilespmem:s16+$0x0] =	vst v8  }
0x1ce: {  	v62 =	vld.idx.msk [tilespmem:v6+s4+$0x0], $0xffff;
	[tilespmem:s18+$0x0] =	vst v9  }
0x1cf: {  	[tilespmem:s26+$0x0] =	vst v3;
	s19 =	sadd.s32 s22, s31;
	v4 =	vld.idx.msk [tilespmem:v4+s4+$0x0], $0xffff  }
0x1d0: {  	s5 =	sadd.s32 $0x1, s5;
	s25 =	sadd.s32 s21, s12;
	v2 =	vld.idx.msk [tilespmem:v60+s4+$0x0], $0xffff;
	[tilespmem:s19+$0x0] =	vst v61  }
0x1d1: {  	p0 =	sne.s32 s5, $0x8;
	[tilespmem:s17+$0x0] =	vst v0;
	s26 =	sadd.s32 s20, s25;
	v63 =	vld.idx.msk [tilespmem:v15+s4+$0x0], $0xffff  }
.Ltmp9:
0x1d2: {  	s2 =	sadd.s32 s6, s2;
	[tilespmem:s26+$0x0] =	vst v1;
	(pc) =	sbr.rel @p0 .LBB2_9-.Ltmp9, $4  }
0x1d3: {  	s30 =	sadd.s32 s0, s25;
	[tilespmem:s2+$0x0] =	vst v62;
	s28 =	sadd.s32 s23, s14  }
0x1d4: {  	s29 =	sadd.s32 s24, s28;
	[tilespmem:s30+$0x0] =	vst v4  }
0x1d5: {  	s31 =	sadd.s32 s22, s28;
	[tilespmem:s29+$0x0] =	vst v2  }
0x1d6: {  	[tilespmem:s31+$0x0] =	vst v63  }
0x1d7: {  	s5 =	sld [smem:$0x7FC];
	_ =	sdelay $0x1  }
0x1d8: {  	s0 =	rddreg [dreg:$0x15]  }
0x1d9: {  	s1 =	rddreg [dreg:$0x16];
	s0 =	sadd.s32 s0, s5  }
0x1da: {  	s2 =	rddreg [dreg:$0x2];
	s3 =	simm.s32 $0x11000;
	s0 =	smul.u32 $0x280, s0  }
0x1db: {  	s15 =	simm.s32 $0x12400;
	s16 =	rddreg [dreg:$0x17];
	s1 =	sadd.s32 s1, s5  }
0x1dc: {  	s17 =	rddreg [dreg:$0x18];
	s1 =	smul.u32 $0x280, s1;
	s0 =	sadd.s32 s2, s0  }
0x1dd: {  	[hbm4b:s0+s4] =	stream.linear.scatter [tilespmem:s3], [sflag:$0x5], $0x1400, $0x38;
	[tilespmem:$0x1B000] =	vst v63  }
0x1de: {  	s18 =	simm.s32 $0x13800;
	s20 =	simm.s32 $0x14C00;
	s0 =	sadd.s32 s16, s5  }
0x1df: {  	s14 =	sadd.s32 s2, s1;
	s1 =	sadd.s32 s17, s5;
	s0 =	smul.u32 $0x280, s0  }
0x1e0: {  	[hbm4b:s14+s4] =	stream.linear.scatter [tilespmem:s15], [sflag:$0x5], $0x1400, $0x38;
	[tilespmem:$0x1B000] =	vst v63  }
0x1e1: {  	s21 =	rddreg [dreg:$0x19];
	s1 =	smul.u32 $0x280, s1;
	s0 =	sadd.s32 s2, s0  }
0x1e2: {  	[hbm4b:s0+s4] =	stream.linear.scatter [tilespmem:s18], [sflag:$0x5], $0x1400, $0x38;
	[tilespmem:$0x1B000] =	vst v63  }
0x1e3: {  	s22 =	rddreg [dreg:$0x1a];
	s23 =	simm.s32 $0x16000;
	s0 =	sadd.s32 s21, s5  }
0x1e4: {  	s19 =	sadd.s32 s2, s1;
	s1 =	sadd.s32 s22, s5;
	s0 =	smul.u32 $0x280, s0  }
0x1e5: {  	[hbm4b:s19+s4] =	stream.linear.scatter [tilespmem:s20], [sflag:$0x5], $0x1400, $0x38;
	[tilespmem:$0x1B000] =	vst v63  }
0x1e6: {  	s26 =	rddreg [dreg:$0x1b];
	s1 =	smul.u32 $0x280, s1;
	s0 =	sadd.s32 s2, s0  }
0x1e7: {  	[hbm4b:s0+s4] =	stream.linear.scatter [tilespmem:s23], [sflag:$0x5], $0x1400, $0x38;
	[tilespmem:$0x1B000] =	vst v63  }
0x1e8: {  	s25 =	simm.s32 $0x17400;
	s0 =	sadd.s32 s26, s5  }
0x1e9: {  	s28 =	rddreg [dreg:$0x1c];
	s24 =	sadd.s32 s2, s1;
	s0 =	smul.u32 $0x280, s0  }
0x1ea: {  	[hbm4b:s24+s4] =	stream.linear.scatter [tilespmem:s25], [sflag:$0x5], $0x1400, $0x38;
	[tilespmem:$0x1B000] =	vst v63  }
.Ltmp10:
0x1eb: {  	s1 =	sadd.s32 s28, s5;
	(pc) =	sbr.rel .LBB2_13-.Ltmp10, $4  }
0x1ec: {  	s29 =	simm.s32 $0x18800;
	s1 =	smul.u32 $0x280, s1;
	s0 =	sadd.s32 s2, s0  }
0x1ed: {  	[hbm4b:s0+s4] =	stream.linear.scatter [tilespmem:s29], [sflag:$0x5], $0x1400, $0x38;
	[tilespmem:$0x1B000] =	vst v63  }
0x1ee: {  	s31 =	simm.s32 $0x19C00;
	s30 =	sadd.s32 s2, s1  }
0x1ef: {  	[hbm4b:s30+s4] =	stream.linear.scatter [tilespmem:s31], [sflag:$0x5], $0x1400, $0x38;
	[tilespmem:$0x1B000] =	vst v63  }
.LBB2_15:
0x1f0: {  	_ =	sfence.sel $0x180000  }
0x1f1: {  	[bflag:$0x0] =	sbarrier.arrive $0xFFFF  }
0x1f2: {  	_ =	strace $0x90000047  }
0x1f3: {  	s0 =	stileid.u32;
	[bflag:$0x2] =	sbarrier.arrive $0xFFFF  }
0x1f4: {  	p0 =	sne.s32 s0, $0x0;
	s0 =	rddreg [dreg:$0x3]  }
0x1f5: {  	s0 =	sadd.s32 @!p0 $0x100000, s0  }
0x1f6: {  	[sflag:s0] =	ssyncadd.tile.s32 @!p0 $0x1;
	_ =	shalt  }
.Lfunc_end2:
_tile_overlayer_lowered:
.L_overlay_start_2:
0x1f7: {  	(tag) =	ssettag $0x2  }
0x1f8: {  	s0 =	rddreg [dreg:$0x0];
	s2 =	stileid.u32  }
0x1f9: {  	s1 =	rddreg [dreg:$0x1];
	p0 =	sne.s32 s2, $0x0  }
0x1fa: {  	s3 =	rddreg [dreg:$0x2];
	[bflag:$0x3] =	sbarrier.arrive $0xFFFF;
	s2 =	simm.s32 @!p0 $0x1C06  }
0x1fb: {  	[timem:s3], [sflag:s2] =	dma.local @!p0 [hbm:s0], s1  }
0x1fc: {  	s0 =	simm.s32 @!p0 $0x6  }
0x1fd: {  	_ =	swait.ge @!p0 [sflag:s0], s1  }
0x1fe: {  	s1 =	ssub.s32 @!p0 $0x0, s1;
	[sflag:s0] =	ssyncset.done @!p0 $0x0  }
0x1ff: {  	[sflag:s0] =	ssyncadd.s32 @!p0 s1  }
0x200: {  	[bflag:$0x3] =	sbarrier.arrive $0xFFFF  }
0x201: {  	_ =	shalt  }

</sc_bundles>
